<compile_context>
chip_gen: v7x
topology: tpu7x:2x2x1
jax: 0.10.2.dev20260603
libtpu: 0.0.44.dev20260713+nightly
codegen_flags: <defaults>
</compile_context>

<pallas_src>
import functools

import jax
import jax.numpy as jnp
from jax import lax
from jax.experimental import pallas as pl
from jax.experimental.pallas import tpu as pltpu
from jax.experimental.pallas import tpu_sc as plsc

_N, _K, _D = 10000, 32, 128
_BN = 80
_NB = _N // _BN
_NC, _NS = 2, 16
_NW = _NC * _NS


_MAXB = (_NB + _NW - 1) // _NW
_KSP = 20


def _gather_sum_kernel(table_hbm, adjb_hbm, out_sp, out_hb, tbl_sh,
                       idx0, idx1, idx2, idx3, acc_s, acc_h, sem_s, sem_h):
    sid = lax.axis_index("s")
    wid = sid * _NC + lax.axis_index("c")
    nblk = (_NB - wid + _NW - 1) // _NW
    idxs = (idx0, idx1, idx2, idx3)

    @pl.when(sid < _NS - 1)
    def _():
        pltpu.sync_copy(table_hbm.at[pl.ds(sid * 624, 624)],
                        tbl_sh.at[pl.ds(sid * 624, 624)])

    @pl.when(sid == _NS - 1)
    def _():
        tail = _N - 624 * (_NS - 1)
        pltpu.sync_copy(table_hbm.at[pl.ds(624 * (_NS - 1), tail)],
                        tbl_sh.at[pl.ds(624 * (_NS - 1), tail)])

    for t in range(_MAXB):
        @pl.when(t < nblk)
        def _(t=t):
            pltpu.sync_copy(adjb_hbm.at[wid + t * _NW], idxs[t])

    plsc.subcore_barrier()

    for t in range(_MAXB):
        @pl.when(t < nblk)
        def _(t=t):
            zero = jnp.zeros((16,), jnp.float32)

            def zrow(r, c):
                for j in range(_D // 16):
                    acc_s[r, pl.ds(j * 16, 16)] = zero
                    acc_h[r, pl.ds(j * 16, 16)] = zero
                return c

            lax.fori_loop(0, _BN, zrow, 0)

            def fire(k, c):
                @pl.when(k < _KSP)
                def _():
                    pltpu.async_copy(tbl_sh.at[idxs[t].at[k]], acc_s, sem_s,
                                     add=True)

                @pl.when(k >= _KSP)
                def _():
                    pltpu.async_copy(table_hbm.at[idxs[t].at[k]], acc_h, sem_h,
                                     add=True)

                return c

            lax.fori_loop(0, _K, fire, 0)

            def drain_s(k, c):
                pltpu.make_async_copy(table_hbm.at[pl.ds(0, _BN)],
                                      acc_s, sem_s).wait()
                return c

            def drain_h(k, c):
                pltpu.make_async_copy(table_hbm.at[pl.ds(0, _BN)],
                                      acc_h, sem_h).wait()
                return c

            lax.fori_loop(0, _KSP, drain_s, 0)
            lax.fori_loop(0, _K - _KSP, drain_h, 0)
            b = wid + t * _NW
            pltpu.sync_copy(acc_s, out_sp.at[pl.ds(b * _BN, _BN)])
            pltpu.sync_copy(acc_h, out_hb.at[pl.ds(b * _BN, _BN)])


@functools.cache
def _build_gather_sum():
    return pl.kernel(
        _gather_sum_kernel,
        out_type=(jax.ShapeDtypeStruct((_N, _D), jnp.float32),
                  jax.ShapeDtypeStruct((_N, _D), jnp.float32)),
        mesh=plsc.VectorSubcoreMesh(
            core_axis_name="c", subcore_axis_name="s",
            num_cores=_NC, num_subcores=_NS),
        scratch_types=[
            pltpu.VMEM_SHARED((_N, _D), jnp.float32),
            pltpu.VMEM((_K, _BN), jnp.int32),
            pltpu.VMEM((_K, _BN), jnp.int32),
            pltpu.VMEM((_K, _BN), jnp.int32),
            pltpu.VMEM((_K, _BN), jnp.int32),
            pltpu.VMEM((_BN, _D), jnp.float32),
            pltpu.VMEM((_BN, _D), jnp.float32),
            pltpu.SemaphoreType.DMA,
            pltpu.SemaphoreType.DMA,
        ],
    )


def _dense(x, s2parts, wx, wa, b, *, final):
    bm = 2000
    grid = (_N // bm,)
    ssp, shb = s2parts

    def body(x_ref, ssp_ref, shb_ref, wx_ref, wa_ref, b_ref, o_ref):
        xb = x_ref[...].astype(jnp.bfloat16)
        sb = (ssp_ref[...] + shb_ref[...]).astype(jnp.bfloat16)
        z = jnp.dot(xb, wx_ref[...].astype(jnp.bfloat16),
                    preferred_element_type=jnp.float32)
        z = z + jnp.dot(sb, wa_ref[...].astype(jnp.bfloat16),
                        preferred_element_type=jnp.float32)
        z = z + b_ref[...]
        if final:
            m = jnp.max(z, axis=1, keepdims=True)
            e = jnp.exp(z - m)
            o_ref[...] = z - m - jnp.log(jnp.sum(e, axis=1, keepdims=True))
        else:
            o_ref[...] = jnp.maximum(z, 0.0)

    d = x.shape[1]
    h = wx.shape[1]
    return pl.pallas_call(
        body,
        grid=grid,
        in_specs=[
            pl.BlockSpec((bm, d), lambda i: (i, 0)),
            pl.BlockSpec((bm, d), lambda i: (i, 0)),
            pl.BlockSpec((bm, d), lambda i: (i, 0)),
            pl.BlockSpec((d, h), lambda i: (0, 0)),
            pl.BlockSpec((d, h), lambda i: (0, 0)),
            pl.BlockSpec((1, h), lambda i: (0, 0)),
        ],
        out_specs=pl.BlockSpec((bm, h), lambda i: (i, 0)),
        out_shape=jax.ShapeDtypeStruct((_N, h), jnp.float32),
    )(x, ssp, shb, wx, wa, b)


def kernel(x, adj, W1, b1, W2, b2):
    adjb = adj.reshape(_NB, _BN, _K).transpose(0, 2, 1)
    d = x.shape[1]
    wx1, wa1 = W1[:, :d].T, W1[:, d:].T / _K
    h = W1.shape[0]
    wx2, wa2 = W2[:, :h].T, W2[:, h:].T / _K

    gather_sum = _build_gather_sum()
    s1 = gather_sum(x, adjb)
    h1 = _dense(x, s1, wx1, wa1, b1.reshape(1, -1), final=False)
    s2 = gather_sum(h1, adjb)
    return _dense(h1, s2, wx2, wa2, b2.reshape(1, -1), final=True)

# --- scband reference (transcript-rebuilt; emitter-appended) ---
"""Pipeline reference for scband-graph-sage-nnv1-28913719837490 (READ-ONLY COPY).

The authoritative reference and input builder live on the scoring server;
editing this copy changes nothing except your own understanding.
"""

import jax, jax.numpy as jnp
import numpy as np

N = 10000
K = 32
D = 128
H = 128
O = 128


def setup_inputs(seed: int = 0) -> dict:
    key = jax.random.key(seed)
    k1, k2, k3, k4, k5, k6 = jax.random.split(key, 6)
    x = jax.random.normal(k1, (N, D), dtype=jnp.float32)
    # adj[node] is a fixed-width neighbor list (sampled neighbors, GraphSAGE-style)
    adj = jax.random.randint(k2, (N, K), 0, N, dtype=jnp.int32)
    # Linear(input_dim*2 -> hidden_dim) params, torch default uniform init
    s1 = 1.0 / np.sqrt(2 * D)
    W1 = jax.random.uniform(k3, (H, 2 * D), minval=-s1, maxval=s1, dtype=jnp.float32)
    b1 = jax.random.uniform(k4, (H,), minval=-s1, maxval=s1, dtype=jnp.float32)
    s2 = 1.0 / np.sqrt(2 * H)
    W2 = jax.random.uniform(k5, (O, 2 * H), minval=-s2, maxval=s2, dtype=jnp.float32)
    b2 = jax.random.uniform(k6, (O,), minval=-s2, maxval=s2, dtype=jnp.float32)
    return {"x": x, "adj": adj, "W1": W1, "b1": b1, "W2": W2, "b2": b2}


def _sage_layer(x, adj, W, b):
    # gather neighbor features: [N, K, D], mean-pool over neighbors (pool_func=torch.mean)
    agg = jnp.mean(jnp.take(x, adj, axis=0), axis=1)
    y = jnp.concatenate([x, agg], axis=1)
    return y @ W.T + b


def reference(x, adj, W1, b1, W2, b2):
    h = _sage_layer(x, adj, W1, b1)
    h = jax.nn.relu(h)
    # dropout is identity in eval mode (training=False)
    out = _sage_layer(h, adj, W2, b2)
    return jax.nn.log_softmax(out, axis=1)

if __name__ == "__main__":
    import jax
    _d = setup_inputs()
    print(jax.jit(kernel)(*tuple(_d.values())))

</pallas_src>

<mosaic_0001>
#map = affine_map<(d0, d1) -> (0, 0)>
#map1 = affine_map<(d0, d1) -> (0, 0, 0)>
module attributes {stable_mosaic.version = 14 : i64} {
  func.func @_gather_sum_kernel(%arg0: i32, %arg1: i32, %arg2: memref<10000x128xf32, #tpu.memory_space<hbm>>, %arg3: memref<125x32x80xi32, #tpu.memory_space<hbm>>, %arg4: memref<10000x128xf32, #tpu.memory_space<hbm>>, %arg5: memref<10000x128xf32, #tpu.memory_space<hbm>>, %arg6: memref<10000x128xf32, #tpu.memory_space<vmem_shared>>, %arg7: memref<32x80xi32, #tpu.memory_space<vmem>>, %arg8: memref<32x80xi32, #tpu.memory_space<vmem>>, %arg9: memref<32x80xi32, #tpu.memory_space<vmem>>, %arg10: memref<32x80xi32, #tpu.memory_space<vmem>>, %arg11: memref<80x128xf32, #tpu.memory_space<vmem>>, %arg12: memref<80x128xf32, #tpu.memory_space<vmem>>, %arg13: memref<!tpu.dma_semaphore, #tpu.memory_space<semaphore_mem>>, %arg14: memref<!tpu.dma_semaphore, #tpu.memory_space<semaphore_mem>>) attributes {dimension_semantics = [#tpu.dimension_semantics<core_parallel>, #tpu.dimension_semantics<subcore_parallel>], iteration_bounds = array<i64: 2, 16>, scalar_prefetch = 0 : i64, scratch_operands = 9 : i64, tpu.core_type = #tpu.core_type<sc_vector_subcore>, window_params = [{transform_indices = #map}, {transform_indices = #map1}, {transform_indices = #map}, {transform_indices = #map}]} {
    %mul3A = arith.constant 2 : i32
    %mul3A_0 = arith.muli %arg1, %mul3A : i32
    %add3A = arith.addi %mul3A_0, %arg0 : i32
    %sub3A = arith.constant 125 : i32
    %sub3A_1 = arith.subi %sub3A, %add3A : i32
    %add3A_2 = arith.constant 32 : i32
    %add3A_3 = arith.addi %sub3A_1, %add3A_2 : i32
    %sub3A_4 = arith.constant 1 : i32
    %sub3A_5 = arith.subi %add3A_3, %sub3A_4 : i32
    %jit3A = arith.constant 32 : i32
    %div3A = arith.divsi %sub3A_5, %jit3A : i32
    %sign3A = arith.constant 0 : i32
    %sign3A_6 = arith.cmpi sgt, %sub3A_5, %sign3A : i32
    %sign3A_7 = arith.extui %sign3A_6 : i1 to i32
    %sign3A_8 = arith.constant 0 : i32
    %sign3A_9 = arith.cmpi slt, %sub3A_5, %sign3A_8 : i32
    %sign3A_10 = arith.extui %sign3A_9 : i1 to i32
    %sign3A_11 = arith.subi %sign3A_7, %sign3A_10 : i32
    %sign3A_12 = arith.constant 0 : i32
    %sign3A_13 = arith.cmpi sgt, %jit3A, %sign3A_12 : i32
    %sign3A_14 = arith.extui %sign3A_13 : i1 to i32
    %sign3A_15 = arith.constant 0 : i32
    %sign3A_16 = arith.cmpi slt, %jit3A, %sign3A_15 : i32
    %sign3A_17 = arith.extui %sign3A_16 : i1 to i32
    %sign3A_18 = arith.subi %sign3A_14, %sign3A_17 : i32
    %ne3A = arith.cmpi ne, %sign3A_11, %sign3A_18 : i32
    %rem3A = arith.remsi %sub3A_5, %jit3A : i32
    %ne3A_19 = arith.constant 0 : i32
    %ne3A_20 = arith.cmpi ne, %rem3A, %ne3A_19 : i32
    %and3A = arith.andi %ne3A, %ne3A_20 : i1
    %sub3A_21 = arith.constant 1 : i32
    %sub3A_22 = arith.subi %div3A, %sub3A_21 : i32
    %select_n3A = arith.select %and3A, %sub3A_22, %div3A : i32
    %lt3A = arith.constant 15 : i32
    %lt3A_23 = arith.cmpi slt, %arg1, %lt3A : i32
    %convert_element_type3A = arith.extui %lt3A_23 : i1 to i32
    %cond3A = arith.constant 0 : i32
    %cond3A_24 = arith.cmpi ne, %convert_element_type3A, %cond3A : i32
    scf.if %cond3A_24 {
      %mul3A_68 = arith.constant 624 : i32
      %mul3A_69 = arith.muli %arg1, %mul3A_68 : i32
      %mul3A_70 = arith.constant 624 : i32
      %mul3A_71 = arith.muli %arg1, %mul3A_70 : i32
      "tpu.region"() ({
        %run_scoped3A = tpu.sem_alloc : memref<!tpu.dma_semaphore, #tpu.memory_space<semaphore_mem>>
        %dma_start3A = arith.constant 0 : i32
        %dma_start3A_72 = tpu.memref_slice %arg6[%mul3A_71, %dma_start3A] : memref<10000x128xf32, #tpu.memory_space<vmem_shared>> -> memref<624x128xf32, #tpu.memory_space<vmem_shared>>
        %dma_start3A_73 = arith.constant 0 : i32
        %dma_start3A_74 = tpu.memref_slice %arg2[%mul3A_69, %dma_start3A_73] : memref<10000x128xf32, #tpu.memory_space<hbm>> -> memref<624x128xf32, #tpu.memory_space<hbm>>
        tpu.enqueue_dma source(%dma_start3A_74 : memref<624x128xf32, #tpu.memory_space<hbm>>) target(%dma_start3A_72 : memref<624x128xf32, #tpu.memory_space<vmem_shared>>) target_semaphore(%run_scoped3A : memref<!tpu.dma_semaphore, #tpu.memory_space<semaphore_mem>>)
        %dma_wait3A = arith.constant 0 : i32
        %dma_wait3A_75 = tpu.memref_slice %arg6[%mul3A_71, %dma_wait3A] : memref<10000x128xf32, #tpu.memory_space<vmem_shared>> -> memref<624x128xf32, #tpu.memory_space<vmem_shared>>
        %dma_wait3A_76 = arith.constant 0 : i32
        %dma_wait3A_77 = tpu.memref_slice %arg2[%mul3A_69, %dma_wait3A_76] : memref<10000x128xf32, #tpu.memory_space<hbm>> -> memref<624x128xf32, #tpu.memory_space<hbm>>
        tpu.wait_dma2 semaphore(%run_scoped3A : memref<!tpu.dma_semaphore, #tpu.memory_space<semaphore_mem>>) src(%dma_wait3A_77 : memref<624x128xf32, #tpu.memory_space<hbm>>) dst(%dma_wait3A_75 : memref<624x128xf32, #tpu.memory_space<vmem_shared>>)
        tpu.yield
      }) : () -> ()
    } else {
    }
    %eq3A = arith.constant 15 : i32
    %eq3A_25 = arith.cmpi eq, %arg1, %eq3A : i32
    %convert_element_type3A_26 = arith.extui %eq3A_25 : i1 to i32
    %cond3A_27 = arith.constant 0 : i32
    %cond3A_28 = arith.cmpi ne, %convert_element_type3A_26, %cond3A_27 : i32
    scf.if %cond3A_28 {
      "tpu.region"() ({
        %run_scoped3A = tpu.sem_alloc : memref<!tpu.dma_semaphore, #tpu.memory_space<semaphore_mem>>
        %dma_start3A = arith.constant 9360 : i32
        %dma_start3A_68 = arith.constant 0 : i32
        %dma_start3A_69 = tpu.memref_slice %arg6[%dma_start3A, %dma_start3A_68] : memref<10000x128xf32, #tpu.memory_space<vmem_shared>> -> memref<640x128xf32, #tpu.memory_space<vmem_shared>>
        %dma_start3A_70 = arith.constant 9360 : i32
        %dma_start3A_71 = arith.constant 0 : i32
        %dma_start3A_72 = tpu.memref_slice %arg2[%dma_start3A_70, %dma_start3A_71] : memref<10000x128xf32, #tpu.memory_space<hbm>> -> memref<640x128xf32, #tpu.memory_space<hbm>>
        tpu.enqueue_dma source(%dma_start3A_72 : memref<640x128xf32, #tpu.memory_space<hbm>>) target(%dma_start3A_69 : memref<640x128xf32, #tpu.memory_space<vmem_shared>>) target_semaphore(%run_scoped3A : memref<!tpu.dma_semaphore, #tpu.memory_space<semaphore_mem>>)
        %dma_wait3A = arith.constant 9360 : i32
        %dma_wait3A_73 = arith.constant 0 : i32
        %dma_wait3A_74 = tpu.memref_slice %arg6[%dma_wait3A, %dma_wait3A_73] : memref<10000x128xf32, #tpu.memory_space<vmem_shared>> -> memref<640x128xf32, #tpu.memory_space<vmem_shared>>
        %dma_wait3A_75 = arith.constant 9360 : i32
        %dma_wait3A_76 = arith.constant 0 : i32
        %dma_wait3A_77 = tpu.memref_slice %arg2[%dma_wait3A_75, %dma_wait3A_76] : memref<10000x128xf32, #tpu.memory_space<hbm>> -> memref<640x128xf32, #tpu.memory_space<hbm>>
        tpu.wait_dma2 semaphore(%run_scoped3A : memref<!tpu.dma_semaphore, #tpu.memory_space<semaphore_mem>>) src(%dma_wait3A_77 : memref<640x128xf32, #tpu.memory_space<hbm>>) dst(%dma_wait3A_74 : memref<640x128xf32, #tpu.memory_space<vmem_shared>>)
        tpu.yield
      }) : () -> ()
    } else {
    }
    %gt3A = arith.constant 0 : i32
    %gt3A_29 = arith.cmpi sgt, %select_n3A, %gt3A : i32
    %convert_element_type3A_30 = arith.extui %gt3A_29 : i1 to i32
    %cond3A_31 = arith.constant 0 : i32
    %cond3A_32 = arith.cmpi ne, %convert_element_type3A_30, %cond3A_31 : i32
    scf.if %cond3A_32 {
      %add3A_68 = arith.constant 0 : i32
      %add3A_69 = arith.addi %add3A, %add3A_68 : i32
      "tpu.region"() ({
        %run_scoped3A = tpu.sem_alloc : memref<!tpu.dma_semaphore, #tpu.memory_space<semaphore_mem>>
        %dma_start3A = arith.constant 0 : i32
        %dma_start3A_70 = arith.constant 0 : i32
        %dma_start3A_71 = tpu.memref_slice %arg3[%add3A_69, %dma_start3A, %dma_start3A_70] : memref<125x32x80xi32, #tpu.memory_space<hbm>> -> memref<1x32x80xi32, #tpu.memory_space<hbm>>
        %dma_start3A_72 = tpu.memref_squeeze %dma_start3A_71 : memref<1x32x80xi32, #tpu.memory_space<hbm>> -> memref<32x80xi32, #tpu.memory_space<hbm>>
        %dma_start3A_73 = arith.constant 0 : i32
        %dma_start3A_74 = arith.constant 0 : i32
        %dma_start3A_75 = tpu.memref_slice %arg3[%add3A_69, %dma_start3A_73, %dma_start3A_74] : memref<125x32x80xi32, #tpu.memory_space<hbm>> -> memref<1x32x80xi32, #tpu.memory_space<hbm>>
        %dma_start3A_76 = tpu.memref_squeeze %dma_start3A_75 : memref<1x32x80xi32, #tpu.memory_space<hbm>> -> memref<32x80xi32, #tpu.memory_space<hbm>>
        tpu.enqueue_dma source(%dma_start3A_76 : memref<32x80xi32, #tpu.memory_space<hbm>>) target(%arg7 : memref<32x80xi32, #tpu.memory_space<vmem>>) target_semaphore(%run_scoped3A : memref<!tpu.dma_semaphore, #tpu.memory_space<semaphore_mem>>)
        %dma_wait3A = arith.constant 0 : i32
        %dma_wait3A_77 = arith.constant 0 : i32
        %dma_wait3A_78 = tpu.memref_slice %arg3[%add3A_69, %dma_wait3A, %dma_wait3A_77] : memref<125x32x80xi32, #tpu.memory_space<hbm>> -> memref<1x32x80xi32, #tpu.memory_space<hbm>>
        %dma_wait3A_79 = tpu.memref_squeeze %dma_wait3A_78 : memref<1x32x80xi32, #tpu.memory_space<hbm>> -> memref<32x80xi32, #tpu.memory_space<hbm>>
        %dma_wait3A_80 = arith.constant 0 : i32
        %dma_wait3A_81 = arith.constant 0 : i32
        %dma_wait3A_82 = tpu.memref_slice %arg3[%add3A_69, %dma_wait3A_80, %dma_wait3A_81] : memref<125x32x80xi32, #tpu.memory_space<hbm>> -> memref<1x32x80xi32, #tpu.memory_space<hbm>>
        %dma_wait3A_83 = tpu.memref_squeeze %dma_wait3A_82 : memref<1x32x80xi32, #tpu.memory_space<hbm>> -> memref<32x80xi32, #tpu.memory_space<hbm>>
        tpu.wait_dma2 semaphore(%run_scoped3A : memref<!tpu.dma_semaphore, #tpu.memory_space<semaphore_mem>>) src(%dma_wait3A_83 : memref<32x80xi32, #tpu.memory_space<hbm>>) dst(%arg7 : memref<32x80xi32, #tpu.memory_space<vmem>>)
        tpu.yield
      }) : () -> ()
    } else {
    }
    %gt3A_33 = arith.constant 1 : i32
    %gt3A_34 = arith.cmpi sgt, %select_n3A, %gt3A_33 : i32
    %convert_element_type3A_35 = arith.extui %gt3A_34 : i1 to i32
    %cond3A_36 = arith.constant 0 : i32
    %cond3A_37 = arith.cmpi ne, %convert_element_type3A_35, %cond3A_36 : i32
    scf.if %cond3A_37 {
      %add3A_68 = arith.constant 32 : i32
      %add3A_69 = arith.addi %add3A, %add3A_68 : i32
      "tpu.region"() ({
        %run_scoped3A = tpu.sem_alloc : memref<!tpu.dma_semaphore, #tpu.memory_space<semaphore_mem>>
        %dma_start3A = arith.constant 0 : i32
        %dma_start3A_70 = arith.constant 0 : i32
        %dma_start3A_71 = tpu.memref_slice %arg3[%add3A_69, %dma_start3A, %dma_start3A_70] : memref<125x32x80xi32, #tpu.memory_space<hbm>> -> memref<1x32x80xi32, #tpu.memory_space<hbm>>
        %dma_start3A_72 = tpu.memref_squeeze %dma_start3A_71 : memref<1x32x80xi32, #tpu.memory_space<hbm>> -> memref<32x80xi32, #tpu.memory_space<hbm>>
        %dma_start3A_73 = arith.constant 0 : i32
        %dma_start3A_74 = arith.constant 0 : i32
        %dma_start3A_75 = tpu.memref_slice %arg3[%add3A_69, %dma_start3A_73, %dma_start3A_74] : memref<125x32x80xi32, #tpu.memory_space<hbm>> -> memref<1x32x80xi32, #tpu.memory_space<hbm>>
        %dma_start3A_76 = tpu.memref_squeeze %dma_start3A_75 : memref<1x32x80xi32, #tpu.memory_space<hbm>> -> memref<32x80xi32, #tpu.memory_space<hbm>>
        tpu.enqueue_dma source(%dma_start3A_76 : memref<32x80xi32, #tpu.memory_space<hbm>>) target(%arg8 : memref<32x80xi32, #tpu.memory_space<vmem>>) target_semaphore(%run_scoped3A : memref<!tpu.dma_semaphore, #tpu.memory_space<semaphore_mem>>)
        %dma_wait3A = arith.constant 0 : i32
        %dma_wait3A_77 = arith.constant 0 : i32
        %dma_wait3A_78 = tpu.memref_slice %arg3[%add3A_69, %dma_wait3A, %dma_wait3A_77] : memref<125x32x80xi32, #tpu.memory_space<hbm>> -> memref<1x32x80xi32, #tpu.memory_space<hbm>>
        %dma_wait3A_79 = tpu.memref_squeeze %dma_wait3A_78 : memref<1x32x80xi32, #tpu.memory_space<hbm>> -> memref<32x80xi32, #tpu.memory_space<hbm>>
        %dma_wait3A_80 = arith.constant 0 : i32
        %dma_wait3A_81 = arith.constant 0 : i32
        %dma_wait3A_82 = tpu.memref_slice %arg3[%add3A_69, %dma_wait3A_80, %dma_wait3A_81] : memref<125x32x80xi32, #tpu.memory_space<hbm>> -> memref<1x32x80xi32, #tpu.memory_space<hbm>>
        %dma_wait3A_83 = tpu.memref_squeeze %dma_wait3A_82 : memref<1x32x80xi32, #tpu.memory_space<hbm>> -> memref<32x80xi32, #tpu.memory_space<hbm>>
        tpu.wait_dma2 semaphore(%run_scoped3A : memref<!tpu.dma_semaphore, #tpu.memory_space<semaphore_mem>>) src(%dma_wait3A_83 : memref<32x80xi32, #tpu.memory_space<hbm>>) dst(%arg8 : memref<32x80xi32, #tpu.memory_space<vmem>>)
        tpu.yield
      }) : () -> ()
    } else {
    }
    %gt3A_38 = arith.constant 2 : i32
    %gt3A_39 = arith.cmpi sgt, %select_n3A, %gt3A_38 : i32
    %convert_element_type3A_40 = arith.extui %gt3A_39 : i1 to i32
    %cond3A_41 = arith.constant 0 : i32
    %cond3A_42 = arith.cmpi ne, %convert_element_type3A_40, %cond3A_41 : i32
    scf.if %cond3A_42 {
      %add3A_68 = arith.constant 64 : i32
      %add3A_69 = arith.addi %add3A, %add3A_68 : i32
      "tpu.region"() ({
        %run_scoped3A = tpu.sem_alloc : memref<!tpu.dma_semaphore, #tpu.memory_space<semaphore_mem>>
        %dma_start3A = arith.constant 0 : i32
        %dma_start3A_70 = arith.constant 0 : i32
        %dma_start3A_71 = tpu.memref_slice %arg3[%add3A_69, %dma_start3A, %dma_start3A_70] : memref<125x32x80xi32, #tpu.memory_space<hbm>> -> memref<1x32x80xi32, #tpu.memory_space<hbm>>
        %dma_start3A_72 = tpu.memref_squeeze %dma_start3A_71 : memref<1x32x80xi32, #tpu.memory_space<hbm>> -> memref<32x80xi32, #tpu.memory_space<hbm>>
        %dma_start3A_73 = arith.constant 0 : i32
        %dma_start3A_74 = arith.constant 0 : i32
        %dma_start3A_75 = tpu.memref_slice %arg3[%add3A_69, %dma_start3A_73, %dma_start3A_74] : memref<125x32x80xi32, #tpu.memory_space<hbm>> -> memref<1x32x80xi32, #tpu.memory_space<hbm>>
        %dma_start3A_76 = tpu.memref_squeeze %dma_start3A_75 : memref<1x32x80xi32, #tpu.memory_space<hbm>> -> memref<32x80xi32, #tpu.memory_space<hbm>>
        tpu.enqueue_dma source(%dma_start3A_76 : memref<32x80xi32, #tpu.memory_space<hbm>>) target(%arg9 : memref<32x80xi32, #tpu.memory_space<vmem>>) target_semaphore(%run_scoped3A : memref<!tpu.dma_semaphore, #tpu.memory_space<semaphore_mem>>)
        %dma_wait3A = arith.constant 0 : i32
        %dma_wait3A_77 = arith.constant 0 : i32
        %dma_wait3A_78 = tpu.memref_slice %arg3[%add3A_69, %dma_wait3A, %dma_wait3A_77] : memref<125x32x80xi32, #tpu.memory_space<hbm>> -> memref<1x32x80xi32, #tpu.memory_space<hbm>>
        %dma_wait3A_79 = tpu.memref_squeeze %dma_wait3A_78 : memref<1x32x80xi32, #tpu.memory_space<hbm>> -> memref<32x80xi32, #tpu.memory_space<hbm>>
        %dma_wait3A_80 = arith.constant 0 : i32
        %dma_wait3A_81 = arith.constant 0 : i32
        %dma_wait3A_82 = tpu.memref_slice %arg3[%add3A_69, %dma_wait3A_80, %dma_wait3A_81] : memref<125x32x80xi32, #tpu.memory_space<hbm>> -> memref<1x32x80xi32, #tpu.memory_space<hbm>>
        %dma_wait3A_83 = tpu.memref_squeeze %dma_wait3A_82 : memref<1x32x80xi32, #tpu.memory_space<hbm>> -> memref<32x80xi32, #tpu.memory_space<hbm>>
        tpu.wait_dma2 semaphore(%run_scoped3A : memref<!tpu.dma_semaphore, #tpu.memory_space<semaphore_mem>>) src(%dma_wait3A_83 : memref<32x80xi32, #tpu.memory_space<hbm>>) dst(%arg9 : memref<32x80xi32, #tpu.memory_space<vmem>>)
        tpu.yield
      }) : () -> ()
    } else {
    }
    %gt3A_43 = arith.constant 3 : i32
    %gt3A_44 = arith.cmpi sgt, %select_n3A, %gt3A_43 : i32
    %convert_element_type3A_45 = arith.extui %gt3A_44 : i1 to i32
    %cond3A_46 = arith.constant 0 : i32
    %cond3A_47 = arith.cmpi ne, %convert_element_type3A_45, %cond3A_46 : i32
    scf.if %cond3A_47 {
      %add3A_68 = arith.constant 96 : i32
      %add3A_69 = arith.addi %add3A, %add3A_68 : i32
      "tpu.region"() ({
        %run_scoped3A = tpu.sem_alloc : memref<!tpu.dma_semaphore, #tpu.memory_space<semaphore_mem>>
        %dma_start3A = arith.constant 0 : i32
        %dma_start3A_70 = arith.constant 0 : i32
        %dma_start3A_71 = tpu.memref_slice %arg3[%add3A_69, %dma_start3A, %dma_start3A_70] : memref<125x32x80xi32, #tpu.memory_space<hbm>> -> memref<1x32x80xi32, #tpu.memory_space<hbm>>
        %dma_start3A_72 = tpu.memref_squeeze %dma_start3A_71 : memref<1x32x80xi32, #tpu.memory_space<hbm>> -> memref<32x80xi32, #tpu.memory_space<hbm>>
        %dma_start3A_73 = arith.constant 0 : i32
        %dma_start3A_74 = arith.constant 0 : i32
        %dma_start3A_75 = tpu.memref_slice %arg3[%add3A_69, %dma_start3A_73, %dma_start3A_74] : memref<125x32x80xi32, #tpu.memory_space<hbm>> -> memref<1x32x80xi32, #tpu.memory_space<hbm>>
        %dma_start3A_76 = tpu.memref_squeeze %dma_start3A_75 : memref<1x32x80xi32, #tpu.memory_space<hbm>> -> memref<32x80xi32, #tpu.memory_space<hbm>>
        tpu.enqueue_dma source(%dma_start3A_76 : memref<32x80xi32, #tpu.memory_space<hbm>>) target(%arg10 : memref<32x80xi32, #tpu.memory_space<vmem>>) target_semaphore(%run_scoped3A : memref<!tpu.dma_semaphore, #tpu.memory_space<semaphore_mem>>)
        %dma_wait3A = arith.constant 0 : i32
        %dma_wait3A_77 = arith.constant 0 : i32
        %dma_wait3A_78 = tpu.memref_slice %arg3[%add3A_69, %dma_wait3A, %dma_wait3A_77] : memref<125x32x80xi32, #tpu.memory_space<hbm>> -> memref<1x32x80xi32, #tpu.memory_space<hbm>>
        %dma_wait3A_79 = tpu.memref_squeeze %dma_wait3A_78 : memref<1x32x80xi32, #tpu.memory_space<hbm>> -> memref<32x80xi32, #tpu.memory_space<hbm>>
        %dma_wait3A_80 = arith.constant 0 : i32
        %dma_wait3A_81 = arith.constant 0 : i32
        %dma_wait3A_82 = tpu.memref_slice %arg3[%add3A_69, %dma_wait3A_80, %dma_wait3A_81] : memref<125x32x80xi32, #tpu.memory_space<hbm>> -> memref<1x32x80xi32, #tpu.memory_space<hbm>>
        %dma_wait3A_83 = tpu.memref_squeeze %dma_wait3A_82 : memref<1x32x80xi32, #tpu.memory_space<hbm>> -> memref<32x80xi32, #tpu.memory_space<hbm>>
        tpu.wait_dma2 semaphore(%run_scoped3A : memref<!tpu.dma_semaphore, #tpu.memory_space<semaphore_mem>>) src(%dma_wait3A_83 : memref<32x80xi32, #tpu.memory_space<hbm>>) dst(%arg10 : memref<32x80xi32, #tpu.memory_space<vmem>>)
        tpu.yield
      }) : () -> ()
    } else {
    }
    %barrier3A = arith.constant 0 : index
    tpu.barrier barrier_id(%barrier3A)
    %gt3A_48 = arith.constant 0 : i32
    %gt3A_49 = arith.cmpi sgt, %select_n3A, %gt3A_48 : i32
    %convert_element_type3A_50 = arith.extui %gt3A_49 : i1 to i32
    %cond3A_51 = arith.constant 0 : i32
    %cond3A_52 = arith.cmpi ne, %convert_element_type3A_50, %cond3A_51 : i32
    scf.if %cond3A_52 {
      %broadcast_in_dim3A = arith.constant 0.000000e+00 : f32
      %broadcast_in_dim3A_68 = vector.broadcast %broadcast_in_dim3A : f32 to vector<16xf32>
      %scan3A = arith.constant 0 : i32
      %scan3A_69 = arith.constant 0 : i32
      %scan3A_70 = arith.constant 80 : i32
      %scan3A_71 = arith.addi %scan3A_69, %scan3A_70 : i32
      %scan3A_72 = arith.constant 1 : i32
      scf.for %scan3A_98 = %scan3A_69 to %scan3A_71 step %scan3A_72  : i32 {
        %swap3A = arith.index_cast %scan3A_98 : i32 to index
        %swap3A_99 = arith.constant 0 : index
        %swap3A_100 = tpu.vector_load %arg11[%swap3A, %swap3A_99] {strides = array<i32>} : memref<80x128xf32, #tpu.memory_space<vmem>>, vector<1x16xf32>,
        %swap3A_101 = vector.shape_cast %swap3A_100 : vector<1x16xf32> to vector<16xf32>
        %swap3A_102 = vector.shape_cast %broadcast_in_dim3A_68 : vector<16xf32> to vector<1x16xf32>
        tpu.vector_store %arg11[%swap3A, %swap3A_99], %swap3A_102 {strides = array<i32>} : memref<80x128xf32, #tpu.memory_space<vmem>>, vector<1x16xf32>,
        %swap3A_103 = arith.index_cast %scan3A_98 : i32 to index
        %swap3A_104 = arith.constant 0 : index
        %swap3A_105 = tpu.vector_load %arg12[%swap3A_103, %swap3A_104] {strides = array<i32>} : memref<80x128xf32, #tpu.memory_space<vmem>>, vector<1x16xf32>,
        %swap3A_106 = vector.shape_cast %swap3A_105 : vector<1x16xf32> to vector<16xf32>
        %swap3A_107 = vector.shape_cast %broadcast_in_dim3A_68 : vector<16xf32> to vector<1x16xf32>
        tpu.vector_store %arg12[%swap3A_103, %swap3A_104], %swap3A_107 {strides = array<i32>} : memref<80x128xf32, #tpu.memory_space<vmem>>, vector<1x16xf32>,
        %swap3A_108 = arith.index_cast %scan3A_98 : i32 to index
        %swap3A_109 = arith.constant 16 : index
        %swap3A_110 = tpu.vector_load %arg11[%swap3A_108, %swap3A_109] {strides = array<i32>} : memref<80x128xf32, #tpu.memory_space<vmem>>, vector<1x16xf32>,
        %swap3A_111 = vector.shape_cast %swap3A_110 : vector<1x16xf32> to vector<16xf32>
        %swap3A_112 = vector.shape_cast %broadcast_in_dim3A_68 : vector<16xf32> to vector<1x16xf32>
        tpu.vector_store %arg11[%swap3A_108, %swap3A_109], %swap3A_112 {strides = array<i32>} : memref<80x128xf32, #tpu.memory_space<vmem>>, vector<1x16xf32>,
        %swap3A_113 = arith.index_cast %scan3A_98 : i32 to index
        %swap3A_114 = arith.constant 16 : index
        %swap3A_115 = tpu.vector_load %arg12[%swap3A_113, %swap3A_114] {strides = array<i32>} : memref<80x128xf32, #tpu.memory_space<vmem>>, vector<1x16xf32>,
        %swap3A_116 = vector.shape_cast %swap3A_115 : vector<1x16xf32> to vector<16xf32>
        %swap3A_117 = vector.shape_cast %broadcast_in_dim3A_68 : vector<16xf32> to vector<1x16xf32>
        tpu.vector_store %arg12[%swap3A_113, %swap3A_114], %swap3A_117 {strides = array<i32>} : memref<80x128xf32, #tpu.memory_space<vmem>>, vector<1x16xf32>,
        %swap3A_118 = arith.index_cast %scan3A_98 : i32 to index
        %swap3A_119 = arith.constant 32 : index
        %swap3A_120 = tpu.vector_load %arg11[%swap3A_118, %swap3A_119] {strides = array<i32>} : memref<80x128xf32, #tpu.memory_space<vmem>>, vector<1x16xf32>,
        %swap3A_121 = vector.shape_cast %swap3A_120 : vector<1x16xf32> to vector<16xf32>
        %swap3A_122 = vector.shape_cast %broadcast_in_dim3A_68 : vector<16xf32> to vector<1x16xf32>
        tpu.vector_store %arg11[%swap3A_118, %swap3A_119], %swap3A_122 {strides = array<i32>} : memref<80x128xf32, #tpu.memory_space<vmem>>, vector<1x16xf32>,
        %swap3A_123 = arith.index_cast %scan3A_98 : i32 to index
        %swap3A_124 = arith.constant 32 : index
        %swap3A_125 = tpu.vector_load %arg12[%swap3A_123, %swap3A_124] {strides = array<i32>} : memref<80x128xf32, #tpu.memory_space<vmem>>, vector<1x16xf32>,
        %swap3A_126 = vector.shape_cast %swap3A_125 : vector<1x16xf32> to vector<16xf32>
        %swap3A_127 = vector.shape_cast %broadcast_in_dim3A_68 : vector<16xf32> to vector<1x16xf32>
        tpu.vector_store %arg12[%swap3A_123, %swap3A_124], %swap3A_127 {strides = array<i32>} : memref<80x128xf32, #tpu.memory_space<vmem>>, vector<1x16xf32>,
        %swap3A_128 = arith.index_cast %scan3A_98 : i32 to index
        %swap3A_129 = arith.constant 48 : index
        %swap3A_130 = tpu.vector_load %arg11[%swap3A_128, %swap3A_129] {strides = array<i32>} : memref<80x128xf32, #tpu.memory_space<vmem>>, vector<1x16xf32>,
        %swap3A_131 = vector.shape_cast %swap3A_130 : vector<1x16xf32> to vector<16xf32>
        %swap3A_132 = vector.shape_cast %broadcast_in_dim3A_68 : vector<16xf32> to vector<1x16xf32>
        tpu.vector_store %arg11[%swap3A_128, %swap3A_129], %swap3A_132 {strides = array<i32>} : memref<80x128xf32, #tpu.memory_space<vmem>>, vector<1x16xf32>,
        %swap3A_133 = arith.index_cast %scan3A_98 : i32 to index
        %swap3A_134 = arith.constant 48 : index
        %swap3A_135 = tpu.vector_load %arg12[%swap3A_133, %swap3A_134] {strides = array<i32>} : memref<80x128xf32, #tpu.memory_space<vmem>>, vector<1x16xf32>,
        %swap3A_136 = vector.shape_cast %swap3A_135 : vector<1x16xf32> to vector<16xf32>
        %swap3A_137 = vector.shape_cast %broadcast_in_dim3A_68 : vector<16xf32> to vector<1x16xf32>
        tpu.vector_store %arg12[%swap3A_133, %swap3A_134], %swap3A_137 {strides = array<i32>} : memref<80x128xf32, #tpu.memory_space<vmem>>, vector<1x16xf32>,
        %swap3A_138 = arith.index_cast %scan3A_98 : i32 to index
        %swap3A_139 = arith.constant 64 : index
        %swap3A_140 = tpu.vector_load %arg11[%swap3A_138, %swap3A_139] {strides = array<i32>} : memref<80x128xf32, #tpu.memory_space<vmem>>, vector<1x16xf32>,
        %swap3A_141 = vector.shape_cast %swap3A_140 : vector<1x16xf32> to vector<16xf32>
        %swap3A_142 = vector.shape_cast %broadcast_in_dim3A_68 : vector<16xf32> to vector<1x16xf32>
        tpu.vector_store %arg11[%swap3A_138, %swap3A_139], %swap3A_142 {strides = array<i32>} : memref<80x128xf32, #tpu.memory_space<vmem>>, vector<1x16xf32>,
        %swap3A_143 = arith.index_cast %scan3A_98 : i32 to index
        %swap3A_144 = arith.constant 64 : index
        %swap3A_145 = tpu.vector_load %arg12[%swap3A_143, %swap3A_144] {strides = array<i32>} : memref<80x128xf32, #tpu.memory_space<vmem>>, vector<1x16xf32>,
        %swap3A_146 = vector.shape_cast %swap3A_145 : vector<1x16xf32> to vector<16xf32>
        %swap3A_147 = vector.shape_cast %broadcast_in_dim3A_68 : vector<16xf32> to vector<1x16xf32>
        tpu.vector_store %arg12[%swap3A_143, %swap3A_144], %swap3A_147 {strides = array<i32>} : memref<80x128xf32, #tpu.memory_space<vmem>>, vector<1x16xf32>,
        %swap3A_148 = arith.index_cast %scan3A_98 : i32 to index
        %swap3A_149 = arith.constant 80 : index
        %swap3A_150 = tpu.vector_load %arg11[%swap3A_148, %swap3A_149] {strides = array<i32>} : memref<80x128xf32, #tpu.memory_space<vmem>>, vector<1x16xf32>,
        %swap3A_151 = vector.shape_cast %swap3A_150 : vector<1x16xf32> to vector<16xf32>
        %swap3A_152 = vector.shape_cast %broadcast_in_dim3A_68 : vector<16xf32> to vector<1x16xf32>
        tpu.vector_store %arg11[%swap3A_148, %swap3A_149], %swap3A_152 {strides = array<i32>} : memref<80x128xf32, #tpu.memory_space<vmem>>, vector<1x16xf32>,
        %swap3A_153 = arith.index_cast %scan3A_98 : i32 to index
        %swap3A_154 = arith.constant 80 : index
        %swap3A_155 = tpu.vector_load %arg12[%swap3A_153, %swap3A_154] {strides = array<i32>} : memref<80x128xf32, #tpu.memory_space<vmem>>, vector<1x16xf32>,
        %swap3A_156 = vector.shape_cast %swap3A_155 : vector<1x16xf32> to vector<16xf32>
        %swap3A_157 = vector.shape_cast %broadcast_in_dim3A_68 : vector<16xf32> to vector<1x16xf32>
        tpu.vector_store %arg12[%swap3A_153, %swap3A_154], %swap3A_157 {strides = array<i32>} : memref<80x128xf32, #tpu.memory_space<vmem>>, vector<1x16xf32>,
        %swap3A_158 = arith.index_cast %scan3A_98 : i32 to index
        %swap3A_159 = arith.constant 96 : index
        %swap3A_160 = tpu.vector_load %arg11[%swap3A_158, %swap3A_159] {strides = array<i32>} : memref<80x128xf32, #tpu.memory_space<vmem>>, vector<1x16xf32>,
        %swap3A_161 = vector.shape_cast %swap3A_160 : vector<1x16xf32> to vector<16xf32>
        %swap3A_162 = vector.shape_cast %broadcast_in_dim3A_68 : vector<16xf32> to vector<1x16xf32>
        tpu.vector_store %arg11[%swap3A_158, %swap3A_159], %swap3A_162 {strides = array<i32>} : memref<80x128xf32, #tpu.memory_space<vmem>>, vector<1x16xf32>,
        %swap3A_163 = arith.index_cast %scan3A_98 : i32 to index
        %swap3A_164 = arith.constant 96 : index
        %swap3A_165 = tpu.vector_load %arg12[%swap3A_163, %swap3A_164] {strides = array<i32>} : memref<80x128xf32, #tpu.memory_space<vmem>>, vector<1x16xf32>,
        %swap3A_166 = vector.shape_cast %swap3A_165 : vector<1x16xf32> to vector<16xf32>
        %swap3A_167 = vector.shape_cast %broadcast_in_dim3A_68 : vector<16xf32> to vector<1x16xf32>
        tpu.vector_store %arg12[%swap3A_163, %swap3A_164], %swap3A_167 {strides = array<i32>} : memref<80x128xf32, #tpu.memory_space<vmem>>, vector<1x16xf32>,
        %swap3A_168 = arith.index_cast %scan3A_98 : i32 to index
        %swap3A_169 = arith.constant 112 : index
        %swap3A_170 = tpu.vector_load %arg11[%swap3A_168, %swap3A_169] {strides = array<i32>} : memref<80x128xf32, #tpu.memory_space<vmem>>, vector<1x16xf32>,
        %swap3A_171 = vector.shape_cast %swap3A_170 : vector<1x16xf32> to vector<16xf32>
        %swap3A_172 = vector.shape_cast %broadcast_in_dim3A_68 : vector<16xf32> to vector<1x16xf32>
        tpu.vector_store %arg11[%swap3A_168, %swap3A_169], %swap3A_172 {strides = array<i32>} : memref<80x128xf32, #tpu.memory_space<vmem>>, vector<1x16xf32>,
        %swap3A_173 = arith.index_cast %scan3A_98 : i32 to index
        %swap3A_174 = arith.constant 112 : index
        %swap3A_175 = tpu.vector_load %arg12[%swap3A_173, %swap3A_174] {strides = array<i32>} : memref<80x128xf32, #tpu.memory_space<vmem>>, vector<1x16xf32>,
        %swap3A_176 = vector.shape_cast %swap3A_175 : vector<1x16xf32> to vector<16xf32>
        %swap3A_177 = vector.shape_cast %broadcast_in_dim3A_68 : vector<16xf32> to vector<1x16xf32>
        tpu.vector_store %arg12[%swap3A_173, %swap3A_174], %swap3A_177 {strides = array<i32>} : memref<80x128xf32, #tpu.memory_space<vmem>>, vector<1x16xf32>,
      }
      %scan3A_73 = arith.constant 80 : i32
      %scan3A_74 = arith.constant 0 : i32
      %scan3A_75 = arith.constant 0 : i32
      %scan3A_76 = arith.constant 32 : i32
      %scan3A_77 = arith.addi %scan3A_75, %scan3A_76 : i32
      %scan3A_78 = arith.constant 1 : i32
      scf.for %scan3A_98 = %scan3A_75 to %scan3A_77 step %scan3A_78  : i32 {
        %lt3A_99 = arith.constant 20 : i32
        %lt3A_100 = arith.cmpi slt, %scan3A_98, %lt3A_99 : i32
        %convert_element_type3A_101 = arith.extui %lt3A_100 : i1 to i32
        %cond3A_102 = arith.constant 0 : i32
        %cond3A_103 = arith.cmpi ne, %convert_element_type3A_101, %cond3A_102 : i32
        scf.if %cond3A_103 {
          %dma_start3A = arith.constant 0 : i32
          %dma_start3A_108 = tpu.memref_slice %arg7[%scan3A_98, %dma_start3A] : memref<32x80xi32, #tpu.memory_space<vmem>> -> memref<1x80xi32, #tpu.memory_space<vmem>>
          %dma_start3A_109 = tpu.memref_squeeze %dma_start3A_108 : memref<1x80xi32, #tpu.memory_space<vmem>> -> memref<80xi32, #tpu.memory_space<vmem>>
          %dma_start3A_110 = arith.constant 0 : i32
          %dma_start3A_111 = arith.constant 0 : i32
          %dma_start3A_112 = tpu.memref_slice %arg6[%dma_start3A_110, %dma_start3A_111] : memref<10000x128xf32, #tpu.memory_space<vmem_shared>> -> memref<10000x128xf32, #tpu.memory_space<vmem_shared>>
          tpu.enqueue_indirect_dma source(%dma_start3A_112 : memref<10000x128xf32, #tpu.memory_space<vmem_shared>>) target(%arg11 : memref<80x128xf32, #tpu.memory_space<vmem>>) offsets(%dma_start3A_109 : memref<80xi32, #tpu.memory_space<vmem>>) semaphore(%arg13 : memref<!tpu.dma_semaphore, #tpu.memory_space<semaphore_mem>>) {add = true}
        } else {
        }
        %ge3A = arith.constant 20 : i32
        %ge3A_104 = arith.cmpi sge, %scan3A_98, %ge3A : i32
        %convert_element_type3A_105 = arith.extui %ge3A_104 : i1 to i32
        %cond3A_106 = arith.constant 0 : i32
        %cond3A_107 = arith.cmpi ne, %convert_element_type3A_105, %cond3A_106 : i32
        scf.if %cond3A_107 {
          %dma_start3A = arith.constant 0 : i32
          %dma_start3A_108 = tpu.memref_slice %arg7[%scan3A_98, %dma_start3A] : memref<32x80xi32, #tpu.memory_space<vmem>> -> memref<1x80xi32, #tpu.memory_space<vmem>>
          %dma_start3A_109 = tpu.memref_squeeze %dma_start3A_108 : memref<1x80xi32, #tpu.memory_space<vmem>> -> memref<80xi32, #tpu.memory_space<vmem>>
          %dma_start3A_110 = arith.constant 0 : i32
          %dma_start3A_111 = arith.constant 0 : i32
          %dma_start3A_112 = tpu.memref_slice %arg2[%dma_start3A_110, %dma_start3A_111] : memref<10000x128xf32, #tpu.memory_space<hbm>> -> memref<10000x128xf32, #tpu.memory_space<hbm>>
          tpu.enqueue_indirect_dma source(%dma_start3A_112 : memref<10000x128xf32, #tpu.memory_space<hbm>>) target(%arg12 : memref<80x128xf32, #tpu.memory_space<vmem>>) offsets(%dma_start3A_109 : memref<80xi32, #tpu.memory_space<vmem>>) semaphore(%arg14 : memref<!tpu.dma_semaphore, #tpu.memory_space<semaphore_mem>>) {add = true}
        } else {
        }
      }
      %scan3A_79 = arith.constant 32 : i32
      %scan3A_80 = arith.constant 0 : i32
      %scan3A_81 = arith.constant 0 : i32
      %scan3A_82 = arith.constant 20 : i32
      %scan3A_83 = arith.addi %scan3A_81, %scan3A_82 : i32
      %scan3A_84 = arith.constant 1 : i32
      scf.for %scan3A_98 = %scan3A_81 to %scan3A_83 step %scan3A_84  : i32 {
        %dma_wait3A = arith.constant 0 : i32
        %dma_wait3A_99 = arith.constant 0 : i32
        %dma_wait3A_100 = tpu.memref_slice %arg2[%dma_wait3A, %dma_wait3A_99] : memref<10000x128xf32, #tpu.memory_space<hbm>> -> memref<80x128xf32, #tpu.memory_space<hbm>>
        %dma_wait3A_101 = arith.constant 0 : i32
        %dma_wait3A_102 = arith.constant 0 : i32
        %dma_wait3A_103 = tpu.memref_slice %arg2[%dma_wait3A_101, %dma_wait3A_102] : memref<10000x128xf32, #tpu.memory_space<hbm>> -> memref<80x128xf32, #tpu.memory_space<hbm>>
        tpu.wait_dma2 semaphore(%arg13 : memref<!tpu.dma_semaphore, #tpu.memory_space<semaphore_mem>>) src(%dma_wait3A_103 : memref<80x128xf32, #tpu.memory_space<hbm>>) dst(%arg11 : memref<80x128xf32, #tpu.memory_space<vmem>>)
      }
      %scan3A_85 = arith.constant 20 : i32
      %scan3A_86 = arith.constant 0 : i32
      %scan3A_87 = arith.constant 0 : i32
      %scan3A_88 = arith.constant 12 : i32
      %scan3A_89 = arith.addi %scan3A_87, %scan3A_88 : i32
      %scan3A_90 = arith.constant 1 : i32
      scf.for %scan3A_98 = %scan3A_87 to %scan3A_89 step %scan3A_90  : i32 {
        %dma_wait3A = arith.constant 0 : i32
        %dma_wait3A_99 = arith.constant 0 : i32
        %dma_wait3A_100 = tpu.memref_slice %arg2[%dma_wait3A, %dma_wait3A_99] : memref<10000x128xf32, #tpu.memory_space<hbm>> -> memref<80x128xf32, #tpu.memory_space<hbm>>
        %dma_wait3A_101 = arith.constant 0 : i32
        %dma_wait3A_102 = arith.constant 0 : i32
        %dma_wait3A_103 = tpu.memref_slice %arg2[%dma_wait3A_101, %dma_wait3A_102] : memref<10000x128xf32, #tpu.memory_space<hbm>> -> memref<80x128xf32, #tpu.memory_space<hbm>>
        tpu.wait_dma2 semaphore(%arg14 : memref<!tpu.dma_semaphore, #tpu.memory_space<semaphore_mem>>) src(%dma_wait3A_103 : memref<80x128xf32, #tpu.memory_space<hbm>>) dst(%arg12 : memref<80x128xf32, #tpu.memory_space<vmem>>)
      }
      %scan3A_91 = arith.constant 12 : i32
      %add3A_92 = arith.constant 0 : i32
      %add3A_93 = arith.addi %add3A, %add3A_92 : i32
      %mul3A_94 = arith.constant 80 : i32
      %mul3A_95 = arith.muli %add3A_93, %mul3A_94 : i32
      "tpu.region"() ({
        %run_scoped3A = tpu.sem_alloc : memref<!tpu.dma_semaphore, #tpu.memory_space<semaphore_mem>>
        %dma_start3A = arith.constant 0 : i32
        %dma_start3A_98 = tpu.memref_slice %arg4[%mul3A_95, %dma_start3A] : memref<10000x128xf32, #tpu.memory_space<hbm>> -> memref<80x128xf32, #tpu.memory_space<hbm>>
        %dma_start3A_99 = arith.constant 0 : i32
        %dma_start3A_100 = tpu.memref_slice %arg4[%mul3A_95, %dma_start3A_99] : memref<10000x128xf32, #tpu.memory_space<hbm>> -> memref<80x128xf32, #tpu.memory_space<hbm>>
        tpu.enqueue_dma source(%arg11 : memref<80x128xf32, #tpu.memory_space<vmem>>) target(%dma_start3A_100 : memref<80x128xf32, #tpu.memory_space<hbm>>) target_semaphore(%run_scoped3A : memref<!tpu.dma_semaphore, #tpu.memory_space<semaphore_mem>>)
        %dma_wait3A = arith.constant 0 : i32
        %dma_wait3A_101 = tpu.memref_slice %arg4[%mul3A_95, %dma_wait3A] : memref<10000x128xf32, #tpu.memory_space<hbm>> -> memref<80x128xf32, #tpu.memory_space<hbm>>
        %dma_wait3A_102 = arith.constant 0 : i32
        %dma_wait3A_103 = tpu.memref_slice %arg4[%mul3A_95, %dma_wait3A_102] : memref<10000x128xf32, #tpu.memory_space<hbm>> -> memref<80x128xf32, #tpu.memory_space<hbm>>
        tpu.wait_dma2 semaphore(%run_scoped3A : memref<!tpu.dma_semaphore, #tpu.memory_space<semaphore_mem>>) src(%arg11 : memref<80x128xf32, #tpu.memory_space<vmem>>) dst(%dma_wait3A_103 : memref<80x128xf32, #tpu.memory_space<hbm>>)
        tpu.yield
      }) : () -> ()
      %mul3A_96 = arith.constant 80 : i32
      %mul3A_97 = arith.muli %add3A_93, %mul3A_96 : i32
      "tpu.region"() ({
        %run_scoped3A = tpu.sem_alloc : memref<!tpu.dma_semaphore, #tpu.memory_space<semaphore_mem>>
        %dma_start3A = arith.constant 0 : i32
        %dma_start3A_98 = tpu.memref_slice %arg5[%mul3A_97, %dma_start3A] : memref<10000x128xf32, #tpu.memory_space<hbm>> -> memref<80x128xf32, #tpu.memory_space<hbm>>
        %dma_start3A_99 = arith.constant 0 : i32
        %dma_start3A_100 = tpu.memref_slice %arg5[%mul3A_97, %dma_start3A_99] : memref<10000x128xf32, #tpu.memory_space<hbm>> -> memref<80x128xf32, #tpu.memory_space<hbm>>
        tpu.enqueue_dma source(%arg12 : memref<80x128xf32, #tpu.memory_space<vmem>>) target(%dma_start3A_100 : memref<80x128xf32, #tpu.memory_space<hbm>>) target_semaphore(%run_scoped3A : memref<!tpu.dma_semaphore, #tpu.memory_space<semaphore_mem>>)
        %dma_wait3A = arith.constant 0 : i32
        %dma_wait3A_101 = tpu.memref_slice %arg5[%mul3A_97, %dma_wait3A] : memref<10000x128xf32, #tpu.memory_space<hbm>> -> memref<80x128xf32, #tpu.memory_space<hbm>>
        %dma_wait3A_102 = arith.constant 0 : i32
        %dma_wait3A_103 = tpu.memref_slice %arg5[%mul3A_97, %dma_wait3A_102] : memref<10000x128xf32, #tpu.memory_space<hbm>> -> memref<80x128xf32, #tpu.memory_space<hbm>>
        tpu.wait_dma2 semaphore(%run_scoped3A : memref<!tpu.dma_semaphore, #tpu.memory_space<semaphore_mem>>) src(%arg12 : memref<80x128xf32, #tpu.memory_space<vmem>>) dst(%dma_wait3A_103 : memref<80x128xf32, #tpu.memory_space<hbm>>)
        tpu.yield
      }) : () -> ()
    } else {
    }
    %gt3A_53 = arith.constant 1 : i32
    %gt3A_54 = arith.cmpi sgt, %select_n3A, %gt3A_53 : i32
    %convert_element_type3A_55 = arith.extui %gt3A_54 : i1 to i32
    %cond3A_56 = arith.constant 0 : i32
    %cond3A_57 = arith.cmpi ne, %convert_element_type3A_55, %cond3A_56 : i32
    scf.if %cond3A_57 {
      %broadcast_in_dim3A = arith.constant 0.000000e+00 : f32
      %broadcast_in_dim3A_68 = vector.broadcast %broadcast_in_dim3A : f32 to vector<16xf32>
      %scan3A = arith.constant 0 : i32
      %scan3A_69 = arith.constant 0 : i32
      %scan3A_70 = arith.constant 80 : i32
      %scan3A_71 = arith.addi %scan3A_69, %scan3A_70 : i32
      %scan3A_72 = arith.constant 1 : i32
      scf.for %scan3A_98 = %scan3A_69 to %scan3A_71 step %scan3A_72  : i32 {
        %swap3A = arith.index_cast %scan3A_98 : i32 to index
        %swap3A_99 = arith.constant 0 : index
        %swap3A_100 = tpu.vector_load %arg11[%swap3A, %swap3A_99] {strides = array<i32>} : memref<80x128xf32, #tpu.memory_space<vmem>>, vector<1x16xf32>,
        %swap3A_101 = vector.shape_cast %swap3A_100 : vector<1x16xf32> to vector<16xf32>
        %swap3A_102 = vector.shape_cast %broadcast_in_dim3A_68 : vector<16xf32> to vector<1x16xf32>
        tpu.vector_store %arg11[%swap3A, %swap3A_99], %swap3A_102 {strides = array<i32>} : memref<80x128xf32, #tpu.memory_space<vmem>>, vector<1x16xf32>,
        %swap3A_103 = arith.index_cast %scan3A_98 : i32 to index
        %swap3A_104 = arith.constant 0 : index
        %swap3A_105 = tpu.vector_load %arg12[%swap3A_103, %swap3A_104] {strides = array<i32>} : memref<80x128xf32, #tpu.memory_space<vmem>>, vector<1x16xf32>,
        %swap3A_106 = vector.shape_cast %swap3A_105 : vector<1x16xf32> to vector<16xf32>
        %swap3A_107 = vector.shape_cast %broadcast_in_dim3A_68 : vector<16xf32> to vector<1x16xf32>
        tpu.vector_store %arg12[%swap3A_103, %swap3A_104], %swap3A_107 {strides = array<i32>} : memref<80x128xf32, #tpu.memory_space<vmem>>, vector<1x16xf32>,
        %swap3A_108 = arith.index_cast %scan3A_98 : i32 to index
        %swap3A_109 = arith.constant 16 : index
        %swap3A_110 = tpu.vector_load %arg11[%swap3A_108, %swap3A_109] {strides = array<i32>} : memref<80x128xf32, #tpu.memory_space<vmem>>, vector<1x16xf32>,
        %swap3A_111 = vector.shape_cast %swap3A_110 : vector<1x16xf32> to vector<16xf32>
        %swap3A_112 = vector.shape_cast %broadcast_in_dim3A_68 : vector<16xf32> to vector<1x16xf32>
        tpu.vector_store %arg11[%swap3A_108, %swap3A_109], %swap3A_112 {strides = array<i32>} : memref<80x128xf32, #tpu.memory_space<vmem>>, vector<1x16xf32>,
        %swap3A_113 = arith.index_cast %scan3A_98 : i32 to index
        %swap3A_114 = arith.constant 16 : index
        %swap3A_115 = tpu.vector_load %arg12[%swap3A_113, %swap3A_114] {strides = array<i32>} : memref<80x128xf32, #tpu.memory_space<vmem>>, vector<1x16xf32>,
        %swap3A_116 = vector.shape_cast %swap3A_115 : vector<1x16xf32> to vector<16xf32>
        %swap3A_117 = vector.shape_cast %broadcast_in_dim3A_68 : vector<16xf32> to vector<1x16xf32>
        tpu.vector_store %arg12[%swap3A_113, %swap3A_114], %swap3A_117 {strides = array<i32>} : memref<80x128xf32, #tpu.memory_space<vmem>>, vector<1x16xf32>,
        %swap3A_118 = arith.index_cast %scan3A_98 : i32 to index
        %swap3A_119 = arith.constant 32 : index
        %swap3A_120 = tpu.vector_load %arg11[%swap3A_118, %swap3A_119] {strides = array<i32>} : memref<80x128xf32, #tpu.memory_space<vmem>>, vector<1x16xf32>,
        %swap3A_121 = vector.shape_cast %swap3A_120 : vector<1x16xf32> to vector<16xf32>
        %swap3A_122 = vector.shape_cast %broadcast_in_dim3A_68 : vector<16xf32> to vector<1x16xf32>
        tpu.vector_store %arg11[%swap3A_118, %swap3A_119], %swap3A_122 {strides = array<i32>} : memref<80x128xf32, #tpu.memory_space<vmem>>, vector<1x16xf32>,
        %swap3A_123 = arith.index_cast %scan3A_98 : i32 to index
        %swap3A_124 = arith.constant 32 : index
        %swap3A_125 = tpu.vector_load %arg12[%swap3A_123, %swap3A_124] {strides = array<i32>} : memref<80x128xf32, #tpu.memory_space<vmem>>, vector<1x16xf32>,
        %swap3A_126 = vector.shape_cast %swap3A_125 : vector<1x16xf32> to vector<16xf32>
        %swap3A_127 = vector.shape_cast %broadcast_in_dim3A_68 : vector<16xf32> to vector<1x16xf32>
        tpu.vector_store %arg12[%swap3A_123, %swap3A_124], %swap3A_127 {strides = array<i32>} : memref<80x128xf32, #tpu.memory_space<vmem>>, vector<1x16xf32>,
        %swap3A_128 = arith.index_cast %scan3A_98 : i32 to index
        %swap3A_129 = arith.constant 48 : index
        %swap3A_130 = tpu.vector_load %arg11[%swap3A_128, %swap3A_129] {strides = array<i32>} : memref<80x128xf32, #tpu.memory_space<vmem>>, vector<1x16xf32>,
        %swap3A_131 = vector.shape_cast %swap3A_130 : vector<1x16xf32> to vector<16xf32>
        %swap3A_132 = vector.shape_cast %broadcast_in_dim3A_68 : vector<16xf32> to vector<1x16xf32>
        tpu.vector_store %arg11[%swap3A_128, %swap3A_129], %swap3A_132 {strides = array<i32>} : memref<80x128xf32, #tpu.memory_space<vmem>>, vector<1x16xf32>,
        %swap3A_133 = arith.index_cast %scan3A_98 : i32 to index
        %swap3A_134 = arith.constant 48 : index
        %swap3A_135 = tpu.vector_load %arg12[%swap3A_133, %swap3A_134] {strides = array<i32>} : memref<80x128xf32, #tpu.memory_space<vmem>>, vector<1x16xf32>,
        %swap3A_136 = vector.shape_cast %swap3A_135 : vector<1x16xf32> to vector<16xf32>
        %swap3A_137 = vector.shape_cast %broadcast_in_dim3A_68 : vector<16xf32> to vector<1x16xf32>
        tpu.vector_store %arg12[%swap3A_133, %swap3A_134], %swap3A_137 {strides = array<i32>} : memref<80x128xf32, #tpu.memory_space<vmem>>, vector<1x16xf32>,
        %swap3A_138 = arith.index_cast %scan3A_98 : i32 to index
        %swap3A_139 = arith.constant 64 : index
        %swap3A_140 = tpu.vector_load %arg11[%swap3A_138, %swap3A_139] {strides = array<i32>} : memref<80x128xf32, #tpu.memory_space<vmem>>, vector<1x16xf32>,
        %swap3A_141 = vector.shape_cast %swap3A_140 : vector<1x16xf32> to vector<16xf32>
        %swap3A_142 = vector.shape_cast %broadcast_in_dim3A_68 : vector<16xf32> to vector<1x16xf32>
        tpu.vector_store %arg11[%swap3A_138, %swap3A_139], %swap3A_142 {strides = array<i32>} : memref<80x128xf32, #tpu.memory_space<vmem>>, vector<1x16xf32>,
        %swap3A_143 = arith.index_cast %scan3A_98 : i32 to index
        %swap3A_144 = arith.constant 64 : index
        %swap3A_145 = tpu.vector_load %arg12[%swap3A_143, %swap3A_144] {strides = array<i32>} : memref<80x128xf32, #tpu.memory_space<vmem>>, vector<1x16xf32>,
        %swap3A_146 = vector.shape_cast %swap3A_145 : vector<1x16xf32> to vector<16xf32>
        %swap3A_147 = vector.shape_cast %broadcast_in_dim3A_68 : vector<16xf32> to vector<1x16xf32>
        tpu.vector_store %arg12[%swap3A_143, %swap3A_144], %swap3A_147 {strides = array<i32>} : memref<80x128xf32, #tpu.memory_space<vmem>>, vector<1x16xf32>,
        %swap3A_148 = arith.index_cast %scan3A_98 : i32 to index
        %swap3A_149 = arith.constant 80 : index
        %swap3A_150 = tpu.vector_load %arg11[%swap3A_148, %swap3A_149] {strides = array<i32>} : memref<80x128xf32, #tpu.memory_space<vmem>>, vector<1x16xf32>,
        %swap3A_151 = vector.shape_cast %swap3A_150 : vector<1x16xf32> to vector<16xf32>
        %swap3A_152 = vector.shape_cast %broadcast_in_dim3A_68 : vector<16xf32> to vector<1x16xf32>
        tpu.vector_store %arg11[%swap3A_148, %swap3A_149], %swap3A_152 {strides = array<i32>} : memref<80x128xf32, #tpu.memory_space<vmem>>, vector<1x16xf32>,
        %swap3A_153 = arith.index_cast %scan3A_98 : i32 to index
        %swap3A_154 = arith.constant 80 : index
        %swap3A_155 = tpu.vector_load %arg12[%swap3A_153, %swap3A_154] {strides = array<i32>} : memref<80x128xf32, #tpu.memory_space<vmem>>, vector<1x16xf32>,
        %swap3A_156 = vector.shape_cast %swap3A_155 : vector<1x16xf32> to vector<16xf32>
        %swap3A_157 = vector.shape_cast %broadcast_in_dim3A_68 : vector<16xf32> to vector<1x16xf32>
        tpu.vector_store %arg12[%swap3A_153, %swap3A_154], %swap3A_157 {strides = array<i32>} : memref<80x128xf32, #tpu.memory_space<vmem>>, vector<1x16xf32>,
        %swap3A_158 = arith.index_cast %scan3A_98 : i32 to index
        %swap3A_159 = arith.constant 96 : index
        %swap3A_160 = tpu.vector_load %arg11[%swap3A_158, %swap3A_159] {strides = array<i32>} : memref<80x128xf32, #tpu.memory_space<vmem>>, vector<1x16xf32>,
        %swap3A_161 = vector.shape_cast %swap3A_160 : vector<1x16xf32> to vector<16xf32>
        %swap3A_162 = vector.shape_cast %broadcast_in_dim3A_68 : vector<16xf32> to vector<1x16xf32>
        tpu.vector_store %arg11[%swap3A_158, %swap3A_159], %swap3A_162 {strides = array<i32>} : memref<80x128xf32, #tpu.memory_space<vmem>>, vector<1x16xf32>,
        %swap3A_163 = arith.index_cast %scan3A_98 : i32 to index
        %swap3A_164 = arith.constant 96 : index
        %swap3A_165 = tpu.vector_load %arg12[%swap3A_163, %swap3A_164] {strides = array<i32>} : memref<80x128xf32, #tpu.memory_space<vmem>>, vector<1x16xf32>,
        %swap3A_166 = vector.shape_cast %swap3A_165 : vector<1x16xf32> to vector<16xf32>
        %swap3A_167 = vector.shape_cast %broadcast_in_dim3A_68 : vector<16xf32> to vector<1x16xf32>
        tpu.vector_store %arg12[%swap3A_163, %swap3A_164], %swap3A_167 {strides = array<i32>} : memref<80x128xf32, #tpu.memory_space<vmem>>, vector<1x16xf32>,
        %swap3A_168 = arith.index_cast %scan3A_98 : i32 to index
        %swap3A_169 = arith.constant 112 : index
        %swap3A_170 = tpu.vector_load %arg11[%swap3A_168, %swap3A_169] {strides = array<i32>} : memref<80x128xf32, #tpu.memory_space<vmem>>, vector<1x16xf32>,
        %swap3A_171 = vector.shape_cast %swap3A_170 : vector<1x16xf32> to vector<16xf32>
        %swap3A_172 = vector.shape_cast %broadcast_in_dim3A_68 : vector<16xf32> to vector<1x16xf32>
        tpu.vector_store %arg11[%swap3A_168, %swap3A_169], %swap3A_172 {strides = array<i32>} : memref<80x128xf32, #tpu.memory_space<vmem>>, vector<1x16xf32>,
        %swap3A_173 = arith.index_cast %scan3A_98 : i32 to index
        %swap3A_174 = arith.constant 112 : index
        %swap3A_175 = tpu.vector_load %arg12[%swap3A_173, %swap3A_174] {strides = array<i32>} : memref<80x128xf32, #tpu.memory_space<vmem>>, vector<1x16xf32>,
        %swap3A_176 = vector.shape_cast %swap3A_175 : vector<1x16xf32> to vector<16xf32>
        %swap3A_177 = vector.shape_cast %broadcast_in_dim3A_68 : vector<16xf32> to vector<1x16xf32>
        tpu.vector_store %arg12[%swap3A_173, %swap3A_174], %swap3A_177 {strides = array<i32>} : memref<80x128xf32, #tpu.memory_space<vmem>>, vector<1x16xf32>,
      }
      %scan3A_73 = arith.constant 80 : i32
      %scan3A_74 = arith.constant 0 : i32
      %scan3A_75 = arith.constant 0 : i32
      %scan3A_76 = arith.constant 32 : i32
      %scan3A_77 = arith.addi %scan3A_75, %scan3A_76 : i32
      %scan3A_78 = arith.constant 1 : i32
      scf.for %scan3A_98 = %scan3A_75 to %scan3A_77 step %scan3A_78  : i32 {
        %lt3A_99 = arith.constant 20 : i32
        %lt3A_100 = arith.cmpi slt, %scan3A_98, %lt3A_99 : i32
        %convert_element_type3A_101 = arith.extui %lt3A_100 : i1 to i32
        %cond3A_102 = arith.constant 0 : i32
        %cond3A_103 = arith.cmpi ne, %convert_element_type3A_101, %cond3A_102 : i32
        scf.if %cond3A_103 {
          %dma_start3A = arith.constant 0 : i32
          %dma_start3A_108 = tpu.memref_slice %arg8[%scan3A_98, %dma_start3A] : memref<32x80xi32, #tpu.memory_space<vmem>> -> memref<1x80xi32, #tpu.memory_space<vmem>>
          %dma_start3A_109 = tpu.memref_squeeze %dma_start3A_108 : memref<1x80xi32, #tpu.memory_space<vmem>> -> memref<80xi32, #tpu.memory_space<vmem>>
          %dma_start3A_110 = arith.constant 0 : i32
          %dma_start3A_111 = arith.constant 0 : i32
          %dma_start3A_112 = tpu.memref_slice %arg6[%dma_start3A_110, %dma_start3A_111] : memref<10000x128xf32, #tpu.memory_space<vmem_shared>> -> memref<10000x128xf32, #tpu.memory_space<vmem_shared>>
          tpu.enqueue_indirect_dma source(%dma_start3A_112 : memref<10000x128xf32, #tpu.memory_space<vmem_shared>>) target(%arg11 : memref<80x128xf32, #tpu.memory_space<vmem>>) offsets(%dma_start3A_109 : memref<80xi32, #tpu.memory_space<vmem>>) semaphore(%arg13 : memref<!tpu.dma_semaphore, #tpu.memory_space<semaphore_mem>>) {add = true}
        } else {
        }
        %ge3A = arith.constant 20 : i32
        %ge3A_104 = arith.cmpi sge, %scan3A_98, %ge3A : i32
        %convert_element_type3A_105 = arith.extui %ge3A_104 : i1 to i32
        %cond3A_106 = arith.constant 0 : i32
        %cond3A_107 = arith.cmpi ne, %convert_element_type3A_105, %cond3A_106 : i32
        scf.if %cond3A_107 {
          %dma_start3A = arith.constant 0 : i32
          %dma_start3A_108 = tpu.memref_slice %arg8[%scan3A_98, %dma_start3A] : memref<32x80xi32, #tpu.memory_space<vmem>> -> memref<1x80xi32, #tpu.memory_space<vmem>>
          %dma_start3A_109 = tpu.memref_squeeze %dma_start3A_108 : memref<1x80xi32, #tpu.memory_space<vmem>> -> memref<80xi32, #tpu.memory_space<vmem>>
          %dma_start3A_110 = arith.constant 0 : i32
          %dma_start3A_111 = arith.constant 0 : i32
          %dma_start3A_112 = tpu.memref_slice %arg2[%dma_start3A_110, %dma_start3A_111] : memref<10000x128xf32, #tpu.memory_space<hbm>> -> memref<10000x128xf32, #tpu.memory_space<hbm>>
          tpu.enqueue_indirect_dma source(%dma_start3A_112 : memref<10000x128xf32, #tpu.memory_space<hbm>>) target(%arg12 : memref<80x128xf32, #tpu.memory_space<vmem>>) offsets(%dma_start3A_109 : memref<80xi32, #tpu.memory_space<vmem>>) semaphore(%arg14 : memref<!tpu.dma_semaphore, #tpu.memory_space<semaphore_mem>>) {add = true}
        } else {
        }
      }
      %scan3A_79 = arith.constant 32 : i32
      %scan3A_80 = arith.constant 0 : i32
      %scan3A_81 = arith.constant 0 : i32
      %scan3A_82 = arith.constant 20 : i32
      %scan3A_83 = arith.addi %scan3A_81, %scan3A_82 : i32
      %scan3A_84 = arith.constant 1 : i32
      scf.for %scan3A_98 = %scan3A_81 to %scan3A_83 step %scan3A_84  : i32 {
        %dma_wait3A = arith.constant 0 : i32
        %dma_wait3A_99 = arith.constant 0 : i32
        %dma_wait3A_100 = tpu.memref_slice %arg2[%dma_wait3A, %dma_wait3A_99] : memref<10000x128xf32, #tpu.memory_space<hbm>> -> memref<80x128xf32, #tpu.memory_space<hbm>>
        %dma_wait3A_101 = arith.constant 0 : i32
        %dma_wait3A_102 = arith.constant 0 : i32
        %dma_wait3A_103 = tpu.memref_slice %arg2[%dma_wait3A_101, %dma_wait3A_102] : memref<10000x128xf32, #tpu.memory_space<hbm>> -> memref<80x128xf32, #tpu.memory_space<hbm>>
        tpu.wait_dma2 semaphore(%arg13 : memref<!tpu.dma_semaphore, #tpu.memory_space<semaphore_mem>>) src(%dma_wait3A_103 : memref<80x128xf32, #tpu.memory_space<hbm>>) dst(%arg11 : memref<80x128xf32, #tpu.memory_space<vmem>>)
      }
      %scan3A_85 = arith.constant 20 : i32
      %scan3A_86 = arith.constant 0 : i32
      %scan3A_87 = arith.constant 0 : i32
      %scan3A_88 = arith.constant 12 : i32
      %scan3A_89 = arith.addi %scan3A_87, %scan3A_88 : i32
      %scan3A_90 = arith.constant 1 : i32
      scf.for %scan3A_98 = %scan3A_87 to %scan3A_89 step %scan3A_90  : i32 {
        %dma_wait3A = arith.constant 0 : i32
        %dma_wait3A_99 = arith.constant 0 : i32
        %dma_wait3A_100 = tpu.memref_slice %arg2[%dma_wait3A, %dma_wait3A_99] : memref<10000x128xf32, #tpu.memory_space<hbm>> -> memref<80x128xf32, #tpu.memory_space<hbm>>
        %dma_wait3A_101 = arith.constant 0 : i32
        %dma_wait3A_102 = arith.constant 0 : i32
        %dma_wait3A_103 = tpu.memref_slice %arg2[%dma_wait3A_101, %dma_wait3A_102] : memref<10000x128xf32, #tpu.memory_space<hbm>> -> memref<80x128xf32, #tpu.memory_space<hbm>>
        tpu.wait_dma2 semaphore(%arg14 : memref<!tpu.dma_semaphore, #tpu.memory_space<semaphore_mem>>) src(%dma_wait3A_103 : memref<80x128xf32, #tpu.memory_space<hbm>>) dst(%arg12 : memref<80x128xf32, #tpu.memory_space<vmem>>)
      }
      %scan3A_91 = arith.constant 12 : i32
      %add3A_92 = arith.constant 32 : i32
      %add3A_93 = arith.addi %add3A, %add3A_92 : i32
      %mul3A_94 = arith.constant 80 : i32
      %mul3A_95 = arith.muli %add3A_93, %mul3A_94 : i32
      "tpu.region"() ({
        %run_scoped3A = tpu.sem_alloc : memref<!tpu.dma_semaphore, #tpu.memory_space<semaphore_mem>>
        %dma_start3A = arith.constant 0 : i32
        %dma_start3A_98 = tpu.memref_slice %arg4[%mul3A_95, %dma_start3A] : memref<10000x128xf32, #tpu.memory_space<hbm>> -> memref<80x128xf32, #tpu.memory_space<hbm>>
        %dma_start3A_99 = arith.constant 0 : i32
        %dma_start3A_100 = tpu.memref_slice %arg4[%mul3A_95, %dma_start3A_99] : memref<10000x128xf32, #tpu.memory_space<hbm>> -> memref<80x128xf32, #tpu.memory_space<hbm>>
        tpu.enqueue_dma source(%arg11 : memref<80x128xf32, #tpu.memory_space<vmem>>) target(%dma_start3A_100 : memref<80x128xf32, #tpu.memory_space<hbm>>) target_semaphore(%run_scoped3A : memref<!tpu.dma_semaphore, #tpu.memory_space<semaphore_mem>>)
        %dma_wait3A = arith.constant 0 : i32
        %dma_wait3A_101 = tpu.memref_slice %arg4[%mul3A_95, %dma_wait3A] : memref<10000x128xf32, #tpu.memory_space<hbm>> -> memref<80x128xf32, #tpu.memory_space<hbm>>
        %dma_wait3A_102 = arith.constant 0 : i32
        %dma_wait3A_103 = tpu.memref_slice %arg4[%mul3A_95, %dma_wait3A_102] : memref<10000x128xf32, #tpu.memory_space<hbm>> -> memref<80x128xf32, #tpu.memory_space<hbm>>
        tpu.wait_dma2 semaphore(%run_scoped3A : memref<!tpu.dma_semaphore, #tpu.memory_space<semaphore_mem>>) src(%arg11 : memref<80x128xf32, #tpu.memory_space<vmem>>) dst(%dma_wait3A_103 : memref<80x128xf32, #tpu.memory_space<hbm>>)
        tpu.yield
      }) : () -> ()
      %mul3A_96 = arith.constant 80 : i32
      %mul3A_97 = arith.muli %add3A_93, %mul3A_96 : i32
      "tpu.region"() ({
        %run_scoped3A = tpu.sem_alloc : memref<!tpu.dma_semaphore, #tpu.memory_space<semaphore_mem>>
        %dma_start3A = arith.constant 0 : i32
        %dma_start3A_98 = tpu.memref_slice %arg5[%mul3A_97, %dma_start3A] : memref<10000x128xf32, #tpu.memory_space<hbm>> -> memref<80x128xf32, #tpu.memory_space<hbm>>
        %dma_start3A_99 = arith.constant 0 : i32
        %dma_start3A_100 = tpu.memref_slice %arg5[%mul3A_97, %dma_start3A_99] : memref<10000x128xf32, #tpu.memory_space<hbm>> -> memref<80x128xf32, #tpu.memory_space<hbm>>
        tpu.enqueue_dma source(%arg12 : memref<80x128xf32, #tpu.memory_space<vmem>>) target(%dma_start3A_100 : memref<80x128xf32, #tpu.memory_space<hbm>>) target_semaphore(%run_scoped3A : memref<!tpu.dma_semaphore, #tpu.memory_space<semaphore_mem>>)
        %dma_wait3A = arith.constant 0 : i32
        %dma_wait3A_101 = tpu.memref_slice %arg5[%mul3A_97, %dma_wait3A] : memref<10000x128xf32, #tpu.memory_space<hbm>> -> memref<80x128xf32, #tpu.memory_space<hbm>>
        %dma_wait3A_102 = arith.constant 0 : i32
        %dma_wait3A_103 = tpu.memref_slice %arg5[%mul3A_97, %dma_wait3A_102] : memref<10000x128xf32, #tpu.memory_space<hbm>> -> memref<80x128xf32, #tpu.memory_space<hbm>>
        tpu.wait_dma2 semaphore(%run_scoped3A : memref<!tpu.dma_semaphore, #tpu.memory_space<semaphore_mem>>) src(%arg12 : memref<80x128xf32, #tpu.memory_space<vmem>>) dst(%dma_wait3A_103 : memref<80x128xf32, #tpu.memory_space<hbm>>)
        tpu.yield
      }) : () -> ()
    } else {
    }
    %gt3A_58 = arith.constant 2 : i32
    %gt3A_59 = arith.cmpi sgt, %select_n3A, %gt3A_58 : i32
    %convert_element_type3A_60 = arith.extui %gt3A_59 : i1 to i32
    %cond3A_61 = arith.constant 0 : i32
    %cond3A_62 = arith.cmpi ne, %convert_element_type3A_60, %cond3A_61 : i32
    scf.if %cond3A_62 {
      %broadcast_in_dim3A = arith.constant 0.000000e+00 : f32
      %broadcast_in_dim3A_68 = vector.broadcast %broadcast_in_dim3A : f32 to vector<16xf32>
      %scan3A = arith.constant 0 : i32
      %scan3A_69 = arith.constant 0 : i32
      %scan3A_70 = arith.constant 80 : i32
      %scan3A_71 = arith.addi %scan3A_69, %scan3A_70 : i32
      %scan3A_72 = arith.constant 1 : i32
      scf.for %scan3A_98 = %scan3A_69 to %scan3A_71 step %scan3A_72  : i32 {
        %swap3A = arith.index_cast %scan3A_98 : i32 to index
        %swap3A_99 = arith.constant 0 : index
        %swap3A_100 = tpu.vector_load %arg11[%swap3A, %swap3A_99] {strides = array<i32>} : memref<80x128xf32, #tpu.memory_space<vmem>>, vector<1x16xf32>,
        %swap3A_101 = vector.shape_cast %swap3A_100 : vector<1x16xf32> to vector<16xf32>
        %swap3A_102 = vector.shape_cast %broadcast_in_dim3A_68 : vector<16xf32> to vector<1x16xf32>
        tpu.vector_store %arg11[%swap3A, %swap3A_99], %swap3A_102 {strides = array<i32>} : memref<80x128xf32, #tpu.memory_space<vmem>>, vector<1x16xf32>,
        %swap3A_103 = arith.index_cast %scan3A_98 : i32 to index
        %swap3A_104 = arith.constant 0 : index
        %swap3A_105 = tpu.vector_load %arg12[%swap3A_103, %swap3A_104] {strides = array<i32>} : memref<80x128xf32, #tpu.memory_space<vmem>>, vector<1x16xf32>,
        %swap3A_106 = vector.shape_cast %swap3A_105 : vector<1x16xf32> to vector<16xf32>
        %swap3A_107 = vector.shape_cast %broadcast_in_dim3A_68 : vector<16xf32> to vector<1x16xf32>
        tpu.vector_store %arg12[%swap3A_103, %swap3A_104], %swap3A_107 {strides = array<i32>} : memref<80x128xf32, #tpu.memory_space<vmem>>, vector<1x16xf32>,
        %swap3A_108 = arith.index_cast %scan3A_98 : i32 to index
        %swap3A_109 = arith.constant 16 : index
        %swap3A_110 = tpu.vector_load %arg11[%swap3A_108, %swap3A_109] {strides = array<i32>} : memref<80x128xf32, #tpu.memory_space<vmem>>, vector<1x16xf32>,
        %swap3A_111 = vector.shape_cast %swap3A_110 : vector<1x16xf32> to vector<16xf32>
        %swap3A_112 = vector.shape_cast %broadcast_in_dim3A_68 : vector<16xf32> to vector<1x16xf32>
        tpu.vector_store %arg11[%swap3A_108, %swap3A_109], %swap3A_112 {strides = array<i32>} : memref<80x128xf32, #tpu.memory_space<vmem>>, vector<1x16xf32>,
        %swap3A_113 = arith.index_cast %scan3A_98 : i32 to index
        %swap3A_114 = arith.constant 16 : index
        %swap3A_115 = tpu.vector_load %arg12[%swap3A_113, %swap3A_114] {strides = array<i32>} : memref<80x128xf32, #tpu.memory_space<vmem>>, vector<1x16xf32>,
        %swap3A_116 = vector.shape_cast %swap3A_115 : vector<1x16xf32> to vector<16xf32>
        %swap3A_117 = vector.shape_cast %broadcast_in_dim3A_68 : vector<16xf32> to vector<1x16xf32>
        tpu.vector_store %arg12[%swap3A_113, %swap3A_114], %swap3A_117 {strides = array<i32>} : memref<80x128xf32, #tpu.memory_space<vmem>>, vector<1x16xf32>,
        %swap3A_118 = arith.index_cast %scan3A_98 : i32 to index
        %swap3A_119 = arith.constant 32 : index
        %swap3A_120 = tpu.vector_load %arg11[%swap3A_118, %swap3A_119] {strides = array<i32>} : memref<80x128xf32, #tpu.memory_space<vmem>>, vector<1x16xf32>,
        %swap3A_121 = vector.shape_cast %swap3A_120 : vector<1x16xf32> to vector<16xf32>
        %swap3A_122 = vector.shape_cast %broadcast_in_dim3A_68 : vector<16xf32> to vector<1x16xf32>
        tpu.vector_store %arg11[%swap3A_118, %swap3A_119], %swap3A_122 {strides = array<i32>} : memref<80x128xf32, #tpu.memory_space<vmem>>, vector<1x16xf32>,
        %swap3A_123 = arith.index_cast %scan3A_98 : i32 to index
        %swap3A_124 = arith.constant 32 : index
        %swap3A_125 = tpu.vector_load %arg12[%swap3A_123, %swap3A_124] {strides = array<i32>} : memref<80x128xf32, #tpu.memory_space<vmem>>, vector<1x16xf32>,
        %swap3A_126 = vector.shape_cast %swap3A_125 : vector<1x16xf32> to vector<16xf32>
        %swap3A_127 = vector.shape_cast %broadcast_in_dim3A_68 : vector<16xf32> to vector<1x16xf32>
        tpu.vector_store %arg12[%swap3A_123, %swap3A_124], %swap3A_127 {strides = array<i32>} : memref<80x128xf32, #tpu.memory_space<vmem>>, vector<1x16xf32>,
        %swap3A_128 = arith.index_cast %scan3A_98 : i32 to index
        %swap3A_129 = arith.constant 48 : index
        %swap3A_130 = tpu.vector_load %arg11[%swap3A_128, %swap3A_129] {strides = array<i32>} : memref<80x128xf32, #tpu.memory_space<vmem>>, vector<1x16xf32>,
        %swap3A_131 = vector.shape_cast %swap3A_130 : vector<1x16xf32> to vector<16xf32>
        %swap3A_132 = vector.shape_cast %broadcast_in_dim3A_68 : vector<16xf32> to vector<1x16xf32>
        tpu.vector_store %arg11[%swap3A_128, %swap3A_129], %swap3A_132 {strides = array<i32>} : memref<80x128xf32, #tpu.memory_space<vmem>>, vector<1x16xf32>,
        %swap3A_133 = arith.index_cast %scan3A_98 : i32 to index
        %swap3A_134 = arith.constant 48 : index
        %swap3A_135 = tpu.vector_load %arg12[%swap3A_133, %swap3A_134] {strides = array<i32>} : memref<80x128xf32, #tpu.memory_space<vmem>>, vector<1x16xf32>,
        %swap3A_136 = vector.shape_cast %swap3A_135 : vector<1x16xf32> to vector<16xf32>
        %swap3A_137 = vector.shape_cast %broadcast_in_dim3A_68 : vector<16xf32> to vector<1x16xf32>
        tpu.vector_store %arg12[%swap3A_133, %swap3A_134], %swap3A_137 {strides = array<i32>} : memref<80x128xf32, #tpu.memory_space<vmem>>, vector<1x16xf32>,
        %swap3A_138 = arith.index_cast %scan3A_98 : i32 to index
        %swap3A_139 = arith.constant 64 : index
        %swap3A_140 = tpu.vector_load %arg11[%swap3A_138, %swap3A_139] {strides = array<i32>} : memref<80x128xf32, #tpu.memory_space<vmem>>, vector<1x16xf32>,
        %swap3A_141 = vector.shape_cast %swap3A_140 : vector<1x16xf32> to vector<16xf32>
        %swap3A_142 = vector.shape_cast %broadcast_in_dim3A_68 : vector<16xf32> to vector<1x16xf32>
        tpu.vector_store %arg11[%swap3A_138, %swap3A_139], %swap3A_142 {strides = array<i32>} : memref<80x128xf32, #tpu.memory_space<vmem>>, vector<1x16xf32>,
        %swap3A_143 = arith.index_cast %scan3A_98 : i32 to index
        %swap3A_144 = arith.constant 64 : index
        %swap3A_145 = tpu.vector_load %arg12[%swap3A_143, %swap3A_144] {strides = array<i32>} : memref<80x128xf32, #tpu.memory_space<vmem>>, vector<1x16xf32>,
        %swap3A_146 = vector.shape_cast %swap3A_145 : vector<1x16xf32> to vector<16xf32>
        %swap3A_147 = vector.shape_cast %broadcast_in_dim3A_68 : vector<16xf32> to vector<1x16xf32>
        tpu.vector_store %arg12[%swap3A_143, %swap3A_144], %swap3A_147 {strides = array<i32>} : memref<80x128xf32, #tpu.memory_space<vmem>>, vector<1x16xf32>,
        %swap3A_148 = arith.index_cast %scan3A_98 : i32 to index
        %swap3A_149 = arith.constant 80 : index
        %swap3A_150 = tpu.vector_load %arg11[%swap3A_148, %swap3A_149] {strides = array<i32>} : memref<80x128xf32, #tpu.memory_space<vmem>>, vector<1x16xf32>,
        %swap3A_151 = vector.shape_cast %swap3A_150 : vector<1x16xf32> to vector<16xf32>
        %swap3A_152 = vector.shape_cast %broadcast_in_dim3A_68 : vector<16xf32> to vector<1x16xf32>
        tpu.vector_store %arg11[%swap3A_148, %swap3A_149], %swap3A_152 {strides = array<i32>} : memref<80x128xf32, #tpu.memory_space<vmem>>, vector<1x16xf32>,
        %swap3A_153 = arith.index_cast %scan3A_98 : i32 to index
        %swap3A_154 = arith.constant 80 : index
        %swap3A_155 = tpu.vector_load %arg12[%swap3A_153, %swap3A_154] {strides = array<i32>} : memref<80x128xf32, #tpu.memory_space<vmem>>, vector<1x16xf32>,
        %swap3A_156 = vector.shape_cast %swap3A_155 : vector<1x16xf32> to vector<16xf32>
        %swap3A_157 = vector.shape_cast %broadcast_in_dim3A_68 : vector<16xf32> to vector<1x16xf32>
        tpu.vector_store %arg12[%swap3A_153, %swap3A_154], %swap3A_157 {strides = array<i32>} : memref<80x128xf32, #tpu.memory_space<vmem>>, vector<1x16xf32>,
        %swap3A_158 = arith.index_cast %scan3A_98 : i32 to index
        %swap3A_159 = arith.constant 96 : index
        %swap3A_160 = tpu.vector_load %arg11[%swap3A_158, %swap3A_159] {strides = array<i32>} : memref<80x128xf32, #tpu.memory_space<vmem>>, vector<1x16xf32>,
        %swap3A_161 = vector.shape_cast %swap3A_160 : vector<1x16xf32> to vector<16xf32>
        %swap3A_162 = vector.shape_cast %broadcast_in_dim3A_68 : vector<16xf32> to vector<1x16xf32>
        tpu.vector_store %arg11[%swap3A_158, %swap3A_159], %swap3A_162 {strides = array<i32>} : memref<80x128xf32, #tpu.memory_space<vmem>>, vector<1x16xf32>,
        %swap3A_163 = arith.index_cast %scan3A_98 : i32 to index
        %swap3A_164 = arith.constant 96 : index
        %swap3A_165 = tpu.vector_load %arg12[%swap3A_163, %swap3A_164] {strides = array<i32>} : memref<80x128xf32, #tpu.memory_space<vmem>>, vector<1x16xf32>,
        %swap3A_166 = vector.shape_cast %swap3A_165 : vector<1x16xf32> to vector<16xf32>
        %swap3A_167 = vector.shape_cast %broadcast_in_dim3A_68 : vector<16xf32> to vector<1x16xf32>
        tpu.vector_store %arg12[%swap3A_163, %swap3A_164], %swap3A_167 {strides = array<i32>} : memref<80x128xf32, #tpu.memory_space<vmem>>, vector<1x16xf32>,
        %swap3A_168 = arith.index_cast %scan3A_98 : i32 to index
        %swap3A_169 = arith.constant 112 : index
        %swap3A_170 = tpu.vector_load %arg11[%swap3A_168, %swap3A_169] {strides = array<i32>} : memref<80x128xf32, #tpu.memory_space<vmem>>, vector<1x16xf32>,
        %swap3A_171 = vector.shape_cast %swap3A_170 : vector<1x16xf32> to vector<16xf32>
        %swap3A_172 = vector.shape_cast %broadcast_in_dim3A_68 : vector<16xf32> to vector<1x16xf32>
        tpu.vector_store %arg11[%swap3A_168, %swap3A_169], %swap3A_172 {strides = array<i32>} : memref<80x128xf32, #tpu.memory_space<vmem>>, vector<1x16xf32>,
        %swap3A_173 = arith.index_cast %scan3A_98 : i32 to index
        %swap3A_174 = arith.constant 112 : index
        %swap3A_175 = tpu.vector_load %arg12[%swap3A_173, %swap3A_174] {strides = array<i32>} : memref<80x128xf32, #tpu.memory_space<vmem>>, vector<1x16xf32>,
        %swap3A_176 = vector.shape_cast %swap3A_175 : vector<1x16xf32> to vector<16xf32>
        %swap3A_177 = vector.shape_cast %broadcast_in_dim3A_68 : vector<16xf32> to vector<1x16xf32>
        tpu.vector_store %arg12[%swap3A_173, %swap3A_174], %swap3A_177 {strides = array<i32>} : memref<80x128xf32, #tpu.memory_space<vmem>>, vector<1x16xf32>,
      }
      %scan3A_73 = arith.constant 80 : i32
      %scan3A_74 = arith.constant 0 : i32
      %scan3A_75 = arith.constant 0 : i32
      %scan3A_76 = arith.constant 32 : i32
      %scan3A_77 = arith.addi %scan3A_75, %scan3A_76 : i32
      %scan3A_78 = arith.constant 1 : i32
      scf.for %scan3A_98 = %scan3A_75 to %scan3A_77 step %scan3A_78  : i32 {
        %lt3A_99 = arith.constant 20 : i32
        %lt3A_100 = arith.cmpi slt, %scan3A_98, %lt3A_99 : i32
        %convert_element_type3A_101 = arith.extui %lt3A_100 : i1 to i32
        %cond3A_102 = arith.constant 0 : i32
        %cond3A_103 = arith.cmpi ne, %convert_element_type3A_101, %cond3A_102 : i32
        scf.if %cond3A_103 {
          %dma_start3A = arith.constant 0 : i32
          %dma_start3A_108 = tpu.memref_slice %arg9[%scan3A_98, %dma_start3A] : memref<32x80xi32, #tpu.memory_space<vmem>> -> memref<1x80xi32, #tpu.memory_space<vmem>>
          %dma_start3A_109 = tpu.memref_squeeze %dma_start3A_108 : memref<1x80xi32, #tpu.memory_space<vmem>> -> memref<80xi32, #tpu.memory_space<vmem>>
          %dma_start3A_110 = arith.constant 0 : i32
          %dma_start3A_111 = arith.constant 0 : i32
          %dma_start3A_112 = tpu.memref_slice %arg6[%dma_start3A_110, %dma_start3A_111] : memref<10000x128xf32, #tpu.memory_space<vmem_shared>> -> memref<10000x128xf32, #tpu.memory_space<vmem_shared>>
          tpu.enqueue_indirect_dma source(%dma_start3A_112 : memref<10000x128xf32, #tpu.memory_space<vmem_shared>>) target(%arg11 : memref<80x128xf32, #tpu.memory_space<vmem>>) offsets(%dma_start3A_109 : memref<80xi32, #tpu.memory_space<vmem>>) semaphore(%arg13 : memref<!tpu.dma_semaphore, #tpu.memory_space<semaphore_mem>>) {add = true}
        } else {
        }
        %ge3A = arith.constant 20 : i32
        %ge3A_104 = arith.cmpi sge, %scan3A_98, %ge3A : i32
        %convert_element_type3A_105 = arith.extui %ge3A_104 : i1 to i32
        %cond3A_106 = arith.constant 0 : i32
        %cond3A_107 = arith.cmpi ne, %convert_element_type3A_105, %cond3A_106 : i32
        scf.if %cond3A_107 {
          %dma_start3A = arith.constant 0 : i32
          %dma_start3A_108 = tpu.memref_slice %arg9[%scan3A_98, %dma_start3A] : memref<32x80xi32, #tpu.memory_space<vmem>> -> memref<1x80xi32, #tpu.memory_space<vmem>>
          %dma_start3A_109 = tpu.memref_squeeze %dma_start3A_108 : memref<1x80xi32, #tpu.memory_space<vmem>> -> memref<80xi32, #tpu.memory_space<vmem>>
          %dma_start3A_110 = arith.constant 0 : i32
          %dma_start3A_111 = arith.constant 0 : i32
          %dma_start3A_112 = tpu.memref_slice %arg2[%dma_start3A_110, %dma_start3A_111] : memref<10000x128xf32, #tpu.memory_space<hbm>> -> memref<10000x128xf32, #tpu.memory_space<hbm>>
          tpu.enqueue_indirect_dma source(%dma_start3A_112 : memref<10000x128xf32, #tpu.memory_space<hbm>>) target(%arg12 : memref<80x128xf32, #tpu.memory_space<vmem>>) offsets(%dma_start3A_109 : memref<80xi32, #tpu.memory_space<vmem>>) semaphore(%arg14 : memref<!tpu.dma_semaphore, #tpu.memory_space<semaphore_mem>>) {add = true}
        } else {
        }
      }
      %scan3A_79 = arith.constant 32 : i32
      %scan3A_80 = arith.constant 0 : i32
      %scan3A_81 = arith.constant 0 : i32
      %scan3A_82 = arith.constant 20 : i32
      %scan3A_83 = arith.addi %scan3A_81, %scan3A_82 : i32
      %scan3A_84 = arith.constant 1 : i32
      scf.for %scan3A_98 = %scan3A_81 to %scan3A_83 step %scan3A_84  : i32 {
        %dma_wait3A = arith.constant 0 : i32
        %dma_wait3A_99 = arith.constant 0 : i32
        %dma_wait3A_100 = tpu.memref_slice %arg2[%dma_wait3A, %dma_wait3A_99] : memref<10000x128xf32, #tpu.memory_space<hbm>> -> memref<80x128xf32, #tpu.memory_space<hbm>>
        %dma_wait3A_101 = arith.constant 0 : i32
        %dma_wait3A_102 = arith.constant 0 : i32
        %dma_wait3A_103 = tpu.memref_slice %arg2[%dma_wait3A_101, %dma_wait3A_102] : memref<10000x128xf32, #tpu.memory_space<hbm>> -> memref<80x128xf32, #tpu.memory_space<hbm>>
        tpu.wait_dma2 semaphore(%arg13 : memref<!tpu.dma_semaphore, #tpu.memory_space<semaphore_mem>>) src(%dma_wait3A_103 : memref<80x128xf32, #tpu.memory_space<hbm>>) dst(%arg11 : memref<80x128xf32, #tpu.memory_space<vmem>>)
      }
      %scan3A_85 = arith.constant 20 : i32
      %scan3A_86 = arith.constant 0 : i32
      %scan3A_87 = arith.constant 0 : i32
      %scan3A_88 = arith.constant 12 : i32
      %scan3A_89 = arith.addi %scan3A_87, %scan3A_88 : i32
      %scan3A_90 = arith.constant 1 : i32
      scf.for %scan3A_98 = %scan3A_87 to %scan3A_89 step %scan3A_90  : i32 {
        %dma_wait3A = arith.constant 0 : i32
        %dma_wait3A_99 = arith.constant 0 : i32
        %dma_wait3A_100 = tpu.memref_slice %arg2[%dma_wait3A, %dma_wait3A_99] : memref<10000x128xf32, #tpu.memory_space<hbm>> -> memref<80x128xf32, #tpu.memory_space<hbm>>
        %dma_wait3A_101 = arith.constant 0 : i32
        %dma_wait3A_102 = arith.constant 0 : i32
        %dma_wait3A_103 = tpu.memref_slice %arg2[%dma_wait3A_101, %dma_wait3A_102] : memref<10000x128xf32, #tpu.memory_space<hbm>> -> memref<80x128xf32, #tpu.memory_space<hbm>>
        tpu.wait_dma2 semaphore(%arg14 : memref<!tpu.dma_semaphore, #tpu.memory_space<semaphore_mem>>) src(%dma_wait3A_103 : memref<80x128xf32, #tpu.memory_space<hbm>>) dst(%arg12 : memref<80x128xf32, #tpu.memory_space<vmem>>)
      }
      %scan3A_91 = arith.constant 12 : i32
      %add3A_92 = arith.constant 64 : i32
      %add3A_93 = arith.addi %add3A, %add3A_92 : i32
      %mul3A_94 = arith.constant 80 : i32
      %mul3A_95 = arith.muli %add3A_93, %mul3A_94 : i32
      "tpu.region"() ({
        %run_scoped3A = tpu.sem_alloc : memref<!tpu.dma_semaphore, #tpu.memory_space<semaphore_mem>>
        %dma_start3A = arith.constant 0 : i32
        %dma_start3A_98 = tpu.memref_slice %arg4[%mul3A_95, %dma_start3A] : memref<10000x128xf32, #tpu.memory_space<hbm>> -> memref<80x128xf32, #tpu.memory_space<hbm>>
        %dma_start3A_99 = arith.constant 0 : i32
        %dma_start3A_100 = tpu.memref_slice %arg4[%mul3A_95, %dma_start3A_99] : memref<10000x128xf32, #tpu.memory_space<hbm>> -> memref<80x128xf32, #tpu.memory_space<hbm>>
        tpu.enqueue_dma source(%arg11 : memref<80x128xf32, #tpu.memory_space<vmem>>) target(%dma_start3A_100 : memref<80x128xf32, #tpu.memory_space<hbm>>) target_semaphore(%run_scoped3A : memref<!tpu.dma_semaphore, #tpu.memory_space<semaphore_mem>>)
        %dma_wait3A = arith.constant 0 : i32
        %dma_wait3A_101 = tpu.memref_slice %arg4[%mul3A_95, %dma_wait3A] : memref<10000x128xf32, #tpu.memory_space<hbm>> -> memref<80x128xf32, #tpu.memory_space<hbm>>
        %dma_wait3A_102 = arith.constant 0 : i32
        %dma_wait3A_103 = tpu.memref_slice %arg4[%mul3A_95, %dma_wait3A_102] : memref<10000x128xf32, #tpu.memory_space<hbm>> -> memref<80x128xf32, #tpu.memory_space<hbm>>
        tpu.wait_dma2 semaphore(%run_scoped3A : memref<!tpu.dma_semaphore, #tpu.memory_space<semaphore_mem>>) src(%arg11 : memref<80x128xf32, #tpu.memory_space<vmem>>) dst(%dma_wait3A_103 : memref<80x128xf32, #tpu.memory_space<hbm>>)
        tpu.yield
      }) : () -> ()
      %mul3A_96 = arith.constant 80 : i32
      %mul3A_97 = arith.muli %add3A_93, %mul3A_96 : i32
      "tpu.region"() ({
        %run_scoped3A = tpu.sem_alloc : memref<!tpu.dma_semaphore, #tpu.memory_space<semaphore_mem>>
        %dma_start3A = arith.constant 0 : i32
        %dma_start3A_98 = tpu.memref_slice %arg5[%mul3A_97, %dma_start3A] : memref<10000x128xf32, #tpu.memory_space<hbm>> -> memref<80x128xf32, #tpu.memory_space<hbm>>
        %dma_start3A_99 = arith.constant 0 : i32
        %dma_start3A_100 = tpu.memref_slice %arg5[%mul3A_97, %dma_start3A_99] : memref<10000x128xf32, #tpu.memory_space<hbm>> -> memref<80x128xf32, #tpu.memory_space<hbm>>
        tpu.enqueue_dma source(%arg12 : memref<80x128xf32, #tpu.memory_space<vmem>>) target(%dma_start3A_100 : memref<80x128xf32, #tpu.memory_space<hbm>>) target_semaphore(%run_scoped3A : memref<!tpu.dma_semaphore, #tpu.memory_space<semaphore_mem>>)
        %dma_wait3A = arith.constant 0 : i32
        %dma_wait3A_101 = tpu.memref_slice %arg5[%mul3A_97, %dma_wait3A] : memref<10000x128xf32, #tpu.memory_space<hbm>> -> memref<80x128xf32, #tpu.memory_space<hbm>>
        %dma_wait3A_102 = arith.constant 0 : i32
        %dma_wait3A_103 = tpu.memref_slice %arg5[%mul3A_97, %dma_wait3A_102] : memref<10000x128xf32, #tpu.memory_space<hbm>> -> memref<80x128xf32, #tpu.memory_space<hbm>>
        tpu.wait_dma2 semaphore(%run_scoped3A : memref<!tpu.dma_semaphore, #tpu.memory_space<semaphore_mem>>) src(%arg12 : memref<80x128xf32, #tpu.memory_space<vmem>>) dst(%dma_wait3A_103 : memref<80x128xf32, #tpu.memory_space<hbm>>)
        tpu.yield
      }) : () -> ()
    } else {
    }
    %gt3A_63 = arith.constant 3 : i32
    %gt3A_64 = arith.cmpi sgt, %select_n3A, %gt3A_63 : i32
    %convert_element_type3A_65 = arith.extui %gt3A_64 : i1 to i32
    %cond3A_66 = arith.constant 0 : i32
    %cond3A_67 = arith.cmpi ne, %convert_element_type3A_65, %cond3A_66 : i32
    scf.if %cond3A_67 {
      %broadcast_in_dim3A = arith.constant 0.000000e+00 : f32
      %broadcast_in_dim3A_68 = vector.broadcast %broadcast_in_dim3A : f32 to vector<16xf32>
      %scan3A = arith.constant 0 : i32
      %scan3A_69 = arith.constant 0 : i32
      %scan3A_70 = arith.constant 80 : i32
      %scan3A_71 = arith.addi %scan3A_69, %scan3A_70 : i32
      %scan3A_72 = arith.constant 1 : i32
      scf.for %scan3A_98 = %scan3A_69 to %scan3A_71 step %scan3A_72  : i32 {
        %swap3A = arith.index_cast %scan3A_98 : i32 to index
        %swap3A_99 = arith.constant 0 : index
        %swap3A_100 = tpu.vector_load %arg11[%swap3A, %swap3A_99] {strides = array<i32>} : memref<80x128xf32, #tpu.memory_space<vmem>>, vector<1x16xf32>,
        %swap3A_101 = vector.shape_cast %swap3A_100 : vector<1x16xf32> to vector<16xf32>
        %swap3A_102 = vector.shape_cast %broadcast_in_dim3A_68 : vector<16xf32> to vector<1x16xf32>
        tpu.vector_store %arg11[%swap3A, %swap3A_99], %swap3A_102 {strides = array<i32>} : memref<80x128xf32, #tpu.memory_space<vmem>>, vector<1x16xf32>,
        %swap3A_103 = arith.index_cast %scan3A_98 : i32 to index
        %swap3A_104 = arith.constant 0 : index
        %swap3A_105 = tpu.vector_load %arg12[%swap3A_103, %swap3A_104] {strides = array<i32>} : memref<80x128xf32, #tpu.memory_space<vmem>>, vector<1x16xf32>,
        %swap3A_106 = vector.shape_cast %swap3A_105 : vector<1x16xf32> to vector<16xf32>
        %swap3A_107 = vector.shape_cast %broadcast_in_dim3A_68 : vector<16xf32> to vector<1x16xf32>
        tpu.vector_store %arg12[%swap3A_103, %swap3A_104], %swap3A_107 {strides = array<i32>} : memref<80x128xf32, #tpu.memory_space<vmem>>, vector<1x16xf32>,
        %swap3A_108 = arith.index_cast %scan3A_98 : i32 to index
        %swap3A_109 = arith.constant 16 : index
        %swap3A_110 = tpu.vector_load %arg11[%swap3A_108, %swap3A_109] {strides = array<i32>} : memref<80x128xf32, #tpu.memory_space<vmem>>, vector<1x16xf32>,
        %swap3A_111 = vector.shape_cast %swap3A_110 : vector<1x16xf32> to vector<16xf32>
        %swap3A_112 = vector.shape_cast %broadcast_in_dim3A_68 : vector<16xf32> to vector<1x16xf32>
        tpu.vector_store %arg11[%swap3A_108, %swap3A_109], %swap3A_112 {strides = array<i32>} : memref<80x128xf32, #tpu.memory_space<vmem>>, vector<1x16xf32>,
        %swap3A_113 = arith.index_cast %scan3A_98 : i32 to index
        %swap3A_114 = arith.constant 16 : index
        %swap3A_115 = tpu.vector_load %arg12[%swap3A_113, %swap3A_114] {strides = array<i32>} : memref<80x128xf32, #tpu.memory_space<vmem>>, vector<1x16xf32>,
        %swap3A_116 = vector.shape_cast %swap3A_115 : vector<1x16xf32> to vector<16xf32>
        %swap3A_117 = vector.shape_cast %broadcast_in_dim3A_68 : vector<16xf32> to vector<1x16xf32>
        tpu.vector_store %arg12[%swap3A_113, %swap3A_114], %swap3A_117 {strides = array<i32>} : memref<80x128xf32, #tpu.memory_space<vmem>>, vector<1x16xf32>,
        %swap3A_118 = arith.index_cast %scan3A_98 : i32 to index
        %swap3A_119 = arith.constant 32 : index
        %swap3A_120 = tpu.vector_load %arg11[%swap3A_118, %swap3A_119] {strides = array<i32>} : memref<80x128xf32, #tpu.memory_space<vmem>>, vector<1x16xf32>,
        %swap3A_121 = vector.shape_cast %swap3A_120 : vector<1x16xf32> to vector<16xf32>
        %swap3A_122 = vector.shape_cast %broadcast_in_dim3A_68 : vector<16xf32> to vector<1x16xf32>
        tpu.vector_store %arg11[%swap3A_118, %swap3A_119], %swap3A_122 {strides = array<i32>} : memref<80x128xf32, #tpu.memory_space<vmem>>, vector<1x16xf32>,
        %swap3A_123 = arith.index_cast %scan3A_98 : i32 to index
        %swap3A_124 = arith.constant 32 : index
        %swap3A_125 = tpu.vector_load %arg12[%swap3A_123, %swap3A_124] {strides = array<i32>} : memref<80x128xf32, #tpu.memory_space<vmem>>, vector<1x16xf32>,
        %swap3A_126 = vector.shape_cast %swap3A_125 : vector<1x16xf32> to vector<16xf32>
        %swap3A_127 = vector.shape_cast %broadcast_in_dim3A_68 : vector<16xf32> to vector<1x16xf32>
        tpu.vector_store %arg12[%swap3A_123, %swap3A_124], %swap3A_127 {strides = array<i32>} : memref<80x128xf32, #tpu.memory_space<vmem>>, vector<1x16xf32>,
        %swap3A_128 = arith.index_cast %scan3A_98 : i32 to index
        %swap3A_129 = arith.constant 48 : index
        %swap3A_130 = tpu.vector_load %arg11[%swap3A_128, %swap3A_129] {strides = array<i32>} : memref<80x128xf32, #tpu.memory_space<vmem>>, vector<1x16xf32>,
        %swap3A_131 = vector.shape_cast %swap3A_130 : vector<1x16xf32> to vector<16xf32>
        %swap3A_132 = vector.shape_cast %broadcast_in_dim3A_68 : vector<16xf32> to vector<1x16xf32>
        tpu.vector_store %arg11[%swap3A_128, %swap3A_129], %swap3A_132 {strides = array<i32>} : memref<80x128xf32, #tpu.memory_space<vmem>>, vector<1x16xf32>,
        %swap3A_133 = arith.index_cast %scan3A_98 : i32 to index
        %swap3A_134 = arith.constant 48 : index
        %swap3A_135 = tpu.vector_load %arg12[%swap3A_133, %swap3A_134] {strides = array<i32>} : memref<80x128xf32, #tpu.memory_space<vmem>>, vector<1x16xf32>,
        %swap3A_136 = vector.shape_cast %swap3A_135 : vector<1x16xf32> to vector<16xf32>
        %swap3A_137 = vector.shape_cast %broadcast_in_dim3A_68 : vector<16xf32> to vector<1x16xf32>
        tpu.vector_store %arg12[%swap3A_133, %swap3A_134], %swap3A_137 {strides = array<i32>} : memref<80x128xf32, #tpu.memory_space<vmem>>, vector<1x16xf32>,
        %swap3A_138 = arith.index_cast %scan3A_98 : i32 to index
        %swap3A_139 = arith.constant 64 : index
        %swap3A_140 = tpu.vector_load %arg11[%swap3A_138, %swap3A_139] {strides = array<i32>} : memref<80x128xf32, #tpu.memory_space<vmem>>, vector<1x16xf32>,
        %swap3A_141 = vector.shape_cast %swap3A_140 : vector<1x16xf32> to vector<16xf32>
        %swap3A_142 = vector.shape_cast %broadcast_in_dim3A_68 : vector<16xf32> to vector<1x16xf32>
        tpu.vector_store %arg11[%swap3A_138, %swap3A_139], %swap3A_142 {strides = array<i32>} : memref<80x128xf32, #tpu.memory_space<vmem>>, vector<1x16xf32>,
        %swap3A_143 = arith.index_cast %scan3A_98 : i32 to index
        %swap3A_144 = arith.constant 64 : index
        %swap3A_145 = tpu.vector_load %arg12[%swap3A_143, %swap3A_144] {strides = array<i32>} : memref<80x128xf32, #tpu.memory_space<vmem>>, vector<1x16xf32>,
        %swap3A_146 = vector.shape_cast %swap3A_145 : vector<1x16xf32> to vector<16xf32>
        %swap3A_147 = vector.shape_cast %broadcast_in_dim3A_68 : vector<16xf32> to vector<1x16xf32>
        tpu.vector_store %arg12[%swap3A_143, %swap3A_144], %swap3A_147 {strides = array<i32>} : memref<80x128xf32, #tpu.memory_space<vmem>>, vector<1x16xf32>,
        %swap3A_148 = arith.index_cast %scan3A_98 : i32 to index
        %swap3A_149 = arith.constant 80 : index
        %swap3A_150 = tpu.vector_load %arg11[%swap3A_148, %swap3A_149] {strides = array<i32>} : memref<80x128xf32, #tpu.memory_space<vmem>>, vector<1x16xf32>,
        %swap3A_151 = vector.shape_cast %swap3A_150 : vector<1x16xf32> to vector<16xf32>
        %swap3A_152 = vector.shape_cast %broadcast_in_dim3A_68 : vector<16xf32> to vector<1x16xf32>
        tpu.vector_store %arg11[%swap3A_148, %swap3A_149], %swap3A_152 {strides = array<i32>} : memref<80x128xf32, #tpu.memory_space<vmem>>, vector<1x16xf32>,
        %swap3A_153 = arith.index_cast %scan3A_98 : i32 to index
        %swap3A_154 = arith.constant 80 : index
        %swap3A_155 = tpu.vector_load %arg12[%swap3A_153, %swap3A_154] {strides = array<i32>} : memref<80x128xf32, #tpu.memory_space<vmem>>, vector<1x16xf32>,
        %swap3A_156 = vector.shape_cast %swap3A_155 : vector<1x16xf32> to vector<16xf32>
        %swap3A_157 = vector.shape_cast %broadcast_in_dim3A_68 : vector<16xf32> to vector<1x16xf32>
        tpu.vector_store %arg12[%swap3A_153, %swap3A_154], %swap3A_157 {strides = array<i32>} : memref<80x128xf32, #tpu.memory_space<vmem>>, vector<1x16xf32>,
        %swap3A_158 = arith.index_cast %scan3A_98 : i32 to index
        %swap3A_159 = arith.constant 96 : index
        %swap3A_160 = tpu.vector_load %arg11[%swap3A_158, %swap3A_159] {strides = array<i32>} : memref<80x128xf32, #tpu.memory_space<vmem>>, vector<1x16xf32>,
        %swap3A_161 = vector.shape_cast %swap3A_160 : vector<1x16xf32> to vector<16xf32>
        %swap3A_162 = vector.shape_cast %broadcast_in_dim3A_68 : vector<16xf32> to vector<1x16xf32>
        tpu.vector_store %arg11[%swap3A_158, %swap3A_159], %swap3A_162 {strides = array<i32>} : memref<80x128xf32, #tpu.memory_space<vmem>>, vector<1x16xf32>,
        %swap3A_163 = arith.index_cast %scan3A_98 : i32 to index
        %swap3A_164 = arith.constant 96 : index
        %swap3A_165 = tpu.vector_load %arg12[%swap3A_163, %swap3A_164] {strides = array<i32>} : memref<80x128xf32, #tpu.memory_space<vmem>>, vector<1x16xf32>,
        %swap3A_166 = vector.shape_cast %swap3A_165 : vector<1x16xf32> to vector<16xf32>
        %swap3A_167 = vector.shape_cast %broadcast_in_dim3A_68 : vector<16xf32> to vector<1x16xf32>
        tpu.vector_store %arg12[%swap3A_163, %swap3A_164], %swap3A_167 {strides = array<i32>} : memref<80x128xf32, #tpu.memory_space<vmem>>, vector<1x16xf32>,
        %swap3A_168 = arith.index_cast %scan3A_98 : i32 to index
        %swap3A_169 = arith.constant 112 : index
        %swap3A_170 = tpu.vector_load %arg11[%swap3A_168, %swap3A_169] {strides = array<i32>} : memref<80x128xf32, #tpu.memory_space<vmem>>, vector<1x16xf32>,
        %swap3A_171 = vector.shape_cast %swap3A_170 : vector<1x16xf32> to vector<16xf32>
        %swap3A_172 = vector.shape_cast %broadcast_in_dim3A_68 : vector<16xf32> to vector<1x16xf32>
        tpu.vector_store %arg11[%swap3A_168, %swap3A_169], %swap3A_172 {strides = array<i32>} : memref<80x128xf32, #tpu.memory_space<vmem>>, vector<1x16xf32>,
        %swap3A_173 = arith.index_cast %scan3A_98 : i32 to index
        %swap3A_174 = arith.constant 112 : index
        %swap3A_175 = tpu.vector_load %arg12[%swap3A_173, %swap3A_174] {strides = array<i32>} : memref<80x128xf32, #tpu.memory_space<vmem>>, vector<1x16xf32>,
        %swap3A_176 = vector.shape_cast %swap3A_175 : vector<1x16xf32> to vector<16xf32>
        %swap3A_177 = vector.shape_cast %broadcast_in_dim3A_68 : vector<16xf32> to vector<1x16xf32>
        tpu.vector_store %arg12[%swap3A_173, %swap3A_174], %swap3A_177 {strides = array<i32>} : memref<80x128xf32, #tpu.memory_space<vmem>>, vector<1x16xf32>,
      }
      %scan3A_73 = arith.constant 80 : i32
      %scan3A_74 = arith.constant 0 : i32
      %scan3A_75 = arith.constant 0 : i32
      %scan3A_76 = arith.constant 32 : i32
      %scan3A_77 = arith.addi %scan3A_75, %scan3A_76 : i32
      %scan3A_78 = arith.constant 1 : i32
      scf.for %scan3A_98 = %scan3A_75 to %scan3A_77 step %scan3A_78  : i32 {
        %lt3A_99 = arith.constant 20 : i32
        %lt3A_100 = arith.cmpi slt, %scan3A_98, %lt3A_99 : i32
        %convert_element_type3A_101 = arith.extui %lt3A_100 : i1 to i32
        %cond3A_102 = arith.constant 0 : i32
        %cond3A_103 = arith.cmpi ne, %convert_element_type3A_101, %cond3A_102 : i32
        scf.if %cond3A_103 {
          %dma_start3A = arith.constant 0 : i32
          %dma_start3A_108 = tpu.memref_slice %arg10[%scan3A_98, %dma_start3A] : memref<32x80xi32, #tpu.memory_space<vmem>> -> memref<1x80xi32, #tpu.memory_space<vmem>>
          %dma_start3A_109 = tpu.memref_squeeze %dma_start3A_108 : memref<1x80xi32, #tpu.memory_space<vmem>> -> memref<80xi32, #tpu.memory_space<vmem>>
          %dma_start3A_110 = arith.constant 0 : i32
          %dma_start3A_111 = arith.constant 0 : i32
          %dma_start3A_112 = tpu.memref_slice %arg6[%dma_start3A_110, %dma_start3A_111] : memref<10000x128xf32, #tpu.memory_space<vmem_shared>> -> memref<10000x128xf32, #tpu.memory_space<vmem_shared>>
          tpu.enqueue_indirect_dma source(%dma_start3A_112 : memref<10000x128xf32, #tpu.memory_space<vmem_shared>>) target(%arg11 : memref<80x128xf32, #tpu.memory_space<vmem>>) offsets(%dma_start3A_109 : memref<80xi32, #tpu.memory_space<vmem>>) semaphore(%arg13 : memref<!tpu.dma_semaphore, #tpu.memory_space<semaphore_mem>>) {add = true}
        } else {
        }
        %ge3A = arith.constant 20 : i32
        %ge3A_104 = arith.cmpi sge, %scan3A_98, %ge3A : i32
        %convert_element_type3A_105 = arith.extui %ge3A_104 : i1 to i32
        %cond3A_106 = arith.constant 0 : i32
        %cond3A_107 = arith.cmpi ne, %convert_element_type3A_105, %cond3A_106 : i32
        scf.if %cond3A_107 {
          %dma_start3A = arith.constant 0 : i32
          %dma_start3A_108 = tpu.memref_slice %arg10[%scan3A_98, %dma_start3A] : memref<32x80xi32, #tpu.memory_space<vmem>> -> memref<1x80xi32, #tpu.memory_space<vmem>>
          %dma_start3A_109 = tpu.memref_squeeze %dma_start3A_108 : memref<1x80xi32, #tpu.memory_space<vmem>> -> memref<80xi32, #tpu.memory_space<vmem>>
          %dma_start3A_110 = arith.constant 0 : i32
          %dma_start3A_111 = arith.constant 0 : i32
          %dma_start3A_112 = tpu.memref_slice %arg2[%dma_start3A_110, %dma_start3A_111] : memref<10000x128xf32, #tpu.memory_space<hbm>> -> memref<10000x128xf32, #tpu.memory_space<hbm>>
          tpu.enqueue_indirect_dma source(%dma_start3A_112 : memref<10000x128xf32, #tpu.memory_space<hbm>>) target(%arg12 : memref<80x128xf32, #tpu.memory_space<vmem>>) offsets(%dma_start3A_109 : memref<80xi32, #tpu.memory_space<vmem>>) semaphore(%arg14 : memref<!tpu.dma_semaphore, #tpu.memory_space<semaphore_mem>>) {add = true}
        } else {
        }
      }
      %scan3A_79 = arith.constant 32 : i32
      %scan3A_80 = arith.constant 0 : i32
      %scan3A_81 = arith.constant 0 : i32
      %scan3A_82 = arith.constant 20 : i32
      %scan3A_83 = arith.addi %scan3A_81, %scan3A_82 : i32
      %scan3A_84 = arith.constant 1 : i32
      scf.for %scan3A_98 = %scan3A_81 to %scan3A_83 step %scan3A_84  : i32 {
        %dma_wait3A = arith.constant 0 : i32
        %dma_wait3A_99 = arith.constant 0 : i32
        %dma_wait3A_100 = tpu.memref_slice %arg2[%dma_wait3A, %dma_wait3A_99] : memref<10000x128xf32, #tpu.memory_space<hbm>> -> memref<80x128xf32, #tpu.memory_space<hbm>>
        %dma_wait3A_101 = arith.constant 0 : i32
        %dma_wait3A_102 = arith.constant 0 : i32
        %dma_wait3A_103 = tpu.memref_slice %arg2[%dma_wait3A_101, %dma_wait3A_102] : memref<10000x128xf32, #tpu.memory_space<hbm>> -> memref<80x128xf32, #tpu.memory_space<hbm>>
        tpu.wait_dma2 semaphore(%arg13 : memref<!tpu.dma_semaphore, #tpu.memory_space<semaphore_mem>>) src(%dma_wait3A_103 : memref<80x128xf32, #tpu.memory_space<hbm>>) dst(%arg11 : memref<80x128xf32, #tpu.memory_space<vmem>>)
      }
      %scan3A_85 = arith.constant 20 : i32
      %scan3A_86 = arith.constant 0 : i32
      %scan3A_87 = arith.constant 0 : i32
      %scan3A_88 = arith.constant 12 : i32
      %scan3A_89 = arith.addi %scan3A_87, %scan3A_88 : i32
      %scan3A_90 = arith.constant 1 : i32
      scf.for %scan3A_98 = %scan3A_87 to %scan3A_89 step %scan3A_90  : i32 {
        %dma_wait3A = arith.constant 0 : i32
        %dma_wait3A_99 = arith.constant 0 : i32
        %dma_wait3A_100 = tpu.memref_slice %arg2[%dma_wait3A, %dma_wait3A_99] : memref<10000x128xf32, #tpu.memory_space<hbm>> -> memref<80x128xf32, #tpu.memory_space<hbm>>
        %dma_wait3A_101 = arith.constant 0 : i32
        %dma_wait3A_102 = arith.constant 0 : i32
        %dma_wait3A_103 = tpu.memref_slice %arg2[%dma_wait3A_101, %dma_wait3A_102] : memref<10000x128xf32, #tpu.memory_space<hbm>> -> memref<80x128xf32, #tpu.memory_space<hbm>>
        tpu.wait_dma2 semaphore(%arg14 : memref<!tpu.dma_semaphore, #tpu.memory_space<semaphore_mem>>) src(%dma_wait3A_103 : memref<80x128xf32, #tpu.memory_space<hbm>>) dst(%arg12 : memref<80x128xf32, #tpu.memory_space<vmem>>)
      }
      %scan3A_91 = arith.constant 12 : i32
      %add3A_92 = arith.constant 96 : i32
      %add3A_93 = arith.addi %add3A, %add3A_92 : i32
      %mul3A_94 = arith.constant 80 : i32
      %mul3A_95 = arith.muli %add3A_93, %mul3A_94 : i32
      "tpu.region"() ({
        %run_scoped3A = tpu.sem_alloc : memref<!tpu.dma_semaphore, #tpu.memory_space<semaphore_mem>>
        %dma_start3A = arith.constant 0 : i32
        %dma_start3A_98 = tpu.memref_slice %arg4[%mul3A_95, %dma_start3A] : memref<10000x128xf32, #tpu.memory_space<hbm>> -> memref<80x128xf32, #tpu.memory_space<hbm>>
        %dma_start3A_99 = arith.constant 0 : i32
        %dma_start3A_100 = tpu.memref_slice %arg4[%mul3A_95, %dma_start3A_99] : memref<10000x128xf32, #tpu.memory_space<hbm>> -> memref<80x128xf32, #tpu.memory_space<hbm>>
        tpu.enqueue_dma source(%arg11 : memref<80x128xf32, #tpu.memory_space<vmem>>) target(%dma_start3A_100 : memref<80x128xf32, #tpu.memory_space<hbm>>) target_semaphore(%run_scoped3A : memref<!tpu.dma_semaphore, #tpu.memory_space<semaphore_mem>>)
        %dma_wait3A = arith.constant 0 : i32
        %dma_wait3A_101 = tpu.memref_slice %arg4[%mul3A_95, %dma_wait3A] : memref<10000x128xf32, #tpu.memory_space<hbm>> -> memref<80x128xf32, #tpu.memory_space<hbm>>
        %dma_wait3A_102 = arith.constant 0 : i32
        %dma_wait3A_103 = tpu.memref_slice %arg4[%mul3A_95, %dma_wait3A_102] : memref<10000x128xf32, #tpu.memory_space<hbm>> -> memref<80x128xf32, #tpu.memory_space<hbm>>
        tpu.wait_dma2 semaphore(%run_scoped3A : memref<!tpu.dma_semaphore, #tpu.memory_space<semaphore_mem>>) src(%arg11 : memref<80x128xf32, #tpu.memory_space<vmem>>) dst(%dma_wait3A_103 : memref<80x128xf32, #tpu.memory_space<hbm>>)
        tpu.yield
      }) : () -> ()
      %mul3A_96 = arith.constant 80 : i32
      %mul3A_97 = arith.muli %add3A_93, %mul3A_96 : i32
      "tpu.region"() ({
        %run_scoped3A = tpu.sem_alloc : memref<!tpu.dma_semaphore, #tpu.memory_space<semaphore_mem>>
        %dma_start3A = arith.constant 0 : i32
        %dma_start3A_98 = tpu.memref_slice %arg5[%mul3A_97, %dma_start3A] : memref<10000x128xf32, #tpu.memory_space<hbm>> -> memref<80x128xf32, #tpu.memory_space<hbm>>
        %dma_start3A_99 = arith.constant 0 : i32
        %dma_start3A_100 = tpu.memref_slice %arg5[%mul3A_97, %dma_start3A_99] : memref<10000x128xf32, #tpu.memory_space<hbm>> -> memref<80x128xf32, #tpu.memory_space<hbm>>
        tpu.enqueue_dma source(%arg12 : memref<80x128xf32, #tpu.memory_space<vmem>>) target(%dma_start3A_100 : memref<80x128xf32, #tpu.memory_space<hbm>>) target_semaphore(%run_scoped3A : memref<!tpu.dma_semaphore, #tpu.memory_space<semaphore_mem>>)
        %dma_wait3A = arith.constant 0 : i32
        %dma_wait3A_101 = tpu.memref_slice %arg5[%mul3A_97, %dma_wait3A] : memref<10000x128xf32, #tpu.memory_space<hbm>> -> memref<80x128xf32, #tpu.memory_space<hbm>>
        %dma_wait3A_102 = arith.constant 0 : i32
        %dma_wait3A_103 = tpu.memref_slice %arg5[%mul3A_97, %dma_wait3A_102] : memref<10000x128xf32, #tpu.memory_space<hbm>> -> memref<80x128xf32, #tpu.memory_space<hbm>>
        tpu.wait_dma2 semaphore(%run_scoped3A : memref<!tpu.dma_semaphore, #tpu.memory_space<semaphore_mem>>) src(%arg12 : memref<80x128xf32, #tpu.memory_space<vmem>>) dst(%dma_wait3A_103 : memref<80x128xf32, #tpu.memory_space<hbm>>)
        tpu.yield
      }) : () -> ()
    } else {
    }
    return
  }
}

#map = affine_map<(d0, d1) -> (0, 0)>
#map1 = affine_map<(d0, d1) -> (0, 0, 0)>
module attributes {stable_mosaic.version = 14 : i64} {
  func.func @_gather_sum_kernel(%arg0: i32, %arg1: i32, %arg2: memref<10000x128xf32, #tpu.memory_space<hbm>>, %arg3: memref<125x32x80xi32, #tpu.memory_space<hbm>>, %arg4: memref<10000x128xf32, #tpu.memory_space<hbm>>, %arg5: memref<10000x128xf32, #tpu.memory_space<hbm>>, %arg6: memref<10000x128xf32, #tpu.memory_space<vmem_shared>>, %arg7: memref<32x80xi32, #tpu.memory_space<vmem>>, %arg8: memref<32x80xi32, #tpu.memory_space<vmem>>, %arg9: memref<32x80xi32, #tpu.memory_space<vmem>>, %arg10: memref<32x80xi32, #tpu.memory_space<vmem>>, %arg11: memref<80x128xf32, #tpu.memory_space<vmem>>, %arg12: memref<80x128xf32, #tpu.memory_space<vmem>>, %arg13: memref<!tpu.dma_semaphore, #tpu.memory_space<semaphore_mem>>, %arg14: memref<!tpu.dma_semaphore, #tpu.memory_space<semaphore_mem>>) attributes {dimension_semantics = [#tpu.dimension_semantics<core_parallel>, #tpu.dimension_semantics<subcore_parallel>], iteration_bounds = array<i64: 2, 16>, scalar_prefetch = 0 : i64, scratch_operands = 9 : i64, tpu.core_type = #tpu.core_type<sc_vector_subcore>, window_params = [{transform_indices = #map}, {transform_indices = #map1}, {transform_indices = #map}, {transform_indices = #map}]} {
    %mul3A = arith.constant 2 : i32
    %mul3A_0 = arith.muli %arg1, %mul3A : i32
    %add3A = arith.addi %mul3A_0, %arg0 : i32
    %sub3A = arith.constant 125 : i32
    %sub3A_1 = arith.subi %sub3A, %add3A : i32
    %add3A_2 = arith.constant 32 : i32
    %add3A_3 = arith.addi %sub3A_1, %add3A_2 : i32
    %sub3A_4 = arith.constant 1 : i32
    %sub3A_5 = arith.subi %add3A_3, %sub3A_4 : i32
    %jit3A = arith.constant 32 : i32
    %div3A = arith.divsi %sub3A_5, %jit3A : i32
    %sign3A = arith.constant 0 : i32
    %sign3A_6 = arith.cmpi sgt, %sub3A_5, %sign3A : i32
    %sign3A_7 = arith.extui %sign3A_6 : i1 to i32
    %sign3A_8 = arith.constant 0 : i32
    %sign3A_9 = arith.cmpi slt, %sub3A_5, %sign3A_8 : i32
    %sign3A_10 = arith.extui %sign3A_9 : i1 to i32
    %sign3A_11 = arith.subi %sign3A_7, %sign3A_10 : i32
    %sign3A_12 = arith.constant 0 : i32
    %sign3A_13 = arith.cmpi sgt, %jit3A, %sign3A_12 : i32
    %sign3A_14 = arith.extui %sign3A_13 : i1 to i32
    %sign3A_15 = arith.constant 0 : i32
    %sign3A_16 = arith.cmpi slt, %jit3A, %sign3A_15 : i32
    %sign3A_17 = arith.extui %sign3A_16 : i1 to i32
    %sign3A_18 = arith.subi %sign3A_14, %sign3A_17 : i32
    %ne3A = arith.cmpi ne, %sign3A_11, %sign3A_18 : i32
    %rem3A = arith.remsi %sub3A_5, %jit3A : i32
    %ne3A_19 = arith.constant 0 : i32
    %ne3A_20 = arith.cmpi ne, %rem3A, %ne3A_19 : i32
    %and3A = arith.andi %ne3A, %ne3A_20 : i1
    %sub3A_21 = arith.constant 1 : i32
    %sub3A_22 = arith.subi %div3A, %sub3A_21 : i32
    %select_n3A = arith.select %and3A, %sub3A_22, %div3A : i32
    %lt3A = arith.constant 15 : i32
    %lt3A_23 = arith.cmpi slt, %arg1, %lt3A : i32
    %convert_element_type3A = arith.extui %lt3A_23 : i1 to i32
    %cond3A = arith.constant 0 : i32
    %cond3A_24 = arith.cmpi ne, %convert_element_type3A, %cond3A : i32
    scf.if %cond3A_24 {
      %mul3A_68 = arith.constant 624 : i32
      %mul3A_69 = arith.muli %arg1, %mul3A_68 : i32
      %mul3A_70 = arith.constant 624 : i32
      %mul3A_71 = arith.muli %arg1, %mul3A_70 : i32
      "tpu.region"() ({
        %run_scoped3A = tpu.sem_alloc : memref<!tpu.dma_semaphore, #tpu.memory_space<semaphore_mem>>
        %dma_start3A = arith.constant 0 : i32
        %dma_start3A_72 = tpu.memref_slice %arg6[%mul3A_71, %dma_start3A] : memref<10000x128xf32, #tpu.memory_space<vmem_shared>> -> memref<624x128xf32, #tpu.memory_space<vmem_shared>>
        %dma_start3A_73 = arith.constant 0 : i32
        %dma_start3A_74 = tpu.memref_slice %arg2[%mul3A_69, %dma_start3A_73] : memref<10000x128xf32, #tpu.memory_space<hbm>> -> memref<624x128xf32, #tpu.memory_space<hbm>>
        tpu.enqueue_dma source(%dma_start3A_74 : memref<624x128xf32, #tpu.memory_space<hbm>>) target(%dma_start3A_72 : memref<624x128xf32, #tpu.memory_space<vmem_shared>>) target_semaphore(%run_scoped3A : memref<!tpu.dma_semaphore, #tpu.memory_space<semaphore_mem>>)
        %dma_wait3A = arith.constant 0 : i32
        %dma_wait3A_75 = tpu.memref_slice %arg6[%mul3A_71, %dma_wait3A] : memref<10000x128xf32, #tpu.memory_space<vmem_shared>> -> memref<624x128xf32, #tpu.memory_space<vmem_shared>>
        %dma_wait3A_76 = arith.constant 0 : i32
        %dma_wait3A_77 = tpu.memref_slice %arg2[%mul3A_69, %dma_wait3A_76] : memref<10000x128xf32, #tpu.memory_space<hbm>> -> memref<624x128xf32, #tpu.memory_space<hbm>>
        tpu.wait_dma2 semaphore(%run_scoped3A : memref<!tpu.dma_semaphore, #tpu.memory_space<semaphore_mem>>) src(%dma_wait3A_77 : memref<624x128xf32, #tpu.memory_space<hbm>>) dst(%dma_wait3A_75 : memref<624x128xf32, #tpu.memory_space<vmem_shared>>)
        tpu.yield
      }) : () -> ()
    } else {
    }
    %eq3A = arith.constant 15 : i32
    %eq3A_25 = arith.cmpi eq, %arg1, %eq3A : i32
    %convert_element_type3A_26 = arith.extui %eq3A_25 : i1 to i32
    %cond3A_27 = arith.constant 0 : i32
    %cond3A_28 = arith.cmpi ne, %convert_element_type3A_26, %cond3A_27 : i32
    scf.if %cond3A_28 {
      "tpu.region"() ({
        %run_scoped3A = tpu.sem_alloc : memref<!tpu.dma_semaphore, #tpu.memory_space<semaphore_mem>>
        %dma_start3A = arith.constant 9360 : i32
        %dma_start3A_68 = arith.constant 0 : i32
        %dma_start3A_69 = tpu.memref_slice %arg6[%dma_start3A, %dma_start3A_68] : memref<10000x128xf32, #tpu.memory_space<vmem_shared>> -> memref<640x128xf32, #tpu.memory_space<vmem_shared>>
        %dma_start3A_70 = arith.constant 9360 : i32
        %dma_start3A_71 = arith.constant 0 : i32
        %dma_start3A_72 = tpu.memref_slice %arg2[%dma_start3A_70, %dma_start3A_71] : memref<10000x128xf32, #tpu.memory_space<hbm>> -> memref<640x128xf32, #tpu.memory_space<hbm>>
        tpu.enqueue_dma source(%dma_start3A_72 : memref<640x128xf32, #tpu.memory_space<hbm>>) target(%dma_start3A_69 : memref<640x128xf32, #tpu.memory_space<vmem_shared>>) target_semaphore(%run_scoped3A : memref<!tpu.dma_semaphore, #tpu.memory_space<semaphore_mem>>)
        %dma_wait3A = arith.constant 9360 : i32
        %dma_wait3A_73 = arith.constant 0 : i32
        %dma_wait3A_74 = tpu.memref_slice %arg6[%dma_wait3A, %dma_wait3A_73] : memref<10000x128xf32, #tpu.memory_space<vmem_shared>> -> memref<640x128xf32, #tpu.memory_space<vmem_shared>>
        %dma_wait3A_75 = arith.constant 9360 : i32
        %dma_wait3A_76 = arith.constant 0 : i32
        %dma_wait3A_77 = tpu.memref_slice %arg2[%dma_wait3A_75, %dma_wait3A_76] : memref<10000x128xf32, #tpu.memory_space<hbm>> -> memref<640x128xf32, #tpu.memory_space<hbm>>
        tpu.wait_dma2 semaphore(%run_scoped3A : memref<!tpu.dma_semaphore, #tpu.memory_space<semaphore_mem>>) src(%dma_wait3A_77 : memref<640x128xf32, #tpu.memory_space<hbm>>) dst(%dma_wait3A_74 : memref<640x128xf32, #tpu.memory_space<vmem_shared>>)
        tpu.yield
      }) : () -> ()
    } else {
    }
    %gt3A = arith.constant 0 : i32
    %gt3A_29 = arith.cmpi sgt, %select_n3A, %gt3A : i32
    %convert_element_type3A_30 = arith.extui %gt3A_29 : i1 to i32
    %cond3A_31 = arith.constant 0 : i32
    %cond3A_32 = arith.cmpi ne, %convert_element_type3A_30, %cond3A_31 : i32
    scf.if %cond3A_32 {
      %add3A_68 = arith.constant 0 : i32
      %add3A_69 = arith.addi %add3A, %add3A_68 : i32
      "tpu.region"() ({
        %run_scoped3A = tpu.sem_alloc : memref<!tpu.dma_semaphore, #tpu.memory_space<semaphore_mem>>
        %dma_start3A = arith.constant 0 : i32
        %dma_start3A_70 = arith.constant 0 : i32
        %dma_start3A_71 = tpu.memref_slice %arg3[%add3A_69, %dma_start3A, %dma_start3A_70] : memref<125x32x80xi32, #tpu.memory_space<hbm>> -> memref<1x32x80xi32, #tpu.memory_space<hbm>>
        %dma_start3A_72 = tpu.memref_squeeze %dma_start3A_71 : memref<1x32x80xi32, #tpu.memory_space<hbm>> -> memref<32x80xi32, #tpu.memory_space<hbm>>
        %dma_start3A_73 = arith.constant 0 : i32
        %dma_start3A_74 = arith.constant 0 : i32
        %dma_start3A_75 = tpu.memref_slice %arg3[%add3A_69, %dma_start3A_73, %dma_start3A_74] : memref<125x32x80xi32, #tpu.memory_space<hbm>> -> memref<1x32x80xi32, #tpu.memory_space<hbm>>
        %dma_start3A_76 = tpu.memref_squeeze %dma_start3A_75 : memref<1x32x80xi32, #tpu.memory_space<hbm>> -> memref<32x80xi32, #tpu.memory_space<hbm>>
        tpu.enqueue_dma source(%dma_start3A_76 : memref<32x80xi32, #tpu.memory_space<hbm>>) target(%arg7 : memref<32x80xi32, #tpu.memory_space<vmem>>) target_semaphore(%run_scoped3A : memref<!tpu.dma_semaphore, #tpu.memory_space<semaphore_mem>>)
        %dma_wait3A = arith.constant 0 : i32
        %dma_wait3A_77 = arith.constant 0 : i32
        %dma_wait3A_78 = tpu.memref_slice %arg3[%add3A_69, %dma_wait3A, %dma_wait3A_77] : memref<125x32x80xi32, #tpu.memory_space<hbm>> -> memref<1x32x80xi32, #tpu.memory_space<hbm>>
        %dma_wait3A_79 = tpu.memref_squeeze %dma_wait3A_78 : memref<1x32x80xi32, #tpu.memory_space<hbm>> -> memref<32x80xi32, #tpu.memory_space<hbm>>
        %dma_wait3A_80 = arith.constant 0 : i32
        %dma_wait3A_81 = arith.constant 0 : i32
        %dma_wait3A_82 = tpu.memref_slice %arg3[%add3A_69, %dma_wait3A_80, %dma_wait3A_81] : memref<125x32x80xi32, #tpu.memory_space<hbm>> -> memref<1x32x80xi32, #tpu.memory_space<hbm>>
        %dma_wait3A_83 = tpu.memref_squeeze %dma_wait3A_82 : memref<1x32x80xi32, #tpu.memory_space<hbm>> -> memref<32x80xi32, #tpu.memory_space<hbm>>
        tpu.wait_dma2 semaphore(%run_scoped3A : memref<!tpu.dma_semaphore, #tpu.memory_space<semaphore_mem>>) src(%dma_wait3A_83 : memref<32x80xi32, #tpu.memory_space<hbm>>) dst(%arg7 : memref<32x80xi32, #tpu.memory_space<vmem>>)
        tpu.yield
      }) : () -> ()
    } else {
    }
    %gt3A_33 = arith.constant 1 : i32
    %gt3A_34 = arith.cmpi sgt, %select_n3A, %gt3A_33 : i32
    %convert_element_type3A_35 = arith.extui %gt3A_34 : i1 to i32
    %cond3A_36 = arith.constant 0 : i32
    %cond3A_37 = arith.cmpi ne, %convert_element_type3A_35, %cond3A_36 : i32
    scf.if %cond3A_37 {
      %add3A_68 = arith.constant 32 : i32
      %add3A_69 = arith.addi %add3A, %add3A_68 : i32
      "tpu.region"() ({
        %run_scoped3A = tpu.sem_alloc : memref<!tpu.dma_semaphore, #tpu.memory_space<semaphore_mem>>
        %dma_start3A = arith.constant 0 : i32
        %dma_start3A_70 = arith.constant 0 : i32
        %dma_start3A_71 = tpu.memref_slice %arg3[%add3A_69, %dma_start3A, %dma_start3A_70] : memref<125x32x80xi32, #tpu.memory_space<hbm>> -> memref<1x32x80xi32, #tpu.memory_space<hbm>>
        %dma_start3A_72 = tpu.memref_squeeze %dma_start3A_71 : memref<1x32x80xi32, #tpu.memory_space<hbm>> -> memref<32x80xi32, #tpu.memory_space<hbm>>
        %dma_start3A_73 = arith.constant 0 : i32
        %dma_start3A_74 = arith.constant 0 : i32
        %dma_start3A_75 = tpu.memref_slice %arg3[%add3A_69, %dma_start3A_73, %dma_start3A_74] : memref<125x32x80xi32, #tpu.memory_space<hbm>> -> memref<1x32x80xi32, #tpu.memory_space<hbm>>
        %dma_start3A_76 = tpu.memref_squeeze %dma_start3A_75 : memref<1x32x80xi32, #tpu.memory_space<hbm>> -> memref<32x80xi32, #tpu.memory_space<hbm>>
        tpu.enqueue_dma source(%dma_start3A_76 : memref<32x80xi32, #tpu.memory_space<hbm>>) target(%arg8 : memref<32x80xi32, #tpu.memory_space<vmem>>) target_semaphore(%run_scoped3A : memref<!tpu.dma_semaphore, #tpu.memory_space<semaphore_mem>>)
        %dma_wait3A = arith.constant 0 : i32
        %dma_wait3A_77 = arith.constant 0 : i32
        %dma_wait3A_78 = tpu.memref_slice %arg3[%add3A_69, %dma_wait3A, %dma_wait3A_77] : memref<125x32x80xi32, #tpu.memory_space<hbm>> -> memref<1x32x80xi32, #tpu.memory_space<hbm>>
        %dma_wait3A_79 = tpu.memref_squeeze %dma_wait3A_78 : memref<1x32x80xi32, #tpu.memory_space<hbm>> -> memref<32x80xi32, #tpu.memory_space<hbm>>
        %dma_wait3A_80 = arith.constant 0 : i32
        %dma_wait3A_81 = arith.constant 0 : i32
        %dma_wait3A_82 = tpu.memref_slice %arg3[%add3A_69, %dma_wait3A_80, %dma_wait3A_81] : memref<125x32x80xi32, #tpu.memory_space<hbm>> -> memref<1x32x80xi32, #tpu.memory_space<hbm>>
        %dma_wait3A_83 = tpu.memref_squeeze %dma_wait3A_82 : memref<1x32x80xi32, #tpu.memory_space<hbm>> -> memref<32x80xi32, #tpu.memory_space<hbm>>
        tpu.wait_dma2 semaphore(%run_scoped3A : memref<!tpu.dma_semaphore, #tpu.memory_space<semaphore_mem>>) src(%dma_wait3A_83 : memref<32x80xi32, #tpu.memory_space<hbm>>) dst(%arg8 : memref<32x80xi32, #tpu.memory_space<vmem>>)
        tpu.yield
      }) : () -> ()
    } else {
    }
    %gt3A_38 = arith.constant 2 : i32
    %gt3A_39 = arith.cmpi sgt, %select_n3A, %gt3A_38 : i32
    %convert_element_type3A_40 = arith.extui %gt3A_39 : i1 to i32
    %cond3A_41 = arith.constant 0 : i32
    %cond3A_42 = arith.cmpi ne, %convert_element_type3A_40, %cond3A_41 : i32
    scf.if %cond3A_42 {
      %add3A_68 = arith.constant 64 : i32
      %add3A_69 = arith.addi %add3A, %add3A_68 : i32
      "tpu.region"() ({
        %run_scoped3A = tpu.sem_alloc : memref<!tpu.dma_semaphore, #tpu.memory_space<semaphore_mem>>
        %dma_start3A = arith.constant 0 : i32
        %dma_start3A_70 = arith.constant 0 : i32
        %dma_start3A_71 = tpu.memref_slice %arg3[%add3A_69, %dma_start3A, %dma_start3A_70] : memref<125x32x80xi32, #tpu.memory_space<hbm>> -> memref<1x32x80xi32, #tpu.memory_space<hbm>>
        %dma_start3A_72 = tpu.memref_squeeze %dma_start3A_71 : memref<1x32x80xi32, #tpu.memory_space<hbm>> -> memref<32x80xi32, #tpu.memory_space<hbm>>
        %dma_start3A_73 = arith.constant 0 : i32
        %dma_start3A_74 = arith.constant 0 : i32
        %dma_start3A_75 = tpu.memref_slice %arg3[%add3A_69, %dma_start3A_73, %dma_start3A_74] : memref<125x32x80xi32, #tpu.memory_space<hbm>> -> memref<1x32x80xi32, #tpu.memory_space<hbm>>
        %dma_start3A_76 = tpu.memref_squeeze %dma_start3A_75 : memref<1x32x80xi32, #tpu.memory_space<hbm>> -> memref<32x80xi32, #tpu.memory_space<hbm>>
        tpu.enqueue_dma source(%dma_start3A_76 : memref<32x80xi32, #tpu.memory_space<hbm>>) target(%arg9 : memref<32x80xi32, #tpu.memory_space<vmem>>) target_semaphore(%run_scoped3A : memref<!tpu.dma_semaphore, #tpu.memory_space<semaphore_mem>>)
        %dma_wait3A = arith.constant 0 : i32
        %dma_wait3A_77 = arith.constant 0 : i32
        %dma_wait3A_78 = tpu.memref_slice %arg3[%add3A_69, %dma_wait3A, %dma_wait3A_77] : memref<125x32x80xi32, #tpu.memory_space<hbm>> -> memref<1x32x80xi32, #tpu.memory_space<hbm>>
        %dma_wait3A_79 = tpu.memref_squeeze %dma_wait3A_78 : memref<1x32x80xi32, #tpu.memory_space<hbm>> -> memref<32x80xi32, #tpu.memory_space<hbm>>
        %dma_wait3A_80 = arith.constant 0 : i32
        %dma_wait3A_81 = arith.constant 0 : i32
        %dma_wait3A_82 = tpu.memref_slice %arg3[%add3A_69, %dma_wait3A_80, %dma_wait3A_81] : memref<125x32x80xi32, #tpu.memory_space<hbm>> -> memref<1x32x80xi32, #tpu.memory_space<hbm>>
        %dma_wait3A_83 = tpu.memref_squeeze %dma_wait3A_82 : memref<1x32x80xi32, #tpu.memory_space<hbm>> -> memref<32x80xi32, #tpu.memory_space<hbm>>
        tpu.wait_dma2 semaphore(%run_scoped3A : memref<!tpu.dma_semaphore, #tpu.memory_space<semaphore_mem>>) src(%dma_wait3A_83 : memref<32x80xi32, #tpu.memory_space<hbm>>) dst(%arg9 : memref<32x80xi32, #tpu.memory_space<vmem>>)
        tpu.yield
      }) : () -> ()
    } else {
    }
    %gt3A_43 = arith.constant 3 : i32
    %gt3A_44 = arith.cmpi sgt, %select_n3A, %gt3A_43 : i32
    %convert_element_type3A_45 = arith.extui %gt3A_44 : i1 to i32
    %cond3A_46 = arith.constant 0 : i32
    %cond3A_47 = arith.cmpi ne, %convert_element_type3A_45, %cond3A_46 : i32
    scf.if %cond3A_47 {
      %add3A_68 = arith.constant 96 : i32
      %add3A_69 = arith.addi %add3A, %add3A_68 : i32
      "tpu.region"() ({
        %run_scoped3A = tpu.sem_alloc : memref<!tpu.dma_semaphore, #tpu.memory_space<semaphore_mem>>
        %dma_start3A = arith.constant 0 : i32
        %dma_start3A_70 = arith.constant 0 : i32
        %dma_start3A_71 = tpu.memref_slice %arg3[%add3A_69, %dma_start3A, %dma_start3A_70] : memref<125x32x80xi32, #tpu.memory_space<hbm>> -> memref<1x32x80xi32, #tpu.memory_space<hbm>>
        %dma_start3A_72 = tpu.memref_squeeze %dma_start3A_71 : memref<1x32x80xi32, #tpu.memory_space<hbm>> -> memref<32x80xi32, #tpu.memory_space<hbm>>
        %dma_start3A_73 = arith.constant 0 : i32
        %dma_start3A_74 = arith.constant 0 : i32
        %dma_start3A_75 = tpu.memref_slice %arg3[%add3A_69, %dma_start3A_73, %dma_start3A_74] : memref<125x32x80xi32, #tpu.memory_space<hbm>> -> memref<1x32x80xi32, #tpu.memory_space<hbm>>
        %dma_start3A_76 = tpu.memref_squeeze %dma_start3A_75 : memref<1x32x80xi32, #tpu.memory_space<hbm>> -> memref<32x80xi32, #tpu.memory_space<hbm>>
        tpu.enqueue_dma source(%dma_start3A_76 : memref<32x80xi32, #tpu.memory_space<hbm>>) target(%arg10 : memref<32x80xi32, #tpu.memory_space<vmem>>) target_semaphore(%run_scoped3A : memref<!tpu.dma_semaphore, #tpu.memory_space<semaphore_mem>>)
        %dma_wait3A = arith.constant 0 : i32
        %dma_wait3A_77 = arith.constant 0 : i32
        %dma_wait3A_78 = tpu.memref_slice %arg3[%add3A_69, %dma_wait3A, %dma_wait3A_77] : memref<125x32x80xi32, #tpu.memory_space<hbm>> -> memref<1x32x80xi32, #tpu.memory_space<hbm>>
        %dma_wait3A_79 = tpu.memref_squeeze %dma_wait3A_78 : memref<1x32x80xi32, #tpu.memory_space<hbm>> -> memref<32x80xi32, #tpu.memory_space<hbm>>
        %dma_wait3A_80 = arith.constant 0 : i32
        %dma_wait3A_81 = arith.constant 0 : i32
        %dma_wait3A_82 = tpu.memref_slice %arg3[%add3A_69, %dma_wait3A_80, %dma_wait3A_81] : memref<125x32x80xi32, #tpu.memory_space<hbm>> -> memref<1x32x80xi32, #tpu.memory_space<hbm>>
        %dma_wait3A_83 = tpu.memref_squeeze %dma_wait3A_82 : memref<1x32x80xi32, #tpu.memory_space<hbm>> -> memref<32x80xi32, #tpu.memory_space<hbm>>
        tpu.wait_dma2 semaphore(%run_scoped3A : memref<!tpu.dma_semaphore, #tpu.memory_space<semaphore_mem>>) src(%dma_wait3A_83 : memref<32x80xi32, #tpu.memory_space<hbm>>) dst(%arg10 : memref<32x80xi32, #tpu.memory_space<vmem>>)
        tpu.yield
      }) : () -> ()
    } else {
    }
    %barrier3A = arith.constant 0 : index
    tpu.barrier barrier_id(%barrier3A)
    %gt3A_48 = arith.constant 0 : i32
    %gt3A_49 = arith.cmpi sgt, %select_n3A, %gt3A_48 : i32
    %convert_element_type3A_50 = arith.extui %gt3A_49 : i1 to i32
    %cond3A_51 = arith.constant 0 : i32
    %cond3A_52 = arith.cmpi ne, %convert_element_type3A_50, %cond3A_51 : i32
    scf.if %cond3A_52 {
      %broadcast_in_dim3A = arith.constant 0.000000e+00 : f32
      %broadcast_in_dim3A_68 = vector.broadcast %broadcast_in_dim3A : f32 to vector<16xf32>
      %scan3A = arith.constant 0 : i32
      %scan3A_69 = arith.constant 0 : i32
      %scan3A_70 = arith.constant 80 : i32
      %scan3A_71 = arith.addi %scan3A_69, %scan3A_70 : i32
      %scan3A_72 = arith.constant 1 : i32
      scf.for %scan3A_98 = %scan3A_69 to %scan3A_71 step %scan3A_72  : i32 {
        %swap3A = arith.index_cast %scan3A_98 : i32 to index
        %swap3A_99 = arith.constant 0 : index
        %swap3A_100 = tpu.vector_load %arg11[%swap3A, %swap3A_99] {strides = array<i32>} : memref<80x128xf32, #tpu.memory_space<vmem>>, vector<1x16xf32>,
        %swap3A_101 = vector.shape_cast %swap3A_100 : vector<1x16xf32> to vector<16xf32>
        %swap3A_102 = vector.shape_cast %broadcast_in_dim3A_68 : vector<16xf32> to vector<1x16xf32>
        tpu.vector_store %arg11[%swap3A, %swap3A_99], %swap3A_102 {strides = array<i32>} : memref<80x128xf32, #tpu.memory_space<vmem>>, vector<1x16xf32>,
        %swap3A_103 = arith.index_cast %scan3A_98 : i32 to index
        %swap3A_104 = arith.constant 0 : index
        %swap3A_105 = tpu.vector_load %arg12[%swap3A_103, %swap3A_104] {strides = array<i32>} : memref<80x128xf32, #tpu.memory_space<vmem>>, vector<1x16xf32>,
        %swap3A_106 = vector.shape_cast %swap3A_105 : vector<1x16xf32> to vector<16xf32>
        %swap3A_107 = vector.shape_cast %broadcast_in_dim3A_68 : vector<16xf32> to vector<1x16xf32>
        tpu.vector_store %arg12[%swap3A_103, %swap3A_104], %swap3A_107 {strides = array<i32>} : memref<80x128xf32, #tpu.memory_space<vmem>>, vector<1x16xf32>,
        %swap3A_108 = arith.index_cast %scan3A_98 : i32 to index
        %swap3A_109 = arith.constant 16 : index
        %swap3A_110 = tpu.vector_load %arg11[%swap3A_108, %swap3A_109] {strides = array<i32>} : memref<80x128xf32, #tpu.memory_space<vmem>>, vector<1x16xf32>,
        %swap3A_111 = vector.shape_cast %swap3A_110 : vector<1x16xf32> to vector<16xf32>
        %swap3A_112 = vector.shape_cast %broadcast_in_dim3A_68 : vector<16xf32> to vector<1x16xf32>
        tpu.vector_store %arg11[%swap3A_108, %swap3A_109], %swap3A_112 {strides = array<i32>} : memref<80x128xf32, #tpu.memory_space<vmem>>, vector<1x16xf32>,
        %swap3A_113 = arith.index_cast %scan3A_98 : i32 to index
        %swap3A_114 = arith.constant 16 : index
        %swap3A_115 = tpu.vector_load %arg12[%swap3A_113, %swap3A_114] {strides = array<i32>} : memref<80x128xf32, #tpu.memory_space<vmem>>, vector<1x16xf32>,
        %swap3A_116 = vector.shape_cast %swap3A_115 : vector<1x16xf32> to vector<16xf32>
        %swap3A_117 = vector.shape_cast %broadcast_in_dim3A_68 : vector<16xf32> to vector<1x16xf32>
        tpu.vector_store %arg12[%swap3A_113, %swap3A_114], %swap3A_117 {strides = array<i32>} : memref<80x128xf32, #tpu.memory_space<vmem>>, vector<1x16xf32>,
        %swap3A_118 = arith.index_cast %scan3A_98 : i32 to index
        %swap3A_119 = arith.constant 32 : index
        %swap3A_120 = tpu.vector_load %arg11[%swap3A_118, %swap3A_119] {strides = array<i32>} : memref<80x128xf32, #tpu.memory_space<vmem>>, vector<1x16xf32>,
        %swap3A_121 = vector.shape_cast %swap3A_120 : vector<1x16xf32> to vector<16xf32>
        %swap3A_122 = vector.shape_cast %broadcast_in_dim3A_68 : vector<16xf32> to vector<1x16xf32>
        tpu.vector_store %arg11[%swap3A_118, %swap3A_119], %swap3A_122 {strides = array<i32>} : memref<80x128xf32, #tpu.memory_space<vmem>>, vector<1x16xf32>,
        %swap3A_123 = arith.index_cast %scan3A_98 : i32 to index
        %swap3A_124 = arith.constant 32 : index
        %swap3A_125 = tpu.vector_load %arg12[%swap3A_123, %swap3A_124] {strides = array<i32>} : memref<80x128xf32, #tpu.memory_space<vmem>>, vector<1x16xf32>,
        %swap3A_126 = vector.shape_cast %swap3A_125 : vector<1x16xf32> to vector<16xf32>
        %swap3A_127 = vector.shape_cast %broadcast_in_dim3A_68 : vector<16xf32> to vector<1x16xf32>
        tpu.vector_store %arg12[%swap3A_123, %swap3A_124], %swap3A_127 {strides = array<i32>} : memref<80x128xf32, #tpu.memory_space<vmem>>, vector<1x16xf32>,
        %swap3A_128 = arith.index_cast %scan3A_98 : i32 to index
        %swap3A_129 = arith.constant 48 : index
        %swap3A_130 = tpu.vector_load %arg11[%swap3A_128, %swap3A_129] {strides = array<i32>} : memref<80x128xf32, #tpu.memory_space<vmem>>, vector<1x16xf32>,
        %swap3A_131 = vector.shape_cast %swap3A_130 : vector<1x16xf32> to vector<16xf32>
        %swap3A_132 = vector.shape_cast %broadcast_in_dim3A_68 : vector<16xf32> to vector<1x16xf32>
        tpu.vector_store %arg11[%swap3A_128, %swap3A_129], %swap3A_132 {strides = array<i32>} : memref<80x128xf32, #tpu.memory_space<vmem>>, vector<1x16xf32>,
        %swap3A_133 = arith.index_cast %scan3A_98 : i32 to index
        %swap3A_134 = arith.constant 48 : index
        %swap3A_135 = tpu.vector_load %arg12[%swap3A_133, %swap3A_134] {strides = array<i32>} : memref<80x128xf32, #tpu.memory_space<vmem>>, vector<1x16xf32>,
        %swap3A_136 = vector.shape_cast %swap3A_135 : vector<1x16xf32> to vector<16xf32>
        %swap3A_137 = vector.shape_cast %broadcast_in_dim3A_68 : vector<16xf32> to vector<1x16xf32>
        tpu.vector_store %arg12[%swap3A_133, %swap3A_134], %swap3A_137 {strides = array<i32>} : memref<80x128xf32, #tpu.memory_space<vmem>>, vector<1x16xf32>,
        %swap3A_138 = arith.index_cast %scan3A_98 : i32 to index
        %swap3A_139 = arith.constant 64 : index
        %swap3A_140 = tpu.vector_load %arg11[%swap3A_138, %swap3A_139] {strides = array<i32>} : memref<80x128xf32, #tpu.memory_space<vmem>>, vector<1x16xf32>,
        %swap3A_141 = vector.shape_cast %swap3A_140 : vector<1x16xf32> to vector<16xf32>
        %swap3A_142 = vector.shape_cast %broadcast_in_dim3A_68 : vector<16xf32> to vector<1x16xf32>
        tpu.vector_store %arg11[%swap3A_138, %swap3A_139], %swap3A_142 {strides = array<i32>} : memref<80x128xf32, #tpu.memory_space<vmem>>, vector<1x16xf32>,
        %swap3A_143 = arith.index_cast %scan3A_98 : i32 to index
        %swap3A_144 = arith.constant 64 : index
        %swap3A_145 = tpu.vector_load %arg12[%swap3A_143, %swap3A_144] {strides = array<i32>} : memref<80x128xf32, #tpu.memory_space<vmem>>, vector<1x16xf32>,
        %swap3A_146 = vector.shape_cast %swap3A_145 : vector<1x16xf32> to vector<16xf32>
        %swap3A_147 = vector.shape_cast %broadcast_in_dim3A_68 : vector<16xf32> to vector<1x16xf32>
        tpu.vector_store %arg12[%swap3A_143, %swap3A_144], %swap3A_147 {strides = array<i32>} : memref<80x128xf32, #tpu.memory_space<vmem>>, vector<1x16xf32>,
        %swap3A_148 = arith.index_cast %scan3A_98 : i32 to index
        %swap3A_149 = arith.constant 80 : index
        %swap3A_150 = tpu.vector_load %arg11[%swap3A_148, %swap3A_149] {strides = array<i32>} : memref<80x128xf32, #tpu.memory_space<vmem>>, vector<1x16xf32>,
        %swap3A_151 = vector.shape_cast %swap3A_150 : vector<1x16xf32> to vector<16xf32>
        %swap3A_152 = vector.shape_cast %broadcast_in_dim3A_68 : vector<16xf32> to vector<1x16xf32>
        tpu.vector_store %arg11[%swap3A_148, %swap3A_149], %swap3A_152 {strides = array<i32>} : memref<80x128xf32, #tpu.memory_space<vmem>>, vector<1x16xf32>,
        %swap3A_153 = arith.index_cast %scan3A_98 : i32 to index
        %swap3A_154 = arith.constant 80 : index
        %swap3A_155 = tpu.vector_load %arg12[%swap3A_153, %swap3A_154] {strides = array<i32>} : memref<80x128xf32, #tpu.memory_space<vmem>>, vector<1x16xf32>,
        %swap3A_156 = vector.shape_cast %swap3A_155 : vector<1x16xf32> to vector<16xf32>
        %swap3A_157 = vector.shape_cast %broadcast_in_dim3A_68 : vector<16xf32> to vector<1x16xf32>
        tpu.vector_store %arg12[%swap3A_153, %swap3A_154], %swap3A_157 {strides = array<i32>} : memref<80x128xf32, #tpu.memory_space<vmem>>, vector<1x16xf32>,
        %swap3A_158 = arith.index_cast %scan3A_98 : i32 to index
        %swap3A_159 = arith.constant 96 : index
        %swap3A_160 = tpu.vector_load %arg11[%swap3A_158, %swap3A_159] {strides = array<i32>} : memref<80x128xf32, #tpu.memory_space<vmem>>, vector<1x16xf32>,
        %swap3A_161 = vector.shape_cast %swap3A_160 : vector<1x16xf32> to vector<16xf32>
        %swap3A_162 = vector.shape_cast %broadcast_in_dim3A_68 : vector<16xf32> to vector<1x16xf32>
        tpu.vector_store %arg11[%swap3A_158, %swap3A_159], %swap3A_162 {strides = array<i32>} : memref<80x128xf32, #tpu.memory_space<vmem>>, vector<1x16xf32>,
        %swap3A_163 = arith.index_cast %scan3A_98 : i32 to index
        %swap3A_164 = arith.constant 96 : index
        %swap3A_165 = tpu.vector_load %arg12[%swap3A_163, %swap3A_164] {strides = array<i32>} : memref<80x128xf32, #tpu.memory_space<vmem>>, vector<1x16xf32>,
        %swap3A_166 = vector.shape_cast %swap3A_165 : vector<1x16xf32> to vector<16xf32>
        %swap3A_167 = vector.shape_cast %broadcast_in_dim3A_68 : vector<16xf32> to vector<1x16xf32>
        tpu.vector_store %arg12[%swap3A_163, %swap3A_164], %swap3A_167 {strides = array<i32>} : memref<80x128xf32, #tpu.memory_space<vmem>>, vector<1x16xf32>,
        %swap3A_168 = arith.index_cast %scan3A_98 : i32 to index
        %swap3A_169 = arith.constant 112 : index
        %swap3A_170 = tpu.vector_load %arg11[%swap3A_168, %swap3A_169] {strides = array<i32>} : memref<80x128xf32, #tpu.memory_space<vmem>>, vector<1x16xf32>,
        %swap3A_171 = vector.shape_cast %swap3A_170 : vector<1x16xf32> to vector<16xf32>
        %swap3A_172 = vector.shape_cast %broadcast_in_dim3A_68 : vector<16xf32> to vector<1x16xf32>
        tpu.vector_store %arg11[%swap3A_168, %swap3A_169], %swap3A_172 {strides = array<i32>} : memref<80x128xf32, #tpu.memory_space<vmem>>, vector<1x16xf32>,
        %swap3A_173 = arith.index_cast %scan3A_98 : i32 to index
        %swap3A_174 = arith.constant 112 : index
        %swap3A_175 = tpu.vector_load %arg12[%swap3A_173, %swap3A_174] {strides = array<i32>} : memref<80x128xf32, #tpu.memory_space<vmem>>, vector<1x16xf32>,
        %swap3A_176 = vector.shape_cast %swap3A_175 : vector<1x16xf32> to vector<16xf32>
        %swap3A_177 = vector.shape_cast %broadcast_in_dim3A_68 : vector<16xf32> to vector<1x16xf32>
        tpu.vector_store %arg12[%swap3A_173, %swap3A_174], %swap3A_177 {strides = array<i32>} : memref<80x128xf32, #tpu.memory_space<vmem>>, vector<1x16xf32>,
      }
      %scan3A_73 = arith.constant 80 : i32
      %scan3A_74 = arith.constant 0 : i32
      %scan3A_75 = arith.constant 0 : i32
      %scan3A_76 = arith.constant 32 : i32
      %scan3A_77 = arith.addi %scan3A_75, %scan3A_76 : i32
      %scan3A_78 = arith.constant 1 : i32
      scf.for %scan3A_98 = %scan3A_75 to %scan3A_77 step %scan3A_78  : i32 {
        %lt3A_99 = arith.constant 20 : i32
        %lt3A_100 = arith.cmpi slt, %scan3A_98, %lt3A_99 : i32
        %convert_element_type3A_101 = arith.extui %lt3A_100 : i1 to i32
        %cond3A_102 = arith.constant 0 : i32
        %cond3A_103 = arith.cmpi ne, %convert_element_type3A_101, %cond3A_102 : i32
        scf.if %cond3A_103 {
          %dma_start3A = arith.constant 0 : i32
          %dma_start3A_108 = tpu.memref_slice %arg7[%scan3A_98, %dma_start3A] : memref<32x80xi32, #tpu.memory_space<vmem>> -> memref<1x80xi32, #tpu.memory_space<vmem>>
          %dma_start3A_109 = tpu.memref_squeeze %dma_start3A_108 : memref<1x80xi32, #tpu.memory_space<vmem>> -> memref<80xi32, #tpu.memory_space<vmem>>
          %dma_start3A_110 = arith.constant 0 : i32
          %dma_start3A_111 = arith.constant 0 : i32
          %dma_start3A_112 = tpu.memref_slice %arg6[%dma_start3A_110, %dma_start3A_111] : memref<10000x128xf32, #tpu.memory_space<vmem_shared>> -> memref<10000x128xf32, #tpu.memory_space<vmem_shared>>
          tpu.enqueue_indirect_dma source(%dma_start3A_112 : memref<10000x128xf32, #tpu.memory_space<vmem_shared>>) target(%arg11 : memref<80x128xf32, #tpu.memory_space<vmem>>) offsets(%dma_start3A_109 : memref<80xi32, #tpu.memory_space<vmem>>) semaphore(%arg13 : memref<!tpu.dma_semaphore, #tpu.memory_space<semaphore_mem>>) {add = true}
        } else {
        }
        %ge3A = arith.constant 20 : i32
        %ge3A_104 = arith.cmpi sge, %scan3A_98, %ge3A : i32
        %convert_element_type3A_105 = arith.extui %ge3A_104 : i1 to i32
        %cond3A_106 = arith.constant 0 : i32
        %cond3A_107 = arith.cmpi ne, %convert_element_type3A_105, %cond3A_106 : i32
        scf.if %cond3A_107 {
          %dma_start3A = arith.constant 0 : i32
          %dma_start3A_108 = tpu.memref_slice %arg7[%scan3A_98, %dma_start3A] : memref<32x80xi32, #tpu.memory_space<vmem>> -> memref<1x80xi32, #tpu.memory_space<vmem>>
          %dma_start3A_109 = tpu.memref_squeeze %dma_start3A_108 : memref<1x80xi32, #tpu.memory_space<vmem>> -> memref<80xi32, #tpu.memory_space<vmem>>
          %dma_start3A_110 = arith.constant 0 : i32
          %dma_start3A_111 = arith.constant 0 : i32
          %dma_start3A_112 = tpu.memref_slice %arg2[%dma_start3A_110, %dma_start3A_111] : memref<10000x128xf32, #tpu.memory_space<hbm>> -> memref<10000x128xf32, #tpu.memory_space<hbm>>
          tpu.enqueue_indirect_dma source(%dma_start3A_112 : memref<10000x128xf32, #tpu.memory_space<hbm>>) target(%arg12 : memref<80x128xf32, #tpu.memory_space<vmem>>) offsets(%dma_start3A_109 : memref<80xi32, #tpu.memory_space<vmem>>) semaphore(%arg14 : memref<!tpu.dma_semaphore, #tpu.memory_space<semaphore_mem>>) {add = true}
        } else {
        }
      }
      %scan3A_79 = arith.constant 32 : i32
      %scan3A_80 = arith.constant 0 : i32
      %scan3A_81 = arith.constant 0 : i32
      %scan3A_82 = arith.constant 20 : i32
      %scan3A_83 = arith.addi %scan3A_81, %scan3A_82 : i32
      %scan3A_84 = arith.constant 1 : i32
      scf.for %scan3A_98 = %scan3A_81 to %scan3A_83 step %scan3A_84  : i32 {
        %dma_wait3A = arith.constant 0 : i32
        %dma_wait3A_99 = arith.constant 0 : i32
        %dma_wait3A_100 = tpu.memref_slice %arg2[%dma_wait3A, %dma_wait3A_99] : memref<10000x128xf32, #tpu.memory_space<hbm>> -> memref<80x128xf32, #tpu.memory_space<hbm>>
        %dma_wait3A_101 = arith.constant 0 : i32
        %dma_wait3A_102 = arith.constant 0 : i32
        %dma_wait3A_103 = tpu.memref_slice %arg2[%dma_wait3A_101, %dma_wait3A_102] : memref<10000x128xf32, #tpu.memory_space<hbm>> -> memref<80x128xf32, #tpu.memory_space<hbm>>
        tpu.wait_dma2 semaphore(%arg13 : memref<!tpu.dma_semaphore, #tpu.memory_space<semaphore_mem>>) src(%dma_wait3A_103 : memref<80x128xf32, #tpu.memory_space<hbm>>) dst(%arg11 : memref<80x128xf32, #tpu.memory_space<vmem>>)
      }
      %scan3A_85 = arith.constant 20 : i32
      %scan3A_86 = arith.constant 0 : i32
      %scan3A_87 = arith.constant 0 : i32
      %scan3A_88 = arith.constant 12 : i32
      %scan3A_89 = arith.addi %scan3A_87, %scan3A_88 : i32
      %scan3A_90 = arith.constant 1 : i32
      scf.for %scan3A_98 = %scan3A_87 to %scan3A_89 step %scan3A_90  : i32 {
        %dma_wait3A = arith.constant 0 : i32
        %dma_wait3A_99 = arith.constant 0 : i32
        %dma_wait3A_100 = tpu.memref_slice %arg2[%dma_wait3A, %dma_wait3A_99] : memref<10000x128xf32, #tpu.memory_space<hbm>> -> memref<80x128xf32, #tpu.memory_space<hbm>>
        %dma_wait3A_101 = arith.constant 0 : i32
        %dma_wait3A_102 = arith.constant 0 : i32
        %dma_wait3A_103 = tpu.memref_slice %arg2[%dma_wait3A_101, %dma_wait3A_102] : memref<10000x128xf32, #tpu.memory_space<hbm>> -> memref<80x128xf32, #tpu.memory_space<hbm>>
        tpu.wait_dma2 semaphore(%arg14 : memref<!tpu.dma_semaphore, #tpu.memory_space<semaphore_mem>>) src(%dma_wait3A_103 : memref<80x128xf32, #tpu.memory_space<hbm>>) dst(%arg12 : memref<80x128xf32, #tpu.memory_space<vmem>>)
      }
      %scan3A_91 = arith.constant 12 : i32
      %add3A_92 = arith.constant 0 : i32
      %add3A_93 = arith.addi %add3A, %add3A_92 : i32
      %mul3A_94 = arith.constant 80 : i32
      %mul3A_95 = arith.muli %add3A_93, %mul3A_94 : i32
      "tpu.region"() ({
        %run_scoped3A = tpu.sem_alloc : memref<!tpu.dma_semaphore, #tpu.memory_space<semaphore_mem>>
        %dma_start3A = arith.constant 0 : i32
        %dma_start3A_98 = tpu.memref_slice %arg4[%mul3A_95, %dma_start3A] : memref<10000x128xf32, #tpu.memory_space<hbm>> -> memref<80x128xf32, #tpu.memory_space<hbm>>
        %dma_start3A_99 = arith.constant 0 : i32
        %dma_start3A_100 = tpu.memref_slice %arg4[%mul3A_95, %dma_start3A_99] : memref<10000x128xf32, #tpu.memory_space<hbm>> -> memref<80x128xf32, #tpu.memory_space<hbm>>
        tpu.enqueue_dma source(%arg11 : memref<80x128xf32, #tpu.memory_space<vmem>>) target(%dma_start3A_100 : memref<80x128xf32, #tpu.memory_space<hbm>>) target_semaphore(%run_scoped3A : memref<!tpu.dma_semaphore, #tpu.memory_space<semaphore_mem>>)
        %dma_wait3A = arith.constant 0 : i32
        %dma_wait3A_101 = tpu.memref_slice %arg4[%mul3A_95, %dma_wait3A] : memref<10000x128xf32, #tpu.memory_space<hbm>> -> memref<80x128xf32, #tpu.memory_space<hbm>>
        %dma_wait3A_102 = arith.constant 0 : i32
        %dma_wait3A_103 = tpu.memref_slice %arg4[%mul3A_95, %dma_wait3A_102] : memref<10000x128xf32, #tpu.memory_space<hbm>> -> memref<80x128xf32, #tpu.memory_space<hbm>>
        tpu.wait_dma2 semaphore(%run_scoped3A : memref<!tpu.dma_semaphore, #tpu.memory_space<semaphore_mem>>) src(%arg11 : memref<80x128xf32, #tpu.memory_space<vmem>>) dst(%dma_wait3A_103 : memref<80x128xf32, #tpu.memory_space<hbm>>)
        tpu.yield
      }) : () -> ()
      %mul3A_96 = arith.constant 80 : i32
      %mul3A_97 = arith.muli %add3A_93, %mul3A_96 : i32
      "tpu.region"() ({
        %run_scoped3A = tpu.sem_alloc : memref<!tpu.dma_semaphore, #tpu.memory_space<semaphore_mem>>
        %dma_start3A = arith.constant 0 : i32
        %dma_start3A_98 = tpu.memref_slice %arg5[%mul3A_97, %dma_start3A] : memref<10000x128xf32, #tpu.memory_space<hbm>> -> memref<80x128xf32, #tpu.memory_space<hbm>>
        %dma_start3A_99 = arith.constant 0 : i32
        %dma_start3A_100 = tpu.memref_slice %arg5[%mul3A_97, %dma_start3A_99] : memref<10000x128xf32, #tpu.memory_space<hbm>> -> memref<80x128xf32, #tpu.memory_space<hbm>>
        tpu.enqueue_dma source(%arg12 : memref<80x128xf32, #tpu.memory_space<vmem>>) target(%dma_start3A_100 : memref<80x128xf32, #tpu.memory_space<hbm>>) target_semaphore(%run_scoped3A : memref<!tpu.dma_semaphore, #tpu.memory_space<semaphore_mem>>)
        %dma_wait3A = arith.constant 0 : i32
        %dma_wait3A_101 = tpu.memref_slice %arg5[%mul3A_97, %dma_wait3A] : memref<10000x128xf32, #tpu.memory_space<hbm>> -> memref<80x128xf32, #tpu.memory_space<hbm>>
        %dma_wait3A_102 = arith.constant 0 : i32
        %dma_wait3A_103 = tpu.memref_slice %arg5[%mul3A_97, %dma_wait3A_102] : memref<10000x128xf32, #tpu.memory_space<hbm>> -> memref<80x128xf32, #tpu.memory_space<hbm>>
        tpu.wait_dma2 semaphore(%run_scoped3A : memref<!tpu.dma_semaphore, #tpu.memory_space<semaphore_mem>>) src(%arg12 : memref<80x128xf32, #tpu.memory_space<vmem>>) dst(%dma_wait3A_103 : memref<80x128xf32, #tpu.memory_space<hbm>>)
        tpu.yield
      }) : () -> ()
    } else {
    }
    %gt3A_53 = arith.constant 1 : i32
    %gt3A_54 = arith.cmpi sgt, %select_n3A, %gt3A_53 : i32
    %convert_element_type3A_55 = arith.extui %gt3A_54 : i1 to i32
    %cond3A_56 = arith.constant 0 : i32
    %cond3A_57 = arith.cmpi ne, %convert_element_type3A_55, %cond3A_56 : i32
    scf.if %cond3A_57 {
      %broadcast_in_dim3A = arith.constant 0.000000e+00 : f32
      %broadcast_in_dim3A_68 = vector.broadcast %broadcast_in_dim3A : f32 to vector<16xf32>
      %scan3A = arith.constant 0 : i32
      %scan3A_69 = arith.constant 0 : i32
      %scan3A_70 = arith.constant 80 : i32
      %scan3A_71 = arith.addi %scan3A_69, %scan3A_70 : i32
      %scan3A_72 = arith.constant 1 : i32
      scf.for %scan3A_98 = %scan3A_69 to %scan3A_71 step %scan3A_72  : i32 {
        %swap3A = arith.index_cast %scan3A_98 : i32 to index
        %swap3A_99 = arith.constant 0 : index
        %swap3A_100 = tpu.vector_load %arg11[%swap3A, %swap3A_99] {strides = array<i32>} : memref<80x128xf32, #tpu.memory_space<vmem>>, vector<1x16xf32>,
        %swap3A_101 = vector.shape_cast %swap3A_100 : vector<1x16xf32> to vector<16xf32>
        %swap3A_102 = vector.shape_cast %broadcast_in_dim3A_68 : vector<16xf32> to vector<1x16xf32>
        tpu.vector_store %arg11[%swap3A, %swap3A_99], %swap3A_102 {strides = array<i32>} : memref<80x128xf32, #tpu.memory_space<vmem>>, vector<1x16xf32>,
        %swap3A_103 = arith.index_cast %scan3A_98 : i32 to index
        %swap3A_104 = arith.constant 0 : index
        %swap3A_105 = tpu.vector_load %arg12[%swap3A_103, %swap3A_104] {strides = array<i32>} : memref<80x128xf32, #tpu.memory_space<vmem>>, vector<1x16xf32>,
        %swap3A_106 = vector.shape_cast %swap3A_105 : vector<1x16xf32> to vector<16xf32>
        %swap3A_107 = vector.shape_cast %broadcast_in_dim3A_68 : vector<16xf32> to vector<1x16xf32>
        tpu.vector_store %arg12[%swap3A_103, %swap3A_104], %swap3A_107 {strides = array<i32>} : memref<80x128xf32, #tpu.memory_space<vmem>>, vector<1x16xf32>,
        %swap3A_108 = arith.index_cast %scan3A_98 : i32 to index
        %swap3A_109 = arith.constant 16 : index
        %swap3A_110 = tpu.vector_load %arg11[%swap3A_108, %swap3A_109] {strides = array<i32>} : memref<80x128xf32, #tpu.memory_space<vmem>>, vector<1x16xf32>,
        %swap3A_111 = vector.shape_cast %swap3A_110 : vector<1x16xf32> to vector<16xf32>
        %swap3A_112 = vector.shape_cast %broadcast_in_dim3A_68 : vector<16xf32> to vector<1x16xf32>
        tpu.vector_store %arg11[%swap3A_108, %swap3A_109], %swap3A_112 {strides = array<i32>} : memref<80x128xf32, #tpu.memory_space<vmem>>, vector<1x16xf32>,
        %swap3A_113 = arith.index_cast %scan3A_98 : i32 to index
        %swap3A_114 = arith.constant 16 : index
        %swap3A_115 = tpu.vector_load %arg12[%swap3A_113, %swap3A_114] {strides = array<i32>} : memref<80x128xf32, #tpu.memory_space<vmem>>, vector<1x16xf32>,
        %swap3A_116 = vector.shape_cast %swap3A_115 : vector<1x16xf32> to vector<16xf32>
        %swap3A_117 = vector.shape_cast %broadcast_in_dim3A_68 : vector<16xf32> to vector<1x16xf32>
        tpu.vector_store %arg12[%swap3A_113, %swap3A_114], %swap3A_117 {strides = array<i32>} : memref<80x128xf32, #tpu.memory_space<vmem>>, vector<1x16xf32>,
        %swap3A_118 = arith.index_cast %scan3A_98 : i32 to index
        %swap3A_119 = arith.constant 32 : index
        %swap3A_120 = tpu.vector_load %arg11[%swap3A_118, %swap3A_119] {strides = array<i32>} : memref<80x128xf32, #tpu.memory_space<vmem>>, vector<1x16xf32>,
        %swap3A_121 = vector.shape_cast %swap3A_120 : vector<1x16xf32> to vector<16xf32>
        %swap3A_122 = vector.shape_cast %broadcast_in_dim3A_68 : vector<16xf32> to vector<1x16xf32>
        tpu.vector_store %arg11[%swap3A_118, %swap3A_119], %swap3A_122 {strides = array<i32>} : memref<80x128xf32, #tpu.memory_space<vmem>>, vector<1x16xf32>,
        %swap3A_123 = arith.index_cast %scan3A_98 : i32 to index
        %swap3A_124 = arith.constant 32 : index
        %swap3A_125 = tpu.vector_load %arg12[%swap3A_123, %swap3A_124] {strides = array<i32>} : memref<80x128xf32, #tpu.memory_space<vmem>>, vector<1x16xf32>,
        %swap3A_126 = vector.shape_cast %swap3A_125 : vector<1x16xf32> to vector<16xf32>
        %swap3A_127 = vector.shape_cast %broadcast_in_dim3A_68 : vector<16xf32> to vector<1x16xf32>
        tpu.vector_store %arg12[%swap3A_123, %swap3A_124], %swap3A_127 {strides = array<i32>} : memref<80x128xf32, #tpu.memory_space<vmem>>, vector<1x16xf32>,
        %swap3A_128 = arith.index_cast %scan3A_98 : i32 to index
        %swap3A_129 = arith.constant 48 : index
        %swap3A_130 = tpu.vector_load %arg11[%swap3A_128, %swap3A_129] {strides = array<i32>} : memref<80x128xf32, #tpu.memory_space<vmem>>, vector<1x16xf32>,
        %swap3A_131 = vector.shape_cast %swap3A_130 : vector<1x16xf32> to vector<16xf32>
        %swap3A_132 = vector.shape_cast %broadcast_in_dim3A_68 : vector<16xf32> to vector<1x16xf32>
        tpu.vector_store %arg11[%swap3A_128, %swap3A_129], %swap3A_132 {strides = array<i32>} : memref<80x128xf32, #tpu.memory_space<vmem>>, vector<1x16xf32>,
        %swap3A_133 = arith.index_cast %scan3A_98 : i32 to index
        %swap3A_134 = arith.constant 48 : index
        %swap3A_135 = tpu.vector_load %arg12[%swap3A_133, %swap3A_134] {strides = array<i32>} : memref<80x128xf32, #tpu.memory_space<vmem>>, vector<1x16xf32>,
        %swap3A_136 = vector.shape_cast %swap3A_135 : vector<1x16xf32> to vector<16xf32>
        %swap3A_137 = vector.shape_cast %broadcast_in_dim3A_68 : vector<16xf32> to vector<1x16xf32>
        tpu.vector_store %arg12[%swap3A_133, %swap3A_134], %swap3A_137 {strides = array<i32>} : memref<80x128xf32, #tpu.memory_space<vmem>>, vector<1x16xf32>,
        %swap3A_138 = arith.index_cast %scan3A_98 : i32 to index
        %swap3A_139 = arith.constant 64 : index
        %swap3A_140 = tpu.vector_load %arg11[%swap3A_138, %swap3A_139] {strides = array<i32>} : memref<80x128xf32, #tpu.memory_space<vmem>>, vector<1x16xf32>,
        %swap3A_141 = vector.shape_cast %swap3A_140 : vector<1x16xf32> to vector<16xf32>
        %swap3A_142 = vector.shape_cast %broadcast_in_dim3A_68 : vector<16xf32> to vector<1x16xf32>
        tpu.vector_store %arg11[%swap3A_138, %swap3A_139], %swap3A_142 {strides = array<i32>} : memref<80x128xf32, #tpu.memory_space<vmem>>, vector<1x16xf32>,
        %swap3A_143 = arith.index_cast %scan3A_98 : i32 to index
        %swap3A_144 = arith.constant 64 : index
        %swap3A_145 = tpu.vector_load %arg12[%swap3A_143, %swap3A_144] {strides = array<i32>} : memref<80x128xf32, #tpu.memory_space<vmem>>, vector<1x16xf32>,
        %swap3A_146 = vector.shape_cast %swap3A_145 : vector<1x16xf32> to vector<16xf32>
        %swap3A_147 = vector.shape_cast %broadcast_in_dim3A_68 : vector<16xf32> to vector<1x16xf32>
        tpu.vector_store %arg12[%swap3A_143, %swap3A_144], %swap3A_147 {strides = array<i32>} : memref<80x128xf32, #tpu.memory_space<vmem>>, vector<1x16xf32>,
        %swap3A_148 = arith.index_cast %scan3A_98 : i32 to index
        %swap3A_149 = arith.constant 80 : index
        %swap3A_150 = tpu.vector_load %arg11[%swap3A_148, %swap3A_149] {strides = array<i32>} : memref<80x128xf32, #tpu.memory_space<vmem>>, vector<1x16xf32>,
        %swap3A_151 = vector.shape_cast %swap3A_150 : vector<1x16xf32> to vector<16xf32>
        %swap3A_152 = vector.shape_cast %broadcast_in_dim3A_68 : vector<16xf32> to vector<1x16xf32>
        tpu.vector_store %arg11[%swap3A_148, %swap3A_149], %swap3A_152 {strides = array<i32>} : memref<80x128xf32, #tpu.memory_space<vmem>>, vector<1x16xf32>,
        %swap3A_153 = arith.index_cast %scan3A_98 : i32 to index
        %swap3A_154 = arith.constant 80 : index
        %swap3A_155 = tpu.vector_load %arg12[%swap3A_153, %swap3A_154] {strides = array<i32>} : memref<80x128xf32, #tpu.memory_space<vmem>>, vector<1x16xf32>,
        %swap3A_156 = vector.shape_cast %swap3A_155 : vector<1x16xf32> to vector<16xf32>
        %swap3A_157 = vector.shape_cast %broadcast_in_dim3A_68 : vector<16xf32> to vector<1x16xf32>
        tpu.vector_store %arg12[%swap3A_153, %swap3A_154], %swap3A_157 {strides = array<i32>} : memref<80x128xf32, #tpu.memory_space<vmem>>, vector<1x16xf32>,
        %swap3A_158 = arith.index_cast %scan3A_98 : i32 to index
        %swap3A_159 = arith.constant 96 : index
        %swap3A_160 = tpu.vector_load %arg11[%swap3A_158, %swap3A_159] {strides = array<i32>} : memref<80x128xf32, #tpu.memory_space<vmem>>, vector<1x16xf32>,
        %swap3A_161 = vector.shape_cast %swap3A_160 : vector<1x16xf32> to vector<16xf32>
        %swap3A_162 = vector.shape_cast %broadcast_in_dim3A_68 : vector<16xf32> to vector<1x16xf32>
        tpu.vector_store %arg11[%swap3A_158, %swap3A_159], %swap3A_162 {strides = array<i32>} : memref<80x128xf32, #tpu.memory_space<vmem>>, vector<1x16xf32>,
        %swap3A_163 = arith.index_cast %scan3A_98 : i32 to index
        %swap3A_164 = arith.constant 96 : index
        %swap3A_165 = tpu.vector_load %arg12[%swap3A_163, %swap3A_164] {strides = array<i32>} : memref<80x128xf32, #tpu.memory_space<vmem>>, vector<1x16xf32>,
        %swap3A_166 = vector.shape_cast %swap3A_165 : vector<1x16xf32> to vector<16xf32>
        %swap3A_167 = vector.shape_cast %broadcast_in_dim3A_68 : vector<16xf32> to vector<1x16xf32>
        tpu.vector_store %arg12[%swap3A_163, %swap3A_164], %swap3A_167 {strides = array<i32>} : memref<80x128xf32, #tpu.memory_space<vmem>>, vector<1x16xf32>,
        %swap3A_168 = arith.index_cast %scan3A_98 : i32 to index
        %swap3A_169 = arith.constant 112 : index
        %swap3A_170 = tpu.vector_load %arg11[%swap3A_168, %swap3A_169] {strides = array<i32>} : memref<80x128xf32, #tpu.memory_space<vmem>>, vector<1x16xf32>,
        %swap3A_171 = vector.shape_cast %swap3A_170 : vector<1x16xf32> to vector<16xf32>
        %swap3A_172 = vector.shape_cast %broadcast_in_dim3A_68 : vector<16xf32> to vector<1x16xf32>
        tpu.vector_store %arg11[%swap3A_168, %swap3A_169], %swap3A_172 {strides = array<i32>} : memref<80x128xf32, #tpu.memory_space<vmem>>, vector<1x16xf32>,
        %swap3A_173 = arith.index_cast %scan3A_98 : i32 to index
        %swap3A_174 = arith.constant 112 : index
        %swap3A_175 = tpu.vector_load %arg12[%swap3A_173, %swap3A_174] {strides = array<i32>} : memref<80x128xf32, #tpu.memory_space<vmem>>, vector<1x16xf32>,
        %swap3A_176 = vector.shape_cast %swap3A_175 : vector<1x16xf32> to vector<16xf32>
        %swap3A_177 = vector.shape_cast %broadcast_in_dim3A_68 : vector<16xf32> to vector<1x16xf32>
        tpu.vector_store %arg12[%swap3A_173, %swap3A_174], %swap3A_177 {strides = array<i32>} : memref<80x128xf32, #tpu.memory_space<vmem>>, vector<1x16xf32>,
      }
      %scan3A_73 = arith.constant 80 : i32
      %scan3A_74 = arith.constant 0 : i32
      %scan3A_75 = arith.constant 0 : i32
      %scan3A_76 = arith.constant 32 : i32
      %scan3A_77 = arith.addi %scan3A_75, %scan3A_76 : i32
      %scan3A_78 = arith.constant 1 : i32
      scf.for %scan3A_98 = %scan3A_75 to %scan3A_77 step %scan3A_78  : i32 {
        %lt3A_99 = arith.constant 20 : i32
        %lt3A_100 = arith.cmpi slt, %scan3A_98, %lt3A_99 : i32
        %convert_element_type3A_101 = arith.extui %lt3A_100 : i1 to i32
        %cond3A_102 = arith.constant 0 : i32
        %cond3A_103 = arith.cmpi ne, %convert_element_type3A_101, %cond3A_102 : i32
        scf.if %cond3A_103 {
          %dma_start3A = arith.constant 0 : i32
          %dma_start3A_108 = tpu.memref_slice %arg8[%scan3A_98, %dma_start3A] : memref<32x80xi32, #tpu.memory_space<vmem>> -> memref<1x80xi32, #tpu.memory_space<vmem>>
          %dma_start3A_109 = tpu.memref_squeeze %dma_start3A_108 : memref<1x80xi32, #tpu.memory_space<vmem>> -> memref<80xi32, #tpu.memory_space<vmem>>
          %dma_start3A_110 = arith.constant 0 : i32
          %dma_start3A_111 = arith.constant 0 : i32
          %dma_start3A_112 = tpu.memref_slice %arg6[%dma_start3A_110, %dma_start3A_111] : memref<10000x128xf32, #tpu.memory_space<vmem_shared>> -> memref<10000x128xf32, #tpu.memory_space<vmem_shared>>
          tpu.enqueue_indirect_dma source(%dma_start3A_112 : memref<10000x128xf32, #tpu.memory_space<vmem_shared>>) target(%arg11 : memref<80x128xf32, #tpu.memory_space<vmem>>) offsets(%dma_start3A_109 : memref<80xi32, #tpu.memory_space<vmem>>) semaphore(%arg13 : memref<!tpu.dma_semaphore, #tpu.memory_space<semaphore_mem>>) {add = true}
        } else {
        }
        %ge3A = arith.constant 20 : i32
        %ge3A_104 = arith.cmpi sge, %scan3A_98, %ge3A : i32
        %convert_element_type3A_105 = arith.extui %ge3A_104 : i1 to i32
        %cond3A_106 = arith.constant 0 : i32
        %cond3A_107 = arith.cmpi ne, %convert_element_type3A_105, %cond3A_106 : i32
        scf.if %cond3A_107 {
          %dma_start3A = arith.constant 0 : i32
          %dma_start3A_108 = tpu.memref_slice %arg8[%scan3A_98, %dma_start3A] : memref<32x80xi32, #tpu.memory_space<vmem>> -> memref<1x80xi32, #tpu.memory_space<vmem>>
          %dma_start3A_109 = tpu.memref_squeeze %dma_start3A_108 : memref<1x80xi32, #tpu.memory_space<vmem>> -> memref<80xi32, #tpu.memory_space<vmem>>
          %dma_start3A_110 = arith.constant 0 : i32
          %dma_start3A_111 = arith.constant 0 : i32
          %dma_start3A_112 = tpu.memref_slice %arg2[%dma_start3A_110, %dma_start3A_111] : memref<10000x128xf32, #tpu.memory_space<hbm>> -> memref<10000x128xf32, #tpu.memory_space<hbm>>
          tpu.enqueue_indirect_dma source(%dma_start3A_112 : memref<10000x128xf32, #tpu.memory_space<hbm>>) target(%arg12 : memref<80x128xf32, #tpu.memory_space<vmem>>) offsets(%dma_start3A_109 : memref<80xi32, #tpu.memory_space<vmem>>) semaphore(%arg14 : memref<!tpu.dma_semaphore, #tpu.memory_space<semaphore_mem>>) {add = true}
        } else {
        }
      }
      %scan3A_79 = arith.constant 32 : i32
      %scan3A_80 = arith.constant 0 : i32
      %scan3A_81 = arith.constant 0 : i32
      %scan3A_82 = arith.constant 20 : i32
      %scan3A_83 = arith.addi %scan3A_81, %scan3A_82 : i32
      %scan3A_84 = arith.constant 1 : i32
      scf.for %scan3A_98 = %scan3A_81 to %scan3A_83 step %scan3A_84  : i32 {
        %dma_wait3A = arith.constant 0 : i32
        %dma_wait3A_99 = arith.constant 0 : i32
        %dma_wait3A_100 = tpu.memref_slice %arg2[%dma_wait3A, %dma_wait3A_99] : memref<10000x128xf32, #tpu.memory_space<hbm>> -> memref<80x128xf32, #tpu.memory_space<hbm>>
        %dma_wait3A_101 = arith.constant 0 : i32
        %dma_wait3A_102 = arith.constant 0 : i32
        %dma_wait3A_103 = tpu.memref_slice %arg2[%dma_wait3A_101, %dma_wait3A_102] : memref<10000x128xf32, #tpu.memory_space<hbm>> -> memref<80x128xf32, #tpu.memory_space<hbm>>
        tpu.wait_dma2 semaphore(%arg13 : memref<!tpu.dma_semaphore, #tpu.memory_space<semaphore_mem>>) src(%dma_wait3A_103 : memref<80x128xf32, #tpu.memory_space<hbm>>) dst(%arg11 : memref<80x128xf32, #tpu.memory_space<vmem>>)
      }
      %scan3A_85 = arith.constant 20 : i32
      %scan3A_86 = arith.constant 0 : i32
      %scan3A_87 = arith.constant 0 : i32
      %scan3A_88 = arith.constant 12 : i32
      %scan3A_89 = arith.addi %scan3A_87, %scan3A_88 : i32
      %scan3A_90 = arith.constant 1 : i32
      scf.for %scan3A_98 = %scan3A_87 to %scan3A_89 step %scan3A_90  : i32 {
        %dma_wait3A = arith.constant 0 : i32
        %dma_wait3A_99 = arith.constant 0 : i32
        %dma_wait3A_100 = tpu.memref_slice %arg2[%dma_wait3A, %dma_wait3A_99] : memref<10000x128xf32, #tpu.memory_space<hbm>> -> memref<80x128xf32, #tpu.memory_space<hbm>>
        %dma_wait3A_101 = arith.constant 0 : i32
        %dma_wait3A_102 = arith.constant 0 : i32
        %dma_wait3A_103 = tpu.memref_slice %arg2[%dma_wait3A_101, %dma_wait3A_102] : memref<10000x128xf32, #tpu.memory_space<hbm>> -> memref<80x128xf32, #tpu.memory_space<hbm>>
        tpu.wait_dma2 semaphore(%arg14 : memref<!tpu.dma_semaphore, #tpu.memory_space<semaphore_mem>>) src(%dma_wait3A_103 : memref<80x128xf32, #tpu.memory_space<hbm>>) dst(%arg12 : memref<80x128xf32, #tpu.memory_space<vmem>>)
      }
      %scan3A_91 = arith.constant 12 : i32
      %add3A_92 = arith.constant 32 : i32
      %add3A_93 = arith.addi %add3A, %add3A_92 : i32
      %mul3A_94 = arith.constant 80 : i32
      %mul3A_95 = arith.muli %add3A_93, %mul3A_94 : i32
      "tpu.region"() ({
        %run_scoped3A = tpu.sem_alloc : memref<!tpu.dma_semaphore, #tpu.memory_space<semaphore_mem>>
        %dma_start3A = arith.constant 0 : i32
        %dma_start3A_98 = tpu.memref_slice %arg4[%mul3A_95, %dma_start3A] : memref<10000x128xf32, #tpu.memory_space<hbm>> -> memref<80x128xf32, #tpu.memory_space<hbm>>
        %dma_start3A_99 = arith.constant 0 : i32
        %dma_start3A_100 = tpu.memref_slice %arg4[%mul3A_95, %dma_start3A_99] : memref<10000x128xf32, #tpu.memory_space<hbm>> -> memref<80x128xf32, #tpu.memory_space<hbm>>
        tpu.enqueue_dma source(%arg11 : memref<80x128xf32, #tpu.memory_space<vmem>>) target(%dma_start3A_100 : memref<80x128xf32, #tpu.memory_space<hbm>>) target_semaphore(%run_scoped3A : memref<!tpu.dma_semaphore, #tpu.memory_space<semaphore_mem>>)
        %dma_wait3A = arith.constant 0 : i32
        %dma_wait3A_101 = tpu.memref_slice %arg4[%mul3A_95, %dma_wait3A] : memref<10000x128xf32, #tpu.memory_space<hbm>> -> memref<80x128xf32, #tpu.memory_space<hbm>>
        %dma_wait3A_102 = arith.constant 0 : i32
        %dma_wait3A_103 = tpu.memref_slice %arg4[%mul3A_95, %dma_wait3A_102] : memref<10000x128xf32, #tpu.memory_space<hbm>> -> memref<80x128xf32, #tpu.memory_space<hbm>>
        tpu.wait_dma2 semaphore(%run_scoped3A : memref<!tpu.dma_semaphore, #tpu.memory_space<semaphore_mem>>) src(%arg11 : memref<80x128xf32, #tpu.memory_space<vmem>>) dst(%dma_wait3A_103 : memref<80x128xf32, #tpu.memory_space<hbm>>)
        tpu.yield
      }) : () -> ()
      %mul3A_96 = arith.constant 80 : i32
      %mul3A_97 = arith.muli %add3A_93, %mul3A_96 : i32
      "tpu.region"() ({
        %run_scoped3A = tpu.sem_alloc : memref<!tpu.dma_semaphore, #tpu.memory_space<semaphore_mem>>
        %dma_start3A = arith.constant 0 : i32
        %dma_start3A_98 = tpu.memref_slice %arg5[%mul3A_97, %dma_start3A] : memref<10000x128xf32, #tpu.memory_space<hbm>> -> memref<80x128xf32, #tpu.memory_space<hbm>>
        %dma_start3A_99 = arith.constant 0 : i32
        %dma_start3A_100 = tpu.memref_slice %arg5[%mul3A_97, %dma_start3A_99] : memref<10000x128xf32, #tpu.memory_space<hbm>> -> memref<80x128xf32, #tpu.memory_space<hbm>>
        tpu.enqueue_dma source(%arg12 : memref<80x128xf32, #tpu.memory_space<vmem>>) target(%dma_start3A_100 : memref<80x128xf32, #tpu.memory_space<hbm>>) target_semaphore(%run_scoped3A : memref<!tpu.dma_semaphore, #tpu.memory_space<semaphore_mem>>)
        %dma_wait3A = arith.constant 0 : i32
        %dma_wait3A_101 = tpu.memref_slice %arg5[%mul3A_97, %dma_wait3A] : memref<10000x128xf32, #tpu.memory_space<hbm>> -> memref<80x128xf32, #tpu.memory_space<hbm>>
        %dma_wait3A_102 = arith.constant 0 : i32
        %dma_wait3A_103 = tpu.memref_slice %arg5[%mul3A_97, %dma_wait3A_102] : memref<10000x128xf32, #tpu.memory_space<hbm>> -> memref<80x128xf32, #tpu.memory_space<hbm>>
        tpu.wait_dma2 semaphore(%run_scoped3A : memref<!tpu.dma_semaphore, #tpu.memory_space<semaphore_mem>>) src(%arg12 : memref<80x128xf32, #tpu.memory_space<vmem>>) dst(%dma_wait3A_103 : memref<80x128xf32, #tpu.memory_space<hbm>>)
        tpu.yield
      }) : () -> ()
    } else {
    }
    %gt3A_58 = arith.constant 2 : i32
    %gt3A_59 = arith.cmpi sgt, %select_n3A, %gt3A_58 : i32
    %convert_element_type3A_60 = arith.extui %gt3A_59 : i1 to i32
    %cond3A_61 = arith.constant 0 : i32
    %cond3A_62 = arith.cmpi ne, %convert_element_type3A_60, %cond3A_61 : i32
    scf.if %cond3A_62 {
      %broadcast_in_dim3A = arith.constant 0.000000e+00 : f32
      %broadcast_in_dim3A_68 = vector.broadcast %broadcast_in_dim3A : f32 to vector<16xf32>
      %scan3A = arith.constant 0 : i32
      %scan3A_69 = arith.constant 0 : i32
      %scan3A_70 = arith.constant 80 : i32
      %scan3A_71 = arith.addi %scan3A_69, %scan3A_70 : i32
      %scan3A_72 = arith.constant 1 : i32
      scf.for %scan3A_98 = %scan3A_69 to %scan3A_71 step %scan3A_72  : i32 {
        %swap3A = arith.index_cast %scan3A_98 : i32 to index
        %swap3A_99 = arith.constant 0 : index
        %swap3A_100 = tpu.vector_load %arg11[%swap3A, %swap3A_99] {strides = array<i32>} : memref<80x128xf32, #tpu.memory_space<vmem>>, vector<1x16xf32>,
        %swap3A_101 = vector.shape_cast %swap3A_100 : vector<1x16xf32> to vector<16xf32>
        %swap3A_102 = vector.shape_cast %broadcast_in_dim3A_68 : vector<16xf32> to vector<1x16xf32>
        tpu.vector_store %arg11[%swap3A, %swap3A_99], %swap3A_102 {strides = array<i32>} : memref<80x128xf32, #tpu.memory_space<vmem>>, vector<1x16xf32>,
        %swap3A_103 = arith.index_cast %scan3A_98 : i32 to index
        %swap3A_104 = arith.constant 0 : index
        %swap3A_105 = tpu.vector_load %arg12[%swap3A_103, %swap3A_104] {strides = array<i32>} : memref<80x128xf32, #tpu.memory_space<vmem>>, vector<1x16xf32>,
        %swap3A_106 = vector.shape_cast %swap3A_105 : vector<1x16xf32> to vector<16xf32>
        %swap3A_107 = vector.shape_cast %broadcast_in_dim3A_68 : vector<16xf32> to vector<1x16xf32>
        tpu.vector_store %arg12[%swap3A_103, %swap3A_104], %swap3A_107 {strides = array<i32>} : memref<80x128xf32, #tpu.memory_space<vmem>>, vector<1x16xf32>,
        %swap3A_108 = arith.index_cast %scan3A_98 : i32 to index
        %swap3A_109 = arith.constant 16 : index
        %swap3A_110 = tpu.vector_load %arg11[%swap3A_108, %swap3A_109] {strides = array<i32>} : memref<80x128xf32, #tpu.memory_space<vmem>>, vector<1x16xf32>,
        %swap3A_111 = vector.shape_cast %swap3A_110 : vector<1x16xf32> to vector<16xf32>
        %swap3A_112 = vector.shape_cast %broadcast_in_dim3A_68 : vector<16xf32> to vector<1x16xf32>
        tpu.vector_store %arg11[%swap3A_108, %swap3A_109], %swap3A_112 {strides = array<i32>} : memref<80x128xf32, #tpu.memory_space<vmem>>, vector<1x16xf32>,
        %swap3A_113 = arith.index_cast %scan3A_98 : i32 to index
        %swap3A_114 = arith.constant 16 : index
        %swap3A_115 = tpu.vector_load %arg12[%swap3A_113, %swap3A_114] {strides = array<i32>} : memref<80x128xf32, #tpu.memory_space<vmem>>, vector<1x16xf32>,
        %swap3A_116 = vector.shape_cast %swap3A_115 : vector<1x16xf32> to vector<16xf32>
        %swap3A_117 = vector.shape_cast %broadcast_in_dim3A_68 : vector<16xf32> to vector<1x16xf32>
        tpu.vector_store %arg12[%swap3A_113, %swap3A_114], %swap3A_117 {strides = array<i32>} : memref<80x128xf32, #tpu.memory_space<vmem>>, vector<1x16xf32>,
        %swap3A_118 = arith.index_cast %scan3A_98 : i32 to index
        %swap3A_119 = arith.constant 32 : index
        %swap3A_120 = tpu.vector_load %arg11[%swap3A_118, %swap3A_119] {strides = array<i32>} : memref<80x128xf32, #tpu.memory_space<vmem>>, vector<1x16xf32>,
        %swap3A_121 = vector.shape_cast %swap3A_120 : vector<1x16xf32> to vector<16xf32>
        %swap3A_122 = vector.shape_cast %broadcast_in_dim3A_68 : vector<16xf32> to vector<1x16xf32>
        tpu.vector_store %arg11[%swap3A_118, %swap3A_119], %swap3A_122 {strides = array<i32>} : memref<80x128xf32, #tpu.memory_space<vmem>>, vector<1x16xf32>,
        %swap3A_123 = arith.index_cast %scan3A_98 : i32 to index
        %swap3A_124 = arith.constant 32 : index
        %swap3A_125 = tpu.vector_load %arg12[%swap3A_123, %swap3A_124] {strides = array<i32>} : memref<80x128xf32, #tpu.memory_space<vmem>>, vector<1x16xf32>,
        %swap3A_126 = vector.shape_cast %swap3A_125 : vector<1x16xf32> to vector<16xf32>
        %swap3A_127 = vector.shape_cast %broadcast_in_dim3A_68 : vector<16xf32> to vector<1x16xf32>
        tpu.vector_store %arg12[%swap3A_123, %swap3A_124], %swap3A_127 {strides = array<i32>} : memref<80x128xf32, #tpu.memory_space<vmem>>, vector<1x16xf32>,
        %swap3A_128 = arith.index_cast %scan3A_98 : i32 to index
        %swap3A_129 = arith.constant 48 : index
        %swap3A_130 = tpu.vector_load %arg11[%swap3A_128, %swap3A_129] {strides = array<i32>} : memref<80x128xf32, #tpu.memory_space<vmem>>, vector<1x16xf32>,
        %swap3A_131 = vector.shape_cast %swap3A_130 : vector<1x16xf32> to vector<16xf32>
        %swap3A_132 = vector.shape_cast %broadcast_in_dim3A_68 : vector<16xf32> to vector<1x16xf32>
        tpu.vector_store %arg11[%swap3A_128, %swap3A_129], %swap3A_132 {strides = array<i32>} : memref<80x128xf32, #tpu.memory_space<vmem>>, vector<1x16xf32>,
        %swap3A_133 = arith.index_cast %scan3A_98 : i32 to index
        %swap3A_134 = arith.constant 48 : index
        %swap3A_135 = tpu.vector_load %arg12[%swap3A_133, %swap3A_134] {strides = array<i32>} : memref<80x128xf32, #tpu.memory_space<vmem>>, vector<1x16xf32>,
        %swap3A_136 = vector.shape_cast %swap3A_135 : vector<1x16xf32> to vector<16xf32>
        %swap3A_137 = vector.shape_cast %broadcast_in_dim3A_68 : vector<16xf32> to vector<1x16xf32>
        tpu.vector_store %arg12[%swap3A_133, %swap3A_134], %swap3A_137 {strides = array<i32>} : memref<80x128xf32, #tpu.memory_space<vmem>>, vector<1x16xf32>,
        %swap3A_138 = arith.index_cast %scan3A_98 : i32 to index
        %swap3A_139 = arith.constant 64 : index
        %swap3A_140 = tpu.vector_load %arg11[%swap3A_138, %swap3A_139] {strides = array<i32>} : memref<80x128xf32, #tpu.memory_space<vmem>>, vector<1x16xf32>,
        %swap3A_141 = vector.shape_cast %swap3A_140 : vector<1x16xf32> to vector<16xf32>
        %swap3A_142 = vector.shape_cast %broadcast_in_dim3A_68 : vector<16xf32> to vector<1x16xf32>
        tpu.vector_store %arg11[%swap3A_138, %swap3A_139], %swap3A_142 {strides = array<i32>} : memref<80x128xf32, #tpu.memory_space<vmem>>, vector<1x16xf32>,
        %swap3A_143 = arith.index_cast %scan3A_98 : i32 to index
        %swap3A_144 = arith.constant 64 : index
        %swap3A_145 = tpu.vector_load %arg12[%swap3A_143, %swap3A_144] {strides = array<i32>} : memref<80x128xf32, #tpu.memory_space<vmem>>, vector<1x16xf32>,
        %swap3A_146 = vector.shape_cast %swap3A_145 : vector<1x16xf32> to vector<16xf32>
        %swap3A_147 = vector.shape_cast %broadcast_in_dim3A_68 : vector<16xf32> to vector<1x16xf32>
        tpu.vector_store %arg12[%swap3A_143, %swap3A_144], %swap3A_147 {strides = array<i32>} : memref<80x128xf32, #tpu.memory_space<vmem>>, vector<1x16xf32>,
        %swap3A_148 = arith.index_cast %scan3A_98 : i32 to index
        %swap3A_149 = arith.constant 80 : index
        %swap3A_150 = tpu.vector_load %arg11[%swap3A_148, %swap3A_149] {strides = array<i32>} : memref<80x128xf32, #tpu.memory_space<vmem>>, vector<1x16xf32>,
        %swap3A_151 = vector.shape_cast %swap3A_150 : vector<1x16xf32> to vector<16xf32>
        %swap3A_152 = vector.shape_cast %broadcast_in_dim3A_68 : vector<16xf32> to vector<1x16xf32>
        tpu.vector_store %arg11[%swap3A_148, %swap3A_149], %swap3A_152 {strides = array<i32>} : memref<80x128xf32, #tpu.memory_space<vmem>>, vector<1x16xf32>,
        %swap3A_153 = arith.index_cast %scan3A_98 : i32 to index
        %swap3A_154 = arith.constant 80 : index
        %swap3A_155 = tpu.vector_load %arg12[%swap3A_153, %swap3A_154] {strides = array<i32>} : memref<80x128xf32, #tpu.memory_space<vmem>>, vector<1x16xf32>,
        %swap3A_156 = vector.shape_cast %swap3A_155 : vector<1x16xf32> to vector<16xf32>
        %swap3A_157 = vector.shape_cast %broadcast_in_dim3A_68 : vector<16xf32> to vector<1x16xf32>
        tpu.vector_store %arg12[%swap3A_153, %swap3A_154], %swap3A_157 {strides = array<i32>} : memref<80x128xf32, #tpu.memory_space<vmem>>, vector<1x16xf32>,
        %swap3A_158 = arith.index_cast %scan3A_98 : i32 to index
        %swap3A_159 = arith.constant 96 : index
        %swap3A_160 = tpu.vector_load %arg11[%swap3A_158, %swap3A_159] {strides = array<i32>} : memref<80x128xf32, #tpu.memory_space<vmem>>, vector<1x16xf32>,
        %swap3A_161 = vector.shape_cast %swap3A_160 : vector<1x16xf32> to vector<16xf32>
        %swap3A_162 = vector.shape_cast %broadcast_in_dim3A_68 : vector<16xf32> to vector<1x16xf32>
        tpu.vector_store %arg11[%swap3A_158, %swap3A_159], %swap3A_162 {strides = array<i32>} : memref<80x128xf32, #tpu.memory_space<vmem>>, vector<1x16xf32>,
        %swap3A_163 = arith.index_cast %scan3A_98 : i32 to index
        %swap3A_164 = arith.constant 96 : index
        %swap3A_165 = tpu.vector_load %arg12[%swap3A_163, %swap3A_164] {strides = array<i32>} : memref<80x128xf32, #tpu.memory_space<vmem>>, vector<1x16xf32>,
        %swap3A_166 = vector.shape_cast %swap3A_165 : vector<1x16xf32> to vector<16xf32>
        %swap3A_167 = vector.shape_cast %broadcast_in_dim3A_68 : vector<16xf32> to vector<1x16xf32>
        tpu.vector_store %arg12[%swap3A_163, %swap3A_164], %swap3A_167 {strides = array<i32>} : memref<80x128xf32, #tpu.memory_space<vmem>>, vector<1x16xf32>,
        %swap3A_168 = arith.index_cast %scan3A_98 : i32 to index
        %swap3A_169 = arith.constant 112 : index
        %swap3A_170 = tpu.vector_load %arg11[%swap3A_168, %swap3A_169] {strides = array<i32>} : memref<80x128xf32, #tpu.memory_space<vmem>>, vector<1x16xf32>,
        %swap3A_171 = vector.shape_cast %swap3A_170 : vector<1x16xf32> to vector<16xf32>
        %swap3A_172 = vector.shape_cast %broadcast_in_dim3A_68 : vector<16xf32> to vector<1x16xf32>
        tpu.vector_store %arg11[%swap3A_168, %swap3A_169], %swap3A_172 {strides = array<i32>} : memref<80x128xf32, #tpu.memory_space<vmem>>, vector<1x16xf32>,
        %swap3A_173 = arith.index_cast %scan3A_98 : i32 to index
        %swap3A_174 = arith.constant 112 : index
        %swap3A_175 = tpu.vector_load %arg12[%swap3A_173, %swap3A_174] {strides = array<i32>} : memref<80x128xf32, #tpu.memory_space<vmem>>, vector<1x16xf32>,
        %swap3A_176 = vector.shape_cast %swap3A_175 : vector<1x16xf32> to vector<16xf32>
        %swap3A_177 = vector.shape_cast %broadcast_in_dim3A_68 : vector<16xf32> to vector<1x16xf32>
        tpu.vector_store %arg12[%swap3A_173, %swap3A_174], %swap3A_177 {strides = array<i32>} : memref<80x128xf32, #tpu.memory_space<vmem>>, vector<1x16xf32>,
      }
      %scan3A_73 = arith.constant 80 : i32
      %scan3A_74 = arith.constant 0 : i32
      %scan3A_75 = arith.constant 0 : i32
      %scan3A_76 = arith.constant 32 : i32
      %scan3A_77 = arith.addi %scan3A_75, %scan3A_76 : i32
      %scan3A_78 = arith.constant 1 : i32
      scf.for %scan3A_98 = %scan3A_75 to %scan3A_77 step %scan3A_78  : i32 {
        %lt3A_99 = arith.constant 20 : i32
        %lt3A_100 = arith.cmpi slt, %scan3A_98, %lt3A_99 : i32
        %convert_element_type3A_101 = arith.extui %lt3A_100 : i1 to i32
        %cond3A_102 = arith.constant 0 : i32
        %cond3A_103 = arith.cmpi ne, %convert_element_type3A_101, %cond3A_102 : i32
        scf.if %cond3A_103 {
          %dma_start3A = arith.constant 0 : i32
          %dma_start3A_108 = tpu.memref_slice %arg9[%scan3A_98, %dma_start3A] : memref<32x80xi32, #tpu.memory_space<vmem>> -> memref<1x80xi32, #tpu.memory_space<vmem>>
          %dma_start3A_109 = tpu.memref_squeeze %dma_start3A_108 : memref<1x80xi32, #tpu.memory_space<vmem>> -> memref<80xi32, #tpu.memory_space<vmem>>
          %dma_start3A_110 = arith.constant 0 : i32
          %dma_start3A_111 = arith.constant 0 : i32
          %dma_start3A_112 = tpu.memref_slice %arg6[%dma_start3A_110, %dma_start3A_111] : memref<10000x128xf32, #tpu.memory_space<vmem_shared>> -> memref<10000x128xf32, #tpu.memory_space<vmem_shared>>
          tpu.enqueue_indirect_dma source(%dma_start3A_112 : memref<10000x128xf32, #tpu.memory_space<vmem_shared>>) target(%arg11 : memref<80x128xf32, #tpu.memory_space<vmem>>) offsets(%dma_start3A_109 : memref<80xi32, #tpu.memory_space<vmem>>) semaphore(%arg13 : memref<!tpu.dma_semaphore, #tpu.memory_space<semaphore_mem>>) {add = true}
        } else {
        }
        %ge3A = arith.constant 20 : i32
        %ge3A_104 = arith.cmpi sge, %scan3A_98, %ge3A : i32
        %convert_element_type3A_105 = arith.extui %ge3A_104 : i1 to i32
        %cond3A_106 = arith.constant 0 : i32
        %cond3A_107 = arith.cmpi ne, %convert_element_type3A_105, %cond3A_106 : i32
        scf.if %cond3A_107 {
          %dma_start3A = arith.constant 0 : i32
          %dma_start3A_108 = tpu.memref_slice %arg9[%scan3A_98, %dma_start3A] : memref<32x80xi32, #tpu.memory_space<vmem>> -> memref<1x80xi32, #tpu.memory_space<vmem>>
          %dma_start3A_109 = tpu.memref_squeeze %dma_start3A_108 : memref<1x80xi32, #tpu.memory_space<vmem>> -> memref<80xi32, #tpu.memory_space<vmem>>
          %dma_start3A_110 = arith.constant 0 : i32
          %dma_start3A_111 = arith.constant 0 : i32
          %dma_start3A_112 = tpu.memref_slice %arg2[%dma_start3A_110, %dma_start3A_111] : memref<10000x128xf32, #tpu.memory_space<hbm>> -> memref<10000x128xf32, #tpu.memory_space<hbm>>
          tpu.enqueue_indirect_dma source(%dma_start3A_112 : memref<10000x128xf32, #tpu.memory_space<hbm>>) target(%arg12 : memref<80x128xf32, #tpu.memory_space<vmem>>) offsets(%dma_start3A_109 : memref<80xi32, #tpu.memory_space<vmem>>) semaphore(%arg14 : memref<!tpu.dma_semaphore, #tpu.memory_space<semaphore_mem>>) {add = true}
        } else {
        }
      }
      %scan3A_79 = arith.constant 32 : i32
      %scan3A_80 = arith.constant 0 : i32
      %scan3A_81 = arith.constant 0 : i32
      %scan3A_82 = arith.constant 20 : i32
      %scan3A_83 = arith.addi %scan3A_81, %scan3A_82 : i32
      %scan3A_84 = arith.constant 1 : i32
      scf.for %scan3A_98 = %scan3A_81 to %scan3A_83 step %scan3A_84  : i32 {
        %dma_wait3A = arith.constant 0 : i32
        %dma_wait3A_99 = arith.constant 0 : i32
        %dma_wait3A_100 = tpu.memref_slice %arg2[%dma_wait3A, %dma_wait3A_99] : memref<10000x128xf32, #tpu.memory_space<hbm>> -> memref<80x128xf32, #tpu.memory_space<hbm>>
        %dma_wait3A_101 = arith.constant 0 : i32
        %dma_wait3A_102 = arith.constant 0 : i32
        %dma_wait3A_103 = tpu.memref_slice %arg2[%dma_wait3A_101, %dma_wait3A_102] : memref<10000x128xf32, #tpu.memory_space<hbm>> -> memref<80x128xf32, #tpu.memory_space<hbm>>
        tpu.wait_dma2 semaphore(%arg13 : memref<!tpu.dma_semaphore, #tpu.memory_space<semaphore_mem>>) src(%dma_wait3A_103 : memref<80x128xf32, #tpu.memory_space<hbm>>) dst(%arg11 : memref<80x128xf32, #tpu.memory_space<vmem>>)
      }
      %scan3A_85 = arith.constant 20 : i32
      %scan3A_86 = arith.constant 0 : i32
      %scan3A_87 = arith.constant 0 : i32
      %scan3A_88 = arith.constant 12 : i32
      %scan3A_89 = arith.addi %scan3A_87, %scan3A_88 : i32
      %scan3A_90 = arith.constant 1 : i32
      scf.for %scan3A_98 = %scan3A_87 to %scan3A_89 step %scan3A_90  : i32 {
        %dma_wait3A = arith.constant 0 : i32
        %dma_wait3A_99 = arith.constant 0 : i32
        %dma_wait3A_100 = tpu.memref_slice %arg2[%dma_wait3A, %dma_wait3A_99] : memref<10000x128xf32, #tpu.memory_space<hbm>> -> memref<80x128xf32, #tpu.memory_space<hbm>>
        %dma_wait3A_101 = arith.constant 0 : i32
        %dma_wait3A_102 = arith.constant 0 : i32
        %dma_wait3A_103 = tpu.memref_slice %arg2[%dma_wait3A_101, %dma_wait3A_102] : memref<10000x128xf32, #tpu.memory_space<hbm>> -> memref<80x128xf32, #tpu.memory_space<hbm>>
        tpu.wait_dma2 semaphore(%arg14 : memref<!tpu.dma_semaphore, #tpu.memory_space<semaphore_mem>>) src(%dma_wait3A_103 : memref<80x128xf32, #tpu.memory_space<hbm>>) dst(%arg12 : memref<80x128xf32, #tpu.memory_space<vmem>>)
      }
      %scan3A_91 = arith.constant 12 : i32
      %add3A_92 = arith.constant 64 : i32
      %add3A_93 = arith.addi %add3A, %add3A_92 : i32
      %mul3A_94 = arith.constant 80 : i32
      %mul3A_95 = arith.muli %add3A_93, %mul3A_94 : i32
      "tpu.region"() ({
        %run_scoped3A = tpu.sem_alloc : memref<!tpu.dma_semaphore, #tpu.memory_space<semaphore_mem>>
        %dma_start3A = arith.constant 0 : i32
        %dma_start3A_98 = tpu.memref_slice %arg4[%mul3A_95, %dma_start3A] : memref<10000x128xf32, #tpu.memory_space<hbm>> -> memref<80x128xf32, #tpu.memory_space<hbm>>
        %dma_start3A_99 = arith.constant 0 : i32
        %dma_start3A_100 = tpu.memref_slice %arg4[%mul3A_95, %dma_start3A_99] : memref<10000x128xf32, #tpu.memory_space<hbm>> -> memref<80x128xf32, #tpu.memory_space<hbm>>
        tpu.enqueue_dma source(%arg11 : memref<80x128xf32, #tpu.memory_space<vmem>>) target(%dma_start3A_100 : memref<80x128xf32, #tpu.memory_space<hbm>>) target_semaphore(%run_scoped3A : memref<!tpu.dma_semaphore, #tpu.memory_space<semaphore_mem>>)
        %dma_wait3A = arith.constant 0 : i32
        %dma_wait3A_101 = tpu.memref_slice %arg4[%mul3A_95, %dma_wait3A] : memref<10000x128xf32, #tpu.memory_space<hbm>> -> memref<80x128xf32, #tpu.memory_space<hbm>>
        %dma_wait3A_102 = arith.constant 0 : i32
        %dma_wait3A_103 = tpu.memref_slice %arg4[%mul3A_95, %dma_wait3A_102] : memref<10000x128xf32, #tpu.memory_space<hbm>> -> memref<80x128xf32, #tpu.memory_space<hbm>>
        tpu.wait_dma2 semaphore(%run_scoped3A : memref<!tpu.dma_semaphore, #tpu.memory_space<semaphore_mem>>) src(%arg11 : memref<80x128xf32, #tpu.memory_space<vmem>>) dst(%dma_wait3A_103 : memref<80x128xf32, #tpu.memory_space<hbm>>)
        tpu.yield
      }) : () -> ()
      %mul3A_96 = arith.constant 80 : i32
      %mul3A_97 = arith.muli %add3A_93, %mul3A_96 : i32
      "tpu.region"() ({
        %run_scoped3A = tpu.sem_alloc : memref<!tpu.dma_semaphore, #tpu.memory_space<semaphore_mem>>
        %dma_start3A = arith.constant 0 : i32
        %dma_start3A_98 = tpu.memref_slice %arg5[%mul3A_97, %dma_start3A] : memref<10000x128xf32, #tpu.memory_space<hbm>> -> memref<80x128xf32, #tpu.memory_space<hbm>>
        %dma_start3A_99 = arith.constant 0 : i32
        %dma_start3A_100 = tpu.memref_slice %arg5[%mul3A_97, %dma_start3A_99] : memref<10000x128xf32, #tpu.memory_space<hbm>> -> memref<80x128xf32, #tpu.memory_space<hbm>>
        tpu.enqueue_dma source(%arg12 : memref<80x128xf32, #tpu.memory_space<vmem>>) target(%dma_start3A_100 : memref<80x128xf32, #tpu.memory_space<hbm>>) target_semaphore(%run_scoped3A : memref<!tpu.dma_semaphore, #tpu.memory_space<semaphore_mem>>)
        %dma_wait3A = arith.constant 0 : i32
        %dma_wait3A_101 = tpu.memref_slice %arg5[%mul3A_97, %dma_wait3A] : memref<10000x128xf32, #tpu.memory_space<hbm>> -> memref<80x128xf32, #tpu.memory_space<hbm>>
        %dma_wait3A_102 = arith.constant 0 : i32
        %dma_wait3A_103 = tpu.memref_slice %arg5[%mul3A_97, %dma_wait3A_102] : memref<10000x128xf32, #tpu.memory_space<hbm>> -> memref<80x128xf32, #tpu.memory_space<hbm>>
        tpu.wait_dma2 semaphore(%run_scoped3A : memref<!tpu.dma_semaphore, #tpu.memory_space<semaphore_mem>>) src(%arg12 : memref<80x128xf32, #tpu.memory_space<vmem>>) dst(%dma_wait3A_103 : memref<80x128xf32, #tpu.memory_space<hbm>>)
        tpu.yield
      }) : () -> ()
    } else {
    }
    %gt3A_63 = arith.constant 3 : i32
    %gt3A_64 = arith.cmpi sgt, %select_n3A, %gt3A_63 : i32
    %convert_element_type3A_65 = arith.extui %gt3A_64 : i1 to i32
    %cond3A_66 = arith.constant 0 : i32
    %cond3A_67 = arith.cmpi ne, %convert_element_type3A_65, %cond3A_66 : i32
    scf.if %cond3A_67 {
      %broadcast_in_dim3A = arith.constant 0.000000e+00 : f32
      %broadcast_in_dim3A_68 = vector.broadcast %broadcast_in_dim3A : f32 to vector<16xf32>
      %scan3A = arith.constant 0 : i32
      %scan3A_69 = arith.constant 0 : i32
      %scan3A_70 = arith.constant 80 : i32
      %scan3A_71 = arith.addi %scan3A_69, %scan3A_70 : i32
      %scan3A_72 = arith.constant 1 : i32
      scf.for %scan3A_98 = %scan3A_69 to %scan3A_71 step %scan3A_72  : i32 {
        %swap3A = arith.index_cast %scan3A_98 : i32 to index
        %swap3A_99 = arith.constant 0 : index
        %swap3A_100 = tpu.vector_load %arg11[%swap3A, %swap3A_99] {strides = array<i32>} : memref<80x128xf32, #tpu.memory_space<vmem>>, vector<1x16xf32>,
        %swap3A_101 = vector.shape_cast %swap3A_100 : vector<1x16xf32> to vector<16xf32>
        %swap3A_102 = vector.shape_cast %broadcast_in_dim3A_68 : vector<16xf32> to vector<1x16xf32>
        tpu.vector_store %arg11[%swap3A, %swap3A_99], %swap3A_102 {strides = array<i32>} : memref<80x128xf32, #tpu.memory_space<vmem>>, vector<1x16xf32>,
        %swap3A_103 = arith.index_cast %scan3A_98 : i32 to index
        %swap3A_104 = arith.constant 0 : index
        %swap3A_105 = tpu.vector_load %arg12[%swap3A_103, %swap3A_104] {strides = array<i32>} : memref<80x128xf32, #tpu.memory_space<vmem>>, vector<1x16xf32>,
        %swap3A_106 = vector.shape_cast %swap3A_105 : vector<1x16xf32> to vector<16xf32>
        %swap3A_107 = vector.shape_cast %broadcast_in_dim3A_68 : vector<16xf32> to vector<1x16xf32>
        tpu.vector_store %arg12[%swap3A_103, %swap3A_104], %swap3A_107 {strides = array<i32>} : memref<80x128xf32, #tpu.memory_space<vmem>>, vector<1x16xf32>,
        %swap3A_108 = arith.index_cast %scan3A_98 : i32 to index
        %swap3A_109 = arith.constant 16 : index
        %swap3A_110 = tpu.vector_load %arg11[%swap3A_108, %swap3A_109] {strides = array<i32>} : memref<80x128xf32, #tpu.memory_space<vmem>>, vector<1x16xf32>,
        %swap3A_111 = vector.shape_cast %swap3A_110 : vector<1x16xf32> to vector<16xf32>
        %swap3A_112 = vector.shape_cast %broadcast_in_dim3A_68 : vector<16xf32> to vector<1x16xf32>
        tpu.vector_store %arg11[%swap3A_108, %swap3A_109], %swap3A_112 {strides = array<i32>} : memref<80x128xf32, #tpu.memory_space<vmem>>, vector<1x16xf32>,
        %swap3A_113 = arith.index_cast %scan3A_98 : i32 to index
        %swap3A_114 = arith.constant 16 : index
        %swap3A_115 = tpu.vector_load %arg12[%swap3A_113, %swap3A_114] {strides = array<i32>} : memref<80x128xf32, #tpu.memory_space<vmem>>, vector<1x16xf32>,
        %swap3A_116 = vector.shape_cast %swap3A_115 : vector<1x16xf32> to vector<16xf32>
        %swap3A_117 = vector.shape_cast %broadcast_in_dim3A_68 : vector<16xf32> to vector<1x16xf32>
        tpu.vector_store %arg12[%swap3A_113, %swap3A_114], %swap3A_117 {strides = array<i32>} : memref<80x128xf32, #tpu.memory_space<vmem>>, vector<1x16xf32>,
        %swap3A_118 = arith.index_cast %scan3A_98 : i32 to index
        %swap3A_119 = arith.constant 32 : index
        %swap3A_120 = tpu.vector_load %arg11[%swap3A_118, %swap3A_119] {strides = array<i32>} : memref<80x128xf32, #tpu.memory_space<vmem>>, vector<1x16xf32>,
        %swap3A_121 = vector.shape_cast %swap3A_120 : vector<1x16xf32> to vector<16xf32>
        %swap3A_122 = vector.shape_cast %broadcast_in_dim3A_68 : vector<16xf32> to vector<1x16xf32>
        tpu.vector_store %arg11[%swap3A_118, %swap3A_119], %swap3A_122 {strides = array<i32>} : memref<80x128xf32, #tpu.memory_space<vmem>>, vector<1x16xf32>,
        %swap3A_123 = arith.index_cast %scan3A_98 : i32 to index
        %swap3A_124 = arith.constant 32 : index
        %swap3A_125 = tpu.vector_load %arg12[%swap3A_123, %swap3A_124] {strides = array<i32>} : memref<80x128xf32, #tpu.memory_space<vmem>>, vector<1x16xf32>,
        %swap3A_126 = vector.shape_cast %swap3A_125 : vector<1x16xf32> to vector<16xf32>
        %swap3A_127 = vector.shape_cast %broadcast_in_dim3A_68 : vector<16xf32> to vector<1x16xf32>
        tpu.vector_store %arg12[%swap3A_123, %swap3A_124], %swap3A_127 {strides = array<i32>} : memref<80x128xf32, #tpu.memory_space<vmem>>, vector<1x16xf32>,
        %swap3A_128 = arith.index_cast %scan3A_98 : i32 to index
        %swap3A_129 = arith.constant 48 : index
        %swap3A_130 = tpu.vector_load %arg11[%swap3A_128, %swap3A_129] {strides = array<i32>} : memref<80x128xf32, #tpu.memory_space<vmem>>, vector<1x16xf32>,
        %swap3A_131 = vector.shape_cast %swap3A_130 : vector<1x16xf32> to vector<16xf32>
        %swap3A_132 = vector.shape_cast %broadcast_in_dim3A_68 : vector<16xf32> to vector<1x16xf32>
        tpu.vector_store %arg11[%swap3A_128, %swap3A_129], %swap3A_132 {strides = array<i32>} : memref<80x128xf32, #tpu.memory_space<vmem>>, vector<1x16xf32>,
        %swap3A_133 = arith.index_cast %scan3A_98 : i32 to index
        %swap3A_134 = arith.constant 48 : index
        %swap3A_135 = tpu.vector_load %arg12[%swap3A_133, %swap3A_134] {strides = array<i32>} : memref<80x128xf32, #tpu.memory_space<vmem>>, vector<1x16xf32>,
        %swap3A_136 = vector.shape_cast %swap3A_135 : vector<1x16xf32> to vector<16xf32>
        %swap3A_137 = vector.shape_cast %broadcast_in_dim3A_68 : vector<16xf32> to vector<1x16xf32>
        tpu.vector_store %arg12[%swap3A_133, %swap3A_134], %swap3A_137 {strides = array<i32>} : memref<80x128xf32, #tpu.memory_space<vmem>>, vector<1x16xf32>,
        %swap3A_138 = arith.index_cast %scan3A_98 : i32 to index
        %swap3A_139 = arith.constant 64 : index
        %swap3A_140 = tpu.vector_load %arg11[%swap3A_138, %swap3A_139] {strides = array<i32>} : memref<80x128xf32, #tpu.memory_space<vmem>>, vector<1x16xf32>,
        %swap3A_141 = vector.shape_cast %swap3A_140 : vector<1x16xf32> to vector<16xf32>
        %swap3A_142 = vector.shape_cast %broadcast_in_dim3A_68 : vector<16xf32> to vector<1x16xf32>
        tpu.vector_store %arg11[%swap3A_138, %swap3A_139], %swap3A_142 {strides = array<i32>} : memref<80x128xf32, #tpu.memory_space<vmem>>, vector<1x16xf32>,
        %swap3A_143 = arith.index_cast %scan3A_98 : i32 to index
        %swap3A_144 = arith.constant 64 : index
        %swap3A_145 = tpu.vector_load %arg12[%swap3A_143, %swap3A_144] {strides = array<i32>} : memref<80x128xf32, #tpu.memory_space<vmem>>, vector<1x16xf32>,
        %swap3A_146 = vector.shape_cast %swap3A_145 : vector<1x16xf32> to vector<16xf32>
        %swap3A_147 = vector.shape_cast %broadcast_in_dim3A_68 : vector<16xf32> to vector<1x16xf32>
        tpu.vector_store %arg12[%swap3A_143, %swap3A_144], %swap3A_147 {strides = array<i32>} : memref<80x128xf32, #tpu.memory_space<vmem>>, vector<1x16xf32>,
        %swap3A_148 = arith.index_cast %scan3A_98 : i32 to index
        %swap3A_149 = arith.constant 80 : index
        %swap3A_150 = tpu.vector_load %arg11[%swap3A_148, %swap3A_149] {strides = array<i32>} : memref<80x128xf32, #tpu.memory_space<vmem>>, vector<1x16xf32>,
        %swap3A_151 = vector.shape_cast %swap3A_150 : vector<1x16xf32> to vector<16xf32>
        %swap3A_152 = vector.shape_cast %broadcast_in_dim3A_68 : vector<16xf32> to vector<1x16xf32>
        tpu.vector_store %arg11[%swap3A_148, %swap3A_149], %swap3A_152 {strides = array<i32>} : memref<80x128xf32, #tpu.memory_space<vmem>>, vector<1x16xf32>,
        %swap3A_153 = arith.index_cast %scan3A_98 : i32 to index
        %swap3A_154 = arith.constant 80 : index
        %swap3A_155 = tpu.vector_load %arg12[%swap3A_153, %swap3A_154] {strides = array<i32>} : memref<80x128xf32, #tpu.memory_space<vmem>>, vector<1x16xf32>,
        %swap3A_156 = vector.shape_cast %swap3A_155 : vector<1x16xf32> to vector<16xf32>
        %swap3A_157 = vector.shape_cast %broadcast_in_dim3A_68 : vector<16xf32> to vector<1x16xf32>
        tpu.vector_store %arg12[%swap3A_153, %swap3A_154], %swap3A_157 {strides = array<i32>} : memref<80x128xf32, #tpu.memory_space<vmem>>, vector<1x16xf32>,
        %swap3A_158 = arith.index_cast %scan3A_98 : i32 to index
        %swap3A_159 = arith.constant 96 : index
        %swap3A_160 = tpu.vector_load %arg11[%swap3A_158, %swap3A_159] {strides = array<i32>} : memref<80x128xf32, #tpu.memory_space<vmem>>, vector<1x16xf32>,
        %swap3A_161 = vector.shape_cast %swap3A_160 : vector<1x16xf32> to vector<16xf32>
        %swap3A_162 = vector.shape_cast %broadcast_in_dim3A_68 : vector<16xf32> to vector<1x16xf32>
        tpu.vector_store %arg11[%swap3A_158, %swap3A_159], %swap3A_162 {strides = array<i32>} : memref<80x128xf32, #tpu.memory_space<vmem>>, vector<1x16xf32>,
        %swap3A_163 = arith.index_cast %scan3A_98 : i32 to index
        %swap3A_164 = arith.constant 96 : index
        %swap3A_165 = tpu.vector_load %arg12[%swap3A_163, %swap3A_164] {strides = array<i32>} : memref<80x128xf32, #tpu.memory_space<vmem>>, vector<1x16xf32>,
        %swap3A_166 = vector.shape_cast %swap3A_165 : vector<1x16xf32> to vector<16xf32>
        %swap3A_167 = vector.shape_cast %broadcast_in_dim3A_68 : vector<16xf32> to vector<1x16xf32>
        tpu.vector_store %arg12[%swap3A_163, %swap3A_164], %swap3A_167 {strides = array<i32>} : memref<80x128xf32, #tpu.memory_space<vmem>>, vector<1x16xf32>,
        %swap3A_168 = arith.index_cast %scan3A_98 : i32 to index
        %swap3A_169 = arith.constant 112 : index
        %swap3A_170 = tpu.vector_load %arg11[%swap3A_168, %swap3A_169] {strides = array<i32>} : memref<80x128xf32, #tpu.memory_space<vmem>>, vector<1x16xf32>,
        %swap3A_171 = vector.shape_cast %swap3A_170 : vector<1x16xf32> to vector<16xf32>
        %swap3A_172 = vector.shape_cast %broadcast_in_dim3A_68 : vector<16xf32> to vector<1x16xf32>
        tpu.vector_store %arg11[%swap3A_168, %swap3A_169], %swap3A_172 {strides = array<i32>} : memref<80x128xf32, #tpu.memory_space<vmem>>, vector<1x16xf32>,
        %swap3A_173 = arith.index_cast %scan3A_98 : i32 to index
        %swap3A_174 = arith.constant 112 : index
        %swap3A_175 = tpu.vector_load %arg12[%swap3A_173, %swap3A_174] {strides = array<i32>} : memref<80x128xf32, #tpu.memory_space<vmem>>, vector<1x16xf32>,
        %swap3A_176 = vector.shape_cast %swap3A_175 : vector<1x16xf32> to vector<16xf32>
        %swap3A_177 = vector.shape_cast %broadcast_in_dim3A_68 : vector<16xf32> to vector<1x16xf32>
        tpu.vector_store %arg12[%swap3A_173, %swap3A_174], %swap3A_177 {strides = array<i32>} : memref<80x128xf32, #tpu.memory_space<vmem>>, vector<1x16xf32>,
      }
      %scan3A_73 = arith.constant 80 : i32
      %scan3A_74 = arith.constant 0 : i32
      %scan3A_75 = arith.constant 0 : i32
      %scan3A_76 = arith.constant 32 : i32
      %scan3A_77 = arith.addi %scan3A_75, %scan3A_76 : i32
      %scan3A_78 = arith.constant 1 : i32
      scf.for %scan3A_98 = %scan3A_75 to %scan3A_77 step %scan3A_78  : i32 {
        %lt3A_99 = arith.constant 20 : i32
        %lt3A_100 = arith.cmpi slt, %scan3A_98, %lt3A_99 : i32
        %convert_element_type3A_101 = arith.extui %lt3A_100 : i1 to i32
        %cond3A_102 = arith.constant 0 : i32
        %cond3A_103 = arith.cmpi ne, %convert_element_type3A_101, %cond3A_102 : i32
        scf.if %cond3A_103 {
          %dma_start3A = arith.constant 0 : i32
          %dma_start3A_108 = tpu.memref_slice %arg10[%scan3A_98, %dma_start3A] : memref<32x80xi32, #tpu.memory_space<vmem>> -> memref<1x80xi32, #tpu.memory_space<vmem>>
          %dma_start3A_109 = tpu.memref_squeeze %dma_start3A_108 : memref<1x80xi32, #tpu.memory_space<vmem>> -> memref<80xi32, #tpu.memory_space<vmem>>
          %dma_start3A_110 = arith.constant 0 : i32
          %dma_start3A_111 = arith.constant 0 : i32
          %dma_start3A_112 = tpu.memref_slice %arg6[%dma_start3A_110, %dma_start3A_111] : memref<10000x128xf32, #tpu.memory_space<vmem_shared>> -> memref<10000x128xf32, #tpu.memory_space<vmem_shared>>
          tpu.enqueue_indirect_dma source(%dma_start3A_112 : memref<10000x128xf32, #tpu.memory_space<vmem_shared>>) target(%arg11 : memref<80x128xf32, #tpu.memory_space<vmem>>) offsets(%dma_start3A_109 : memref<80xi32, #tpu.memory_space<vmem>>) semaphore(%arg13 : memref<!tpu.dma_semaphore, #tpu.memory_space<semaphore_mem>>) {add = true}
        } else {
        }
        %ge3A = arith.constant 20 : i32
        %ge3A_104 = arith.cmpi sge, %scan3A_98, %ge3A : i32
        %convert_element_type3A_105 = arith.extui %ge3A_104 : i1 to i32
        %cond3A_106 = arith.constant 0 : i32
        %cond3A_107 = arith.cmpi ne, %convert_element_type3A_105, %cond3A_106 : i32
        scf.if %cond3A_107 {
          %dma_start3A = arith.constant 0 : i32
          %dma_start3A_108 = tpu.memref_slice %arg10[%scan3A_98, %dma_start3A] : memref<32x80xi32, #tpu.memory_space<vmem>> -> memref<1x80xi32, #tpu.memory_space<vmem>>
          %dma_start3A_109 = tpu.memref_squeeze %dma_start3A_108 : memref<1x80xi32, #tpu.memory_space<vmem>> -> memref<80xi32, #tpu.memory_space<vmem>>
          %dma_start3A_110 = arith.constant 0 : i32
          %dma_start3A_111 = arith.constant 0 : i32
          %dma_start3A_112 = tpu.memref_slice %arg2[%dma_start3A_110, %dma_start3A_111] : memref<10000x128xf32, #tpu.memory_space<hbm>> -> memref<10000x128xf32, #tpu.memory_space<hbm>>
          tpu.enqueue_indirect_dma source(%dma_start3A_112 : memref<10000x128xf32, #tpu.memory_space<hbm>>) target(%arg12 : memref<80x128xf32, #tpu.memory_space<vmem>>) offsets(%dma_start3A_109 : memref<80xi32, #tpu.memory_space<vmem>>) semaphore(%arg14 : memref<!tpu.dma_semaphore, #tpu.memory_space<semaphore_mem>>) {add = true}
        } else {
        }
      }
      %scan3A_79 = arith.constant 32 : i32
      %scan3A_80 = arith.constant 0 : i32
      %scan3A_81 = arith.constant 0 : i32
      %scan3A_82 = arith.constant 20 : i32
      %scan3A_83 = arith.addi %scan3A_81, %scan3A_82 : i32
      %scan3A_84 = arith.constant 1 : i32
      scf.for %scan3A_98 = %scan3A_81 to %scan3A_83 step %scan3A_84  : i32 {
        %dma_wait3A = arith.constant 0 : i32
        %dma_wait3A_99 = arith.constant 0 : i32
        %dma_wait3A_100 = tpu.memref_slice %arg2[%dma_wait3A, %dma_wait3A_99] : memref<10000x128xf32, #tpu.memory_space<hbm>> -> memref<80x128xf32, #tpu.memory_space<hbm>>
        %dma_wait3A_101 = arith.constant 0 : i32
        %dma_wait3A_102 = arith.constant 0 : i32
        %dma_wait3A_103 = tpu.memref_slice %arg2[%dma_wait3A_101, %dma_wait3A_102] : memref<10000x128xf32, #tpu.memory_space<hbm>> -> memref<80x128xf32, #tpu.memory_space<hbm>>
        tpu.wait_dma2 semaphore(%arg13 : memref<!tpu.dma_semaphore, #tpu.memory_space<semaphore_mem>>) src(%dma_wait3A_103 : memref<80x128xf32, #tpu.memory_space<hbm>>) dst(%arg11 : memref<80x128xf32, #tpu.memory_space<vmem>>)
      }
      %scan3A_85 = arith.constant 20 : i32
      %scan3A_86 = arith.constant 0 : i32
      %scan3A_87 = arith.constant 0 : i32
      %scan3A_88 = arith.constant 12 : i32
      %scan3A_89 = arith.addi %scan3A_87, %scan3A_88 : i32
      %scan3A_90 = arith.constant 1 : i32
      scf.for %scan3A_98 = %scan3A_87 to %scan3A_89 step %scan3A_90  : i32 {
        %dma_wait3A = arith.constant 0 : i32
        %dma_wait3A_99 = arith.constant 0 : i32
        %dma_wait3A_100 = tpu.memref_slice %arg2[%dma_wait3A, %dma_wait3A_99] : memref<10000x128xf32, #tpu.memory_space<hbm>> -> memref<80x128xf32, #tpu.memory_space<hbm>>
        %dma_wait3A_101 = arith.constant 0 : i32
        %dma_wait3A_102 = arith.constant 0 : i32
        %dma_wait3A_103 = tpu.memref_slice %arg2[%dma_wait3A_101, %dma_wait3A_102] : memref<10000x128xf32, #tpu.memory_space<hbm>> -> memref<80x128xf32, #tpu.memory_space<hbm>>
        tpu.wait_dma2 semaphore(%arg14 : memref<!tpu.dma_semaphore, #tpu.memory_space<semaphore_mem>>) src(%dma_wait3A_103 : memref<80x128xf32, #tpu.memory_space<hbm>>) dst(%arg12 : memref<80x128xf32, #tpu.memory_space<vmem>>)
      }
      %scan3A_91 = arith.constant 12 : i32
      %add3A_92 = arith.constant 96 : i32
      %add3A_93 = arith.addi %add3A, %add3A_92 : i32
      %mul3A_94 = arith.constant 80 : i32
      %mul3A_95 = arith.muli %add3A_93, %mul3A_94 : i32
      "tpu.region"() ({
        %run_scoped3A = tpu.sem_alloc : memref<!tpu.dma_semaphore, #tpu.memory_space<semaphore_mem>>
        %dma_start3A = arith.constant 0 : i32
        %dma_start3A_98 = tpu.memref_slice %arg4[%mul3A_95, %dma_start3A] : memref<10000x128xf32, #tpu.memory_space<hbm>> -> memref<80x128xf32, #tpu.memory_space<hbm>>
        %dma_start3A_99 = arith.constant 0 : i32
        %dma_start3A_100 = tpu.memref_slice %arg4[%mul3A_95, %dma_start3A_99] : memref<10000x128xf32, #tpu.memory_space<hbm>> -> memref<80x128xf32, #tpu.memory_space<hbm>>
        tpu.enqueue_dma source(%arg11 : memref<80x128xf32, #tpu.memory_space<vmem>>) target(%dma_start3A_100 : memref<80x128xf32, #tpu.memory_space<hbm>>) target_semaphore(%run_scoped3A : memref<!tpu.dma_semaphore, #tpu.memory_space<semaphore_mem>>)
        %dma_wait3A = arith.constant 0 : i32
        %dma_wait3A_101 = tpu.memref_slice %arg4[%mul3A_95, %dma_wait3A] : memref<10000x128xf32, #tpu.memory_space<hbm>> -> memref<80x128xf32, #tpu.memory_space<hbm>>
        %dma_wait3A_102 = arith.constant 0 : i32
        %dma_wait3A_103 = tpu.memref_slice %arg4[%mul3A_95, %dma_wait3A_102] : memref<10000x128xf32, #tpu.memory_space<hbm>> -> memref<80x128xf32, #tpu.memory_space<hbm>>
        tpu.wait_dma2 semaphore(%run_scoped3A : memref<!tpu.dma_semaphore, #tpu.memory_space<semaphore_mem>>) src(%arg11 : memref<80x128xf32, #tpu.memory_space<vmem>>) dst(%dma_wait3A_103 : memref<80x128xf32, #tpu.memory_space<hbm>>)
        tpu.yield
      }) : () -> ()
      %mul3A_96 = arith.constant 80 : i32
      %mul3A_97 = arith.muli %add3A_93, %mul3A_96 : i32
      "tpu.region"() ({
        %run_scoped3A = tpu.sem_alloc : memref<!tpu.dma_semaphore, #tpu.memory_space<semaphore_mem>>
        %dma_start3A = arith.constant 0 : i32
        %dma_start3A_98 = tpu.memref_slice %arg5[%mul3A_97, %dma_start3A] : memref<10000x128xf32, #tpu.memory_space<hbm>> -> memref<80x128xf32, #tpu.memory_space<hbm>>
        %dma_start3A_99 = arith.constant 0 : i32
        %dma_start3A_100 = tpu.memref_slice %arg5[%mul3A_97, %dma_start3A_99] : memref<10000x128xf32, #tpu.memory_space<hbm>> -> memref<80x128xf32, #tpu.memory_space<hbm>>
        tpu.enqueue_dma source(%arg12 : memref<80x128xf32, #tpu.memory_space<vmem>>) target(%dma_start3A_100 : memref<80x128xf32, #tpu.memory_space<hbm>>) target_semaphore(%run_scoped3A : memref<!tpu.dma_semaphore, #tpu.memory_space<semaphore_mem>>)
        %dma_wait3A = arith.constant 0 : i32
        %dma_wait3A_101 = tpu.memref_slice %arg5[%mul3A_97, %dma_wait3A] : memref<10000x128xf32, #tpu.memory_space<hbm>> -> memref<80x128xf32, #tpu.memory_space<hbm>>
        %dma_wait3A_102 = arith.constant 0 : i32
        %dma_wait3A_103 = tpu.memref_slice %arg5[%mul3A_97, %dma_wait3A_102] : memref<10000x128xf32, #tpu.memory_space<hbm>> -> memref<80x128xf32, #tpu.memory_space<hbm>>
        tpu.wait_dma2 semaphore(%run_scoped3A : memref<!tpu.dma_semaphore, #tpu.memory_space<semaphore_mem>>) src(%arg12 : memref<80x128xf32, #tpu.memory_space<vmem>>) dst(%dma_wait3A_103 : memref<80x128xf32, #tpu.memory_space<hbm>>)
        tpu.yield
      }) : () -> ()
    } else {
    }
    return
  }
}

module attributes {stable_mosaic.version = 14 : i64} {
  func.func @body(%arg0: i32, %arg1: memref<2000x128xf32, #tpu.memory_space<vmem>>, %arg2: memref<2000x128xf32, #tpu.memory_space<vmem>>, %arg3: memref<2000x128xf32, #tpu.memory_space<vmem>>, %arg4: memref<128x128xf32, #tpu.memory_space<vmem>>, %arg5: memref<128x128xf32, #tpu.memory_space<vmem>>, %arg6: memref<1x128xf32, #tpu.memory_space<vmem>>, %arg7: memref<2000x128xf32, #tpu.memory_space<vmem>>) attributes {dimension_semantics = [#tpu.dimension_semantics<arbitrary>], iteration_bounds = array<i64: 5>, scalar_prefetch = 0 : i64, scratch_operands = 0 : i64, tpu.core_type = #tpu.core_type<tc>, window_params = [{transform_indices = @transform_0, window_bounds = array<i64: 2000, 128>}, {transform_indices = @transform_1, window_bounds = array<i64: 2000, 128>}, {transform_indices = @transform_2, window_bounds = array<i64: 2000, 128>}, {pipeline_mode = #tpu.pipeline_mode<synchronous>, transform_indices = @transform_3, window_bounds = array<i64: 128, 128>}, {pipeline_mode = #tpu.pipeline_mode<synchronous>, transform_indices = @transform_4, window_bounds = array<i64: 128, 128>}, {pipeline_mode = #tpu.pipeline_mode<synchronous>, transform_indices = @transform_5, window_bounds = array<i64: 1, 128>}, {transform_indices = @transform_6, window_bounds = array<i64: 2000, 128>}]} {
    %get3A = arith.constant 0 : index
    %get3A_0 = arith.constant 0 : index
    %get3A_1 = vector.load %arg1[%get3A, %get3A_0] : memref<2000x128xf32, #tpu.memory_space<vmem>>, vector<2000x128xf32>
    %convert_element_type3A = arith.truncf %get3A_1 : vector<2000x128xf32> to vector<2000x128xbf16>
    %get3A_2 = arith.constant 0 : index
    %get3A_3 = arith.constant 0 : index
    %get3A_4 = vector.load %arg2[%get3A_2, %get3A_3] : memref<2000x128xf32, #tpu.memory_space<vmem>>, vector<2000x128xf32>
    %get3A_5 = arith.constant 0 : index
    %get3A_6 = arith.constant 0 : index
    %get3A_7 = vector.load %arg3[%get3A_5, %get3A_6] : memref<2000x128xf32, #tpu.memory_space<vmem>>, vector<2000x128xf32>
    %add3A = arith.addf %get3A_4, %get3A_7 : vector<2000x128xf32>
    %convert_element_type3A_8 = arith.truncf %add3A : vector<2000x128xf32> to vector<2000x128xbf16>
    %get3A_9 = arith.constant 0 : index
    %get3A_10 = arith.constant 0 : index
    %get3A_11 = vector.load %arg4[%get3A_9, %get3A_10] : memref<128x128xf32, #tpu.memory_space<vmem>>, vector<128x128xf32>
    %convert_element_type3A_12 = arith.truncf %get3A_11 : vector<128x128xf32> to vector<128x128xbf16>
    %dot_general3A = arith.constant dense<0.000000e+00> : vector<2000x128xf32>
    %dot_general3A_13 = tpu.matmul %convert_element_type3A, %convert_element_type3A_12, %dot_general3A {dimension_numbers = #tpu.dot_dimension_numbers<[1], [0], [0], [1], [0, 0, 1, 1], [], []>, transpose_lhs_hint = false} : vector<2000x128xbf16>, vector<128x128xbf16>, vector<2000x128xf32> -> vector<2000x128xf32>
    %get3A_14 = arith.constant 0 : index
    %get3A_15 = arith.constant 0 : index
    %get3A_16 = vector.load %arg5[%get3A_14, %get3A_15] : memref<128x128xf32, #tpu.memory_space<vmem>>, vector<128x128xf32>
    %convert_element_type3A_17 = arith.truncf %get3A_16 : vector<128x128xf32> to vector<128x128xbf16>
    %dot_general3A_18 = arith.constant dense<0.000000e+00> : vector<2000x128xf32>
    %dot_general3A_19 = tpu.matmul %convert_element_type3A_8, %convert_element_type3A_17, %dot_general3A_18 {dimension_numbers = #tpu.dot_dimension_numbers<[1], [0], [0], [1], [0, 0, 1, 1], [], []>, transpose_lhs_hint = false} : vector<2000x128xbf16>, vector<128x128xbf16>, vector<2000x128xf32> -> vector<2000x128xf32>
    %add3A_20 = arith.addf %dot_general3A_13, %dot_general3A_19 : vector<2000x128xf32>
    %get3A_21 = arith.constant 0 : index
    %get3A_22 = arith.constant 0 : index
    %get3A_23 = vector.load %arg6[%get3A_21, %get3A_22] : memref<1x128xf32, #tpu.memory_space<vmem>>, vector<1x128xf32>
    %add3A_24 = vector.broadcast %get3A_23 : vector<1x128xf32> to vector<2000x128xf32>
    %add3A_25 = arith.addf %add3A_20, %add3A_24 : vector<2000x128xf32>
    %max3A = arith.constant 0.000000e+00 : f32
    %max3A_26 = vector.broadcast %max3A : f32 to vector<2000x128xf32>
    %max3A_27 = arith.maximumf %add3A_25, %max3A_26 : vector<2000x128xf32>
    %swap3A = arith.constant 0 : index
    %swap3A_28 = arith.constant 0 : index
    %swap3A_29 = vector.load %arg7[%swap3A, %swap3A_28] : memref<2000x128xf32, #tpu.memory_space<vmem>>, vector<2000x128xf32>
    tpu.vector_store %arg7[%swap3A, %swap3A_28], %max3A_27 {strides = array<i32>} : memref<2000x128xf32, #tpu.memory_space<vmem>>, vector<2000x128xf32>,
    return
  }
  func.func @transform_0(%arg0: i32) -> (i32, i32) {
    %c0_i32 = arith.constant 0 : i32
    %c0_i32_0 = arith.constant 0 : i32
    return %arg0, %c0_i32 : i32, i32
  }
  func.func @transform_1(%arg0: i32) -> (i32, i32) {
    %c0_i32 = arith.constant 0 : i32
    %c0_i32_0 = arith.constant 0 : i32
    return %arg0, %c0_i32 : i32, i32
  }
  func.func @transform_2(%arg0: i32) -> (i32, i32) {
    %c0_i32 = arith.constant 0 : i32
    %c0_i32_0 = arith.constant 0 : i32
    return %arg0, %c0_i32 : i32, i32
  }
  func.func @transform_3(%arg0: i32) -> (i32, i32) {
    %c0_i32 = arith.constant 0 : i32
    %c0_i32_0 = arith.constant 0 : i32
    %c0_i32_1 = arith.constant 0 : i32
    return %c0_i32, %c0_i32_0 : i32, i32
  }
  func.func @transform_4(%arg0: i32) -> (i32, i32) {
    %c0_i32 = arith.constant 0 : i32
    %c0_i32_0 = arith.constant 0 : i32
    %c0_i32_1 = arith.constant 0 : i32
    return %c0_i32, %c0_i32_0 : i32, i32
  }
  func.func @transform_5(%arg0: i32) -> (i32, i32) {
    %c0_i32 = arith.constant 0 : i32
    %c0_i32_0 = arith.constant 0 : i32
    %c0_i32_1 = arith.constant 0 : i32
    return %c0_i32, %c0_i32_0 : i32, i32
  }
  func.func @transform_6(%arg0: i32) -> (i32, i32) {
    %c0_i32 = arith.constant 0 : i32
    %c0_i32_0 = arith.constant 0 : i32
    return %arg0, %c0_i32 : i32, i32
  }
}

module attributes {stable_mosaic.version = 14 : i64} {
  func.func @body(%arg0: i32, %arg1: memref<2000x128xf32, #tpu.memory_space<vmem>>, %arg2: memref<2000x128xf32, #tpu.memory_space<vmem>>, %arg3: memref<2000x128xf32, #tpu.memory_space<vmem>>, %arg4: memref<128x128xf32, #tpu.memory_space<vmem>>, %arg5: memref<128x128xf32, #tpu.memory_space<vmem>>, %arg6: memref<1x128xf32, #tpu.memory_space<vmem>>, %arg7: memref<2000x128xf32, #tpu.memory_space<vmem>>) attributes {dimension_semantics = [#tpu.dimension_semantics<arbitrary>], iteration_bounds = array<i64: 5>, scalar_prefetch = 0 : i64, scratch_operands = 0 : i64, tpu.core_type = #tpu.core_type<tc>, window_params = [{transform_indices = @transform_0, window_bounds = array<i64: 2000, 128>}, {transform_indices = @transform_1, window_bounds = array<i64: 2000, 128>}, {transform_indices = @transform_2, window_bounds = array<i64: 2000, 128>}, {pipeline_mode = #tpu.pipeline_mode<synchronous>, transform_indices = @transform_3, window_bounds = array<i64: 128, 128>}, {pipeline_mode = #tpu.pipeline_mode<synchronous>, transform_indices = @transform_4, window_bounds = array<i64: 128, 128>}, {pipeline_mode = #tpu.pipeline_mode<synchronous>, transform_indices = @transform_5, window_bounds = array<i64: 1, 128>}, {transform_indices = @transform_6, window_bounds = array<i64: 2000, 128>}]} {
    %get3A = arith.constant 0 : index
    %get3A_0 = arith.constant 0 : index
    %get3A_1 = vector.load %arg1[%get3A, %get3A_0] : memref<2000x128xf32, #tpu.memory_space<vmem>>, vector<2000x128xf32>
    %convert_element_type3A = arith.truncf %get3A_1 : vector<2000x128xf32> to vector<2000x128xbf16>
    %get3A_2 = arith.constant 0 : index
    %get3A_3 = arith.constant 0 : index
    %get3A_4 = vector.load %arg2[%get3A_2, %get3A_3] : memref<2000x128xf32, #tpu.memory_space<vmem>>, vector<2000x128xf32>
    %get3A_5 = arith.constant 0 : index
    %get3A_6 = arith.constant 0 : index
    %get3A_7 = vector.load %arg3[%get3A_5, %get3A_6] : memref<2000x128xf32, #tpu.memory_space<vmem>>, vector<2000x128xf32>
    %add3A = arith.addf %get3A_4, %get3A_7 : vector<2000x128xf32>
    %convert_element_type3A_8 = arith.truncf %add3A : vector<2000x128xf32> to vector<2000x128xbf16>
    %get3A_9 = arith.constant 0 : index
    %get3A_10 = arith.constant 0 : index
    %get3A_11 = vector.load %arg4[%get3A_9, %get3A_10] : memref<128x128xf32, #tpu.memory_space<vmem>>, vector<128x128xf32>
    %convert_element_type3A_12 = arith.truncf %get3A_11 : vector<128x128xf32> to vector<128x128xbf16>
    %dot_general3A = arith.constant dense<0.000000e+00> : vector<2000x128xf32>
    %dot_general3A_13 = tpu.matmul %convert_element_type3A, %convert_element_type3A_12, %dot_general3A {dimension_numbers = #tpu.dot_dimension_numbers<[1], [0], [0], [1], [0, 0, 1, 1], [], []>, transpose_lhs_hint = false} : vector<2000x128xbf16>, vector<128x128xbf16>, vector<2000x128xf32> -> vector<2000x128xf32>
    %get3A_14 = arith.constant 0 : index
    %get3A_15 = arith.constant 0 : index
    %get3A_16 = vector.load %arg5[%get3A_14, %get3A_15] : memref<128x128xf32, #tpu.memory_space<vmem>>, vector<128x128xf32>
    %convert_element_type3A_17 = arith.truncf %get3A_16 : vector<128x128xf32> to vector<128x128xbf16>
    %dot_general3A_18 = arith.constant dense<0.000000e+00> : vector<2000x128xf32>
    %dot_general3A_19 = tpu.matmul %convert_element_type3A_8, %convert_element_type3A_17, %dot_general3A_18 {dimension_numbers = #tpu.dot_dimension_numbers<[1], [0], [0], [1], [0, 0, 1, 1], [], []>, transpose_lhs_hint = false} : vector<2000x128xbf16>, vector<128x128xbf16>, vector<2000x128xf32> -> vector<2000x128xf32>
    %add3A_20 = arith.addf %dot_general3A_13, %dot_general3A_19 : vector<2000x128xf32>
    %get3A_21 = arith.constant 0 : index
    %get3A_22 = arith.constant 0 : index
    %get3A_23 = vector.load %arg6[%get3A_21, %get3A_22] : memref<1x128xf32, #tpu.memory_space<vmem>>, vector<1x128xf32>
    %add3A_24 = vector.broadcast %get3A_23 : vector<1x128xf32> to vector<2000x128xf32>
    %add3A_25 = arith.addf %add3A_20, %add3A_24 : vector<2000x128xf32>
    %reduce_max3A = arith.constant dense<0xFF800000> : vector<2000xf32>
    %reduce_max3A_26 = vector.multi_reduction <maximumf>, %add3A_25, %reduce_max3A [1] : vector<2000x128xf32> to vector<2000xf32>
    %broadcast_in_dim3A = vector.shape_cast %reduce_max3A_26 : vector<2000xf32> to vector<2000x1xf32>
    %sub3A = vector.broadcast %broadcast_in_dim3A : vector<2000x1xf32> to vector<2000x128xf32>
    %sub3A_27 = arith.subf %add3A_25, %sub3A : vector<2000x128xf32>
    %exp3A = math.exp %sub3A_27 : vector<2000x128xf32>
    %sub3A_28 = vector.broadcast %broadcast_in_dim3A : vector<2000x1xf32> to vector<2000x128xf32>
    %sub3A_29 = arith.subf %add3A_25, %sub3A_28 : vector<2000x128xf32>
    %reduce_sum3A = arith.constant dense<0.000000e+00> : vector<2000xf32>
    %reduce_sum3A_30 = vector.multi_reduction <add>, %exp3A, %reduce_sum3A [1] : vector<2000x128xf32> to vector<2000xf32>
    %broadcast_in_dim3A_31 = vector.shape_cast %reduce_sum3A_30 : vector<2000xf32> to vector<2000x1xf32>
    %log3A = math.log %broadcast_in_dim3A_31 : vector<2000x1xf32>
    %sub3A_32 = vector.broadcast %log3A : vector<2000x1xf32> to vector<2000x128xf32>
    %sub3A_33 = arith.subf %sub3A_29, %sub3A_32 : vector<2000x128xf32>
    %swap3A = arith.constant 0 : index
    %swap3A_34 = arith.constant 0 : index
    %swap3A_35 = vector.load %arg7[%swap3A, %swap3A_34] : memref<2000x128xf32, #tpu.memory_space<vmem>>, vector<2000x128xf32>
    tpu.vector_store %arg7[%swap3A, %swap3A_34], %sub3A_33 {strides = array<i32>} : memref<2000x128xf32, #tpu.memory_space<vmem>>, vector<2000x128xf32>,
    return
  }
  func.func @transform_0(%arg0: i32) -> (i32, i32) {
    %c0_i32 = arith.constant 0 : i32
    %c0_i32_0 = arith.constant 0 : i32
    return %arg0, %c0_i32 : i32, i32
  }
  func.func @transform_1(%arg0: i32) -> (i32, i32) {
    %c0_i32 = arith.constant 0 : i32
    %c0_i32_0 = arith.constant 0 : i32
    return %arg0, %c0_i32 : i32, i32
  }
  func.func @transform_2(%arg0: i32) -> (i32, i32) {
    %c0_i32 = arith.constant 0 : i32
    %c0_i32_0 = arith.constant 0 : i32
    return %arg0, %c0_i32 : i32, i32
  }
  func.func @transform_3(%arg0: i32) -> (i32, i32) {
    %c0_i32 = arith.constant 0 : i32
    %c0_i32_0 = arith.constant 0 : i32
    %c0_i32_1 = arith.constant 0 : i32
    return %c0_i32, %c0_i32_0 : i32, i32
  }
  func.func @transform_4(%arg0: i32) -> (i32, i32) {
    %c0_i32 = arith.constant 0 : i32
    %c0_i32_0 = arith.constant 0 : i32
    %c0_i32_1 = arith.constant 0 : i32
    return %c0_i32, %c0_i32_0 : i32, i32
  }
  func.func @transform_5(%arg0: i32) -> (i32, i32) {
    %c0_i32 = arith.constant 0 : i32
    %c0_i32_0 = arith.constant 0 : i32
    %c0_i32_1 = arith.constant 0 : i32
    return %c0_i32, %c0_i32_0 : i32, i32
  }
  func.func @transform_6(%arg0: i32) -> (i32, i32) {
    %c0_i32 = arith.constant 0 : i32
    %c0_i32_0 = arith.constant 0 : i32
    return %arg0, %c0_i32 : i32, i32
  }
}

</mosaic_0001>

<sc_bundles>
// kernel: kernel.6.cloned.1.call-start
scs
__scs_entry_jumppad:
0x0: {  	(pc) =	sbr.rel $0x88, $3  }
0x1: {  	(tag) =	ssettag $0x0;
	lr =	simm.s32 $0x1  }
0x2: {  	[smem:$0x3F9B] =	sst lr;
	_ =	strace $0xD0000000  }
0x3: {  	_ = 	snop  }
0x4: {  	_ = 	snop  }
0x5: {  	_ = 	snop  }
0x6: {  	_ = 	snop  }
0x7: {  	_ = 	snop  }
__scs_overlays_trampoline_lowered:
0x8: {  	[smem:$0x3FAA] =	sst s0  }
0x9: {  	[smem:$0x3FAB] =	sst s1  }
0xa: {  	[smem:$0x3FAC] =	sst s2  }
0xb: {  	[smem:$0x3FAD] =	sst s3  }
0xc: {  	[smem:$0x3FAE] =	sst s4  }
0xd: {  	[smem:$0x3FAF] =	sst s5  }
0xe: {  	[smem:$0x3FB0] =	sst s6  }
0xf: {  	[smem:$0x3FB1] =	sst s7  }
0x10: {  	[smem:$0x3FB2] =	sst s8  }
0x11: {  	[smem:$0x3FB3] =	sst s9;
	s0 =	simm.s32 @!p0 $0x0  }
0x12: {  	s1 =	sld [smem:$0x3F99];
	s0 =	simm.s32 @p0 $0x1  }
0x13: {  	[smem:$0x3FB4] =	sst s0;
	s0 =	simm.s32 @!p1 $0x0  }
0x14: {  	s2 =	sld [smem:$0x3F98];
	s0 =	simm.s32 @p1 $0x1  }
0x15: {  	[smem:$0x3FB5] =	sst s0;
	s0 =	simm.s32 @!p2 $0x0  }
0x16: {  	s3 =	sld [smem:$0x3FDB];
	s0 =	simm.s32 @p2 $0x1  }
0x17: {  	s4 =	simm.s32 $0x1BF5;
	[smem:$0x3FB7] =	sst s0  }
0x18: {  	s0 =	sld [smem:$0x3F9A];
	_ =	swait.ge [sflag:s4], $0x0  }
0x19: {  	s7 =	sld [smem:$0x3F9B]  }
0x1a: {  	s8 =	sadd.s32 $0xFFFFE003, lr  }
0x1b: {  	s9 =	sadd.s32 $0xFFFFFEF7, lr;
	s5 =	simm.s32 $0xFFFFFFFF;
	p2 =	slt.u32 s8, $0xFFFFF086  }
0x1c: {  	p1 =	slt.u32 s9, $0xF7A;
	s5 =	simm.s32 @!p2 $0x0  }
0x1d: {  	s5 =	simm.s32 @p1 $0x1;
	p0 =	seq.s32 s7, s2  }
0x1e: {  	s7 =	smul.u32 @!p0 $0xF7A, s2;
	p2 =	seq.s32 @!p0 s5, $0x0  }
0x1f: {  	s9 =	smul.u32 $0xF7A, s1;
	s8 =	simm.s32 @!p0 $0x1BF5;
	p2 =	por !p2, p0  }
0x20: {  	[sflag:s8] =	ssyncset.s32 @!p0 $0xFFFFF086;
	s6 =	sadd.s32 @!p0 s3, s7;
	s7 =	simm.s32 @!p0 $0x108  }
0x21: {  	s3 =	sadd.s32 s3, s9;
	s6 =	sadd.s32 @!p0 $0x88, s6;
	s7 =	simm.s32 @p2 $0x1082  }
0x22: {  	[simem:s7], [sflag:s8] =	dma.local @!p0 [hbm:s6], $0xF7A  }
0x23: {  	s9 =	sor.u32 $0xD0000000, s2;
	s6 =	simm.s32 $0x108;
	_ =	swait.ge @!p0 [sflag:s8], $0x0  }
0x24: {  	s3 =	sadd.s32 $0x88, s3;
	s6 =	simm.s32 @!p1 $0x1082;
	[sflag:s4] =	ssyncset.s32 $0xFFFFF086  }
0x25: {  	[simem:s6], [sflag:s4] =	dma.local [hbm:s3], $0xF7A  }
0x26: {  	[smem:$0x3F9B] =	sst s1;
	(tag) =	ssettag s2;
	_ =	strace s9  }
0x27: {  	s1 =	sld [smem:$0x3FAB]  }
0x28: {  	s2 =	sld [smem:$0x3FAC]  }
0x29: {  	s4 =	sld [smem:$0x3FAE]  }
0x2a: {  	p0 =	seq.s32 s5, $0x0;
	s5 =	sld [smem:$0x3FAF]  }
0x2b: {  	s6 =	sld [smem:$0x3FB0]  }
0x2c: {  	s7 =	sld [smem:$0x3FB1]  }
0x2d: {  	s3 =	simm.s32 $0x108;
	s8 =	sld [smem:$0x3FB2]  }
0x2e: {  	s3 =	simm.s32 @!p0 $0x1082;
	s9 =	sld [smem:$0x3FB3]  }
0x2f: {  	lr =	sadd.s32 s0, s3;
	s0 =	sld [smem:$0x3FAA]  }
0x30: {  	s3 =	sld [smem:$0x3FAD]  }
0x31: {  	[smem:$0x3FB6] =	sst s10  }
0x32: {  	s10 =	sld [smem:$0x3FB4];
	_ =	sdelay $0x3  }
0x33: {  	p0 =	seq.s32 s10, $0x1;
	s10 =	sld [smem:$0x3FB6];
	_ =	sdelay $0x3  }
0x34: {  	[smem:$0x3FB6] =	sst s10  }
0x35: {  	s10 =	sld [smem:$0x3FB5];
	_ =	sdelay $0x3  }
0x36: {  	p1 =	seq.s32 s10, $0x1;
	s10 =	sld [smem:$0x3FB6];
	_ =	sdelay $0x3  }
0x37: {  	[smem:$0x3FB6] =	sst s10  }
0x38: {  	s10 =	sld [smem:$0x3FB7]  }
0x39: {  	_ = 	snop;
	(pc) =	sbr.ind lr, $3  }
0x3a: {  	_ = 	snop  }
0x3b: {  	_ = 	snop  }
0x3c: {  	p2 =	seq.s32 s10, $0x1;
	s10 =	sld [smem:$0x3FB6]  }
0x3d: {  	_ =	shalt  }
0x3e: {  	_ =	shalt  }
0x3f: {  	_ =	shalt  }
0x40: {  	_ =	shalt  }
0x41: {  	_ =	shalt  }
0x42: {  	_ =	shalt  }
0x43: {  	_ =	shalt  }
0x44: {  	_ =	shalt  }
0x45: {  	_ =	shalt  }
0x46: {  	_ =	shalt  }
0x47: {  	_ =	shalt  }
0x48: {  	_ =	shalt  }
0x49: {  	_ =	shalt  }
0x4a: {  	_ =	shalt  }
0x4b: {  	_ =	shalt  }
0x4c: {  	_ =	shalt  }
0x4d: {  	_ =	shalt  }
0x4e: {  	_ =	shalt  }
0x4f: {  	_ =	shalt  }
0x50: {  	_ =	shalt  }
0x51: {  	_ =	shalt  }
0x52: {  	_ =	shalt  }
0x53: {  	_ =	shalt  }
0x54: {  	_ =	shalt  }
0x55: {  	_ =	shalt  }
0x56: {  	_ =	shalt  }
0x57: {  	_ =	shalt  }
0x58: {  	_ =	shalt  }
0x59: {  	_ =	shalt  }
0x5a: {  	_ =	shalt  }
0x5b: {  	_ =	shalt  }
0x5c: {  	_ =	shalt  }
0x5d: {  	_ =	shalt  }
0x5e: {  	_ =	shalt  }
0x5f: {  	_ =	shalt  }
0x60: {  	_ =	shalt  }
0x61: {  	_ =	shalt  }
0x62: {  	_ =	shalt  }
0x63: {  	_ =	shalt  }
0x64: {  	_ =	shalt  }
0x65: {  	_ =	shalt  }
0x66: {  	_ =	shalt  }
0x67: {  	_ =	shalt  }
0x68: {  	_ =	shalt  }
0x69: {  	_ =	shalt  }
0x6a: {  	_ =	shalt  }
0x6b: {  	_ =	shalt  }
0x6c: {  	_ =	shalt  }
0x6d: {  	_ =	shalt  }
0x6e: {  	_ =	shalt  }
0x6f: {  	_ =	shalt  }
0x70: {  	_ =	shalt  }
0x71: {  	_ =	shalt  }
0x72: {  	_ =	shalt  }
0x73: {  	_ =	shalt  }
0x74: {  	_ =	shalt  }
0x75: {  	_ =	shalt  }
0x76: {  	_ =	shalt  }
0x77: {  	_ =	shalt  }
0x78: {  	_ =	shalt  }
0x79: {  	_ =	shalt  }
0x7a: {  	_ =	shalt  }
0x7b: {  	_ =	shalt  }
0x7c: {  	_ =	shalt  }
0x7d: {  	_ =	shalt  }
0x7e: {  	_ =	shalt  }
0x7f: {  	_ =	shalt  }
0x80: {  	_ =	shalt  }
0x81: {  	_ =	shalt  }
0x82: {  	_ =	shalt  }
0x83: {  	_ =	shalt  }
0x84: {  	_ =	shalt  }
0x85: {  	_ =	shalt  }
0x86: {  	_ =	shalt  }
0x87: {  	_ =	shalt  }
.Lfunc_end0:
.L_simem_size_0:
called_computation_lowered:
.L_overlay_start_0:
0x88: {  	s2 =	sld [smem:$0x3FD9]  }
0x89: {  	s3 =	sld [smem:$0x3FFE];
	_ =	sdelay $0x1  }
0x8a: {  	s1 =	srdreg.scid  }
0x8b: {  	s0 =	sand.u32 $0x1, s1  }
0x8c: {  	s17 =	sshll.u32 s0, $0xA;
	s2 =	sadd.s32 s3, s2  }
0x8d: {  	s2 =	sadd.s32 s2, s17  }
0x8e: {  	[smem:$0x3FC2] =	sst s2  }
0x8f: {  	_ = 	snop  }
0x90: {  	s2 =	sld [smem:$0x3FC9]  }
0x91: {  	s18 =	sld [smem:$0x3FD0];
	(tm) =	ssettm $0x1  }
0x92: {  	s4 =	sld [smem:$0x3FFB];
	_ =	sdelay $0x3  }
0x93: {  	_ =	strace s4  }
0x94: {  	s4 =	sld [smem:$0x3FFC];
	_ =	sdelay $0x3  }
0x95: {  	_ =	strace s4  }
0x96: {  	s4 =	sld [smem:$0x3FFD];
	_ =	sdelay $0x3  }
0x97: {  	_ =	strace s4  }
0x98: {  	_ =	strace $0x8FFFFFFF  }
0x99: {  	s19 =	sld [smem:$0x3FDB];
	_ =	sdelay $0x1  }
0x9a: {  	s5 =	simm.s32 $_scs_section_size  }
0x9b: {  	s6 =	simm.s32 $_size__tile_overlayer_lowered;
	s7 =	simm.s32 $_tile_overlayer_lowered  }
0x9c: {  	s22 =	simm.s32 $0x1BFF;
	s21 =	sshll.u32 s7, $0x1;
	s4 =	sadd.s32 s5, s19  }
0x9d: {  	s8 =	simm.s32 $0x0;
	s20 =	sshll.u32 s6, $0x1;
	s6 =	sadd.s32 s21, s4  }
0x9e: {  	[timem:s8], [sflag:s22] =	dma.local [hbm:s6], s20  }
0x9f: {  	_ =	swait.ge [sflag:s22], s20  }
0xa0: {  	s5 =	ssub.s32 $0x0, s20;
	[sflag:s22] =	ssyncset.done $0x0  }
0xa1: {  	[sflag:s22] =	ssyncadd.s32 s5;
	_ =	sdelay $0x1  }
0xa2: {  	s23 =	simm.s32 $0x1B8B  }
0xa3: {  	_ =	swait.ge [sflag:s23], $0x1  }
0xa4: {  	[sflag:s23] =	ssyncset.done $0x0  }
0xa5: {  	s25 =	simm.s32 $0x1B8E;
	s24 =	sld [smem:$0x3FFE];
	[sflag:s23] =	ssyncadd.s32 $0xFFFFFFFF  }
0xa6: {  	s26 =	simm.s32 $execute0_lowered;
	[smem:$0x3FD2] =	sst s25  }
0xa7: {  	s6 =	sshll.u32 s26, $0x1;
	_ =	strace $0x80000046;
	[dreg:$0x1] =	wrdreg $0xFFFFFFFF  }
0xa8: {  	s28 =	simm.s32 $_size_execute0_lowered;
	s4 =	sadd.s32 s4, s6;
	[dreg:$0x0] =	wrdreg $0x0  }
0xa9: {  	s6 =	sshll.u32 s28, $0x1;
	[dreg:$0x2] =	wrdreg s4  }
0xaa: {  	[dreg:$0x3] =	wrdreg s6  }
0xab: {  	[dreg:$0x4] =	wrdreg $0xC0  }
0xac: {  	_ =	task [dreg:s8], $0x5FFFF  }
0xad: {  	[dreg:$0x1] =	wrdreg $0xFFFFFFFF  }
0xae: {  	[dreg:$0x0] =	wrdreg $0x60  }
0xaf: {  	[dreg:$0x2] =	wrdreg s2  }
0xb0: {  	[dreg:$0x3] =	wrdreg s24  }
0xb1: {  	[dreg:$0x4] =	wrdreg s18  }
0xb2: {  	[dreg:$0x5] =	wrdreg $0x0  }
0xb3: {  	[dreg:$0x6] =	wrdreg $0x9  }
0xb4: {  	_ =	task.clear_ibuf [dreg:s8], $0x7FFFF;
	_ =	strace $0x90000046  }
0xb5: {  	s29 =	simm.s32 $0x9;
	_ =	strace $0x80000048  }
0xb6: {  	_ =	swait.ge [sflag:s29], $0x1  }
0xb7: {  	[sflag:s29] =	ssyncadd.s32 $0xFFFFFFFF  }
0xb8: {  	_ =	strace $0x90000048  }
0xb9: {  	_ =	sfence  }
0xba: {  	s30 =	sld [smem:$0x0];
	_ =	sdelay $0x2  }
0xbb: {  	s31 =	sshll.u32 s1, $0xD;
	s1 =	sshrl.u32 s1, $0x2  }
0xbc: {  	s3 =	sand.u32 $0x4000, s31;
	s1 =	sadd.s32 s1, s30  }
0xbd: {  	s0 =	sor.u32 s3, s0;
	s1 =	sshll.u32 s1, $0x11  }
0xbe: {  	s0 =	sor.u32 s1, s0  }
0xbf: {  	s0 =	sadd.s32 $0x8F2B, s0  }
0xc0: {  	[sflag:s0] =	ssyncadd.remote.s32 $0x1  }
0xc1: {  	_ =	sfence.sel $0xFFFF  }
0xc2: {  	[dreg:$0x0] =	wrdreg $0xFFFFFFFF;
	(pc) =	sbr.abs _section_cstart, $3  }
0xc3: {  	[dreg:$0x1] =	wrdreg $0xFFFFFFFF  }
0xc4: {  	_ =	task.clear_ibuf [dreg:s8], $0x2FFFF;
	_ =	strace $0x9FFFFFFF  }
0xc5: {  	(tm) =	ssettm $0x7FFFFFFF  }
tec
execute0_lowered:
.L_overlay_start_1:
0x0: {  	(tag) =	ssettag $0x1  }
0x1: {  	s1 =	rddreg [dreg:$0x0]  }
0x2: {  	s0 =	rddreg [dreg:$0x1]  }
0x3: {  	s17 =	rddreg [dreg:$0x2]  }
0x4: {  	s3 =	rddreg [dreg:$0x3];
	s4 =	simm.s32 $0x0  }
0x5: {  	s5 =	srdreg.scid;
	s2 =	stileid.u32;
	s23 =	simm.s32 $0x3  }
0x6: {  	s28 =	simm.s32 $0x2;
	s29 =	simm.s32 $0x17880;
	s30 =	simm.s32 $0x1A080  }
0x7: {  	s31 =	simm.s32 $0x0;
	[smem:$0x7FF] =	sst s4;
	s5 =	sand.u32 $0x1, s5  }
0x8: {  	s6 =	sshll.u32 s2, $0x1;
	s7 =	smul.u32 $0x4E000, s2;
	s20 =	sadd.s32 $0x124800, s3  }
0x9: {  	s8 =	smul.u32 $0x2700, s2;
	p0 =	seq.s32 s2, $0xF;
	_ =	strace $0x80000047  }
0xa: {  	s22 =	sor.u32 s5, s6;
	s5 =	ssub.s32 $0x2, s5;
	s20 =	sshrl.u32 @p0 s20, $0x3  }
0xb: {  	s6 =	sshll.u32 s22, $0x9;
	s25 =	sshrl.u32 s5, $0x1;
	s9 =	smul.u32 $0x2800, s22  }
0xc: {  	s26 =	sshrl.u32 s7, $0x2;
	s12 =	smul.u32 $0x500, s22;
	p1 =	sgt.u32 s22, $0x1C  }
0xd: {  	s10 =	sadd.s32 s6, s0;
	s0 =	sadd.s32 $0x12A00, s0;
	s19 =	ssub.s32 s5, s25  }
0xe: {  	s21 =	sadd.s32 s26, s3;
	s5 =	sadd.s32 s1, s8;
	s6 =	sadd.s32 $0x24900, s1  }
0xf: {  	s26 =	simm.s32 $0x1;
	s7 =	sadd.s32 $0x3000, s10;
	s8 =	sadd.s32 $0x7000, s10  }
0x10: {  	s15 =	sshrl.u32 s9, $0x3;
	s9 =	sadd.s32 $0xB000, s10;
	s10 =	sadd.s32 $0xF000, s10  }
.Ltmp0:
0x11: {  	s11 =	sadd.s32 s17, s12;
	s12 =	sadd.s32 s0, s12;
	(pc) =	sbr.rel .LBB2_1-.Ltmp0, $4  }
0x12: {  	s19 =	smax.u32 s19, $0x1;
	s21 =	sshrl.u32 @!p0 s21, $0x3;
	s14 =	sadd.s32 $0xA000, s15  }
0x13: {  	s16 =	sadd.s32 $0x14000, s15;
	s18 =	sadd.s32 $0x1E000, s15;
	s13 =	sadd.s32 s17, s14  }
0x14: {  	s14 =	sadd.s32 s0, s14;
	s15 =	sadd.s32 s17, s16;
	s17 =	sadd.s32 s17, s18  }
0x15: {  	v0 =	vimm.f32 $0.0e+00;
	s16 =	sadd.s32 s0, s16;
	s18 =	sadd.s32 s0, s18;
	[dreg:$0x5] =	wrdreg s17  }
.LBB2_18:
0x16: {  	[tilespmem:s17], [sflag:$0x1] =	stream.indirect.gather.add.f32 @!p2 [spmem:s3], $0x80, s22, s25, $0xb8;
	[tilespmem:$0x1C880] =	vst v63  }
0x17: {  	_ =	swait.ge [sflag:s26], $0x2800  }
0x18: {  	[sflag:s26] =	ssyncset.done $0x0  }
0x19: {  	[sflag:s26] =	ssyncadd.s32 $0xFFFFD800  }
0x1a: {  	_ =	swait.ge [sflag:s26], $0x2800  }
0x1b: {  	[sflag:s26] =	ssyncset.done $0x0  }
0x1c: {  	[sflag:s26] =	ssyncadd.s32 $0xFFFFD800  }
0x1d: {  	_ =	swait.ge [sflag:s26], $0x2800  }
0x1e: {  	[sflag:s26] =	ssyncset.done $0x0  }
0x1f: {  	[sflag:s26] =	ssyncadd.s32 $0xFFFFD800  }
0x20: {  	_ =	swait.ge [sflag:s26], $0x2800  }
0x21: {  	[sflag:s26] =	ssyncset.done $0x0  }
0x22: {  	[sflag:s26] =	ssyncadd.s32 $0xFFFFD800  }
0x23: {  	_ =	swait.ge [sflag:s26], $0x2800  }
0x24: {  	[sflag:s26] =	ssyncset.done $0x0  }
0x25: {  	[sflag:s26] =	ssyncadd.s32 $0xFFFFD800  }
0x26: {  	_ =	swait.ge [sflag:s26], $0x2800  }
0x27: {  	[sflag:s26] =	ssyncset.done $0x0  }
0x28: {  	[sflag:s26] =	ssyncadd.s32 $0xFFFFD800  }
0x29: {  	_ =	swait.ge [sflag:s26], $0x2800  }
0x2a: {  	[sflag:s26] =	ssyncset.done $0x0  }
0x2b: {  	[sflag:s26] =	ssyncadd.s32 $0xFFFFD800  }
0x2c: {  	_ =	swait.ge [sflag:s26], $0x2800  }
0x2d: {  	[sflag:s26] =	ssyncset.done $0x0  }
0x2e: {  	[sflag:s26] =	ssyncadd.s32 $0xFFFFD800  }
0x2f: {  	_ =	swait.ge [sflag:s26], $0x2800  }
0x30: {  	[sflag:s26] =	ssyncset.done $0x0  }
0x31: {  	[sflag:s26] =	ssyncadd.s32 $0xFFFFD800  }
0x32: {  	_ =	swait.ge [sflag:s26], $0x2800  }
0x33: {  	[sflag:s26] =	ssyncset.done $0x0  }
0x34: {  	[sflag:s26] =	ssyncadd.s32 $0xFFFFD800  }
0x35: {  	_ =	swait.ge [sflag:s26], $0x2800  }
0x36: {  	[sflag:s26] =	ssyncset.done $0x0  }
0x37: {  	[sflag:s26] =	ssyncadd.s32 $0xFFFFD800  }
0x38: {  	_ =	swait.ge [sflag:s26], $0x2800  }
0x39: {  	[sflag:s26] =	ssyncset.done $0x0  }
0x3a: {  	[sflag:s26] =	ssyncadd.s32 $0xFFFFD800  }
0x3b: {  	_ =	swait.ge [sflag:s26], $0x2800  }
0x3c: {  	[sflag:s26] =	ssyncset.done $0x0  }
0x3d: {  	[sflag:s26] =	ssyncadd.s32 $0xFFFFD800  }
0x3e: {  	_ =	swait.ge [sflag:s26], $0x2800  }
0x3f: {  	[sflag:s26] =	ssyncset.done $0x0  }
0x40: {  	[sflag:s26] =	ssyncadd.s32 $0xFFFFD800  }
0x41: {  	_ =	swait.ge [sflag:s26], $0x2800  }
0x42: {  	[sflag:s26] =	ssyncset.done $0x0  }
0x43: {  	[sflag:s26] =	ssyncadd.s32 $0xFFFFD800  }
0x44: {  	_ =	swait.ge [sflag:s26], $0x2800  }
0x45: {  	[sflag:s26] =	ssyncset.done $0x0  }
0x46: {  	[sflag:s26] =	ssyncadd.s32 $0xFFFFD800  }
0x47: {  	_ =	swait.ge [sflag:s26], $0x2800  }
0x48: {  	[sflag:s26] =	ssyncset.done $0x0  }
0x49: {  	[sflag:s26] =	ssyncadd.s32 $0xFFFFD800  }
0x4a: {  	_ =	swait.ge [sflag:s26], $0x2800  }
0x4b: {  	[sflag:s26] =	ssyncset.done $0x0  }
0x4c: {  	[sflag:s26] =	ssyncadd.s32 $0xFFFFD800  }
0x4d: {  	_ =	swait.ge [sflag:s26], $0x2800  }
0x4e: {  	[sflag:s26] =	ssyncset.done $0x0  }
0x4f: {  	[sflag:s26] =	ssyncadd.s32 $0xFFFFD800  }
0x50: {  	_ =	swait.ge [sflag:s26], $0x2800  }
0x51: {  	[sflag:s26] =	ssyncset.done $0x0  }
0x52: {  	[sflag:s26] =	ssyncadd.s32 $0xFFFFD800  }
0x53: {  	_ =	swait.ge [sflag:s28], $0x2800  }
0x54: {  	[sflag:s28] =	ssyncset.done $0x0  }
0x55: {  	[sflag:s28] =	ssyncadd.s32 $0xFFFFD800  }
0x56: {  	_ =	swait.ge [sflag:s28], $0x2800  }
0x57: {  	[sflag:s28] =	ssyncset.done $0x0  }
0x58: {  	[sflag:s28] =	ssyncadd.s32 $0xFFFFD800  }
0x59: {  	_ =	swait.ge [sflag:s28], $0x2800  }
0x5a: {  	[sflag:s28] =	ssyncset.done $0x0  }
0x5b: {  	[sflag:s28] =	ssyncadd.s32 $0xFFFFD800  }
0x5c: {  	_ =	swait.ge [sflag:s28], $0x2800  }
0x5d: {  	[sflag:s28] =	ssyncset.done $0x0  }
0x5e: {  	[sflag:s28] =	ssyncadd.s32 $0xFFFFD800  }
0x5f: {  	_ =	swait.ge [sflag:s28], $0x2800  }
0x60: {  	[sflag:s28] =	ssyncset.done $0x0  }
0x61: {  	[sflag:s28] =	ssyncadd.s32 $0xFFFFD800  }
0x62: {  	_ =	swait.ge [sflag:s28], $0x2800  }
0x63: {  	[sflag:s28] =	ssyncset.done $0x0  }
0x64: {  	[sflag:s28] =	ssyncadd.s32 $0xFFFFD800  }
0x65: {  	_ =	swait.ge [sflag:s28], $0x2800  }
0x66: {  	[sflag:s28] =	ssyncset.done $0x0  }
0x67: {  	[sflag:s28] =	ssyncadd.s32 $0xFFFFD800  }
0x68: {  	_ =	swait.ge [sflag:s28], $0x2800  }
0x69: {  	[sflag:s28] =	ssyncset.done $0x0  }
0x6a: {  	[sflag:s28] =	ssyncadd.s32 $0xFFFFD800  }
0x6b: {  	_ =	swait.ge [sflag:s28], $0x2800  }
0x6c: {  	[sflag:s28] =	ssyncset.done $0x0  }
0x6d: {  	[sflag:s28] =	ssyncadd.s32 $0xFFFFD800  }
0x6e: {  	_ =	swait.ge [sflag:s28], $0x2800  }
0x6f: {  	[sflag:s28] =	ssyncset.done $0x0  }
0x70: {  	[sflag:s28] =	ssyncadd.s32 $0xFFFFD800  }
0x71: {  	_ =	swait.ge [sflag:s28], $0x2800  }
0x72: {  	[sflag:s28] =	ssyncset.done $0x0  }
0x73: {  	[sflag:s28] =	ssyncadd.s32 $0xFFFFD800  }
0x74: {  	_ =	swait.ge [sflag:s28], $0x2800  }
0x75: {  	[sflag:s28] =	ssyncset.done $0x0  }
0x76: {  	s0 =	rddreg [dreg:$0x5];
	[sflag:s28] =	ssyncadd.s32 $0xFFFFD800  }
0x77: {  	[hbm4b:s0+s4] =	stream.linear.scatter [tilespmem:s29], [sflag:$0x3], $0x2800, $0x38;
	[tilespmem:$0x1C880] =	vst v63  }
0x78: {  	_ =	swait.ge [sflag:s23], $0x2800  }
0x79: {  	[sflag:s23] =	ssyncset.done $0x0  }
0x7a: {  	[sflag:s23] =	ssyncadd.s32 $0xFFFFD800  }
0x7b: {  	[hbm4b:s18+s4] =	stream.linear.scatter [tilespmem:s30], [sflag:$0x3], $0x2800, $0x38;
	[tilespmem:$0x1C880] =	vst v63  }
0x7c: {  	_ =	swait.ge [sflag:s23], $0x2800  }
0x7d: {  	[sflag:s23] =	ssyncset.done $0x0  }
0x7e: {  	[sflag:s23] =	ssyncadd.s32 $0xFFFFD800  }
.LBB2_19:
0x7f: {  	s31 =	sadd.s32 $0x1, s31  }
0x80: {  	p2 =	sne.s32 s31, s19  }
.Ltmp1:
0x81: {  	_ = 	snop;
	(pc) =	sbr.rel @!p2 .LBB2_20-.Ltmp1, $1  }
0x82: {  	_ =	sdelay $0x3  }
.LBB2_1:
0x83: {  	s0 =	simm.s32 @p0 $0x1FC3  }
0x84: {  	[spmem:s20], [sflag:s0] =	dma.local @p0 [hbm:s6], $0x2800  }
0x85: {  	s0 =	simm.s32 @p0 $0x3  }
0x86: {  	_ =	swait.ge @p0 [sflag:s0], $0x2800  }
0x87: {  	s17 =	sshll.u32 @!p0 s2, $0x6;
	[sflag:s0] =	ssyncset.done @p0 $0x0  }
0x88: {  	[sflag:s0] =	ssyncadd.s32 @p0 $0xFFFFD800;
	s0 =	sor.u32 @!p0 $0x1C03, s17  }
0x89: {  	[spmem:s21], [sflag:s0] =	dma.local @!p0 [hbm:s5], $0x2700  }
0x8a: {  	s0 =	simm.s32 @!p0 $0x3  }
0x8b: {  	_ =	swait.ge @!p0 [sflag:s0], $0x2700  }
0x8c: {  	[sflag:s0] =	ssyncset.done @!p0 $0x0  }
0x8d: {  	s22 =	simm.s32 $0x13880;
	[sflag:s0] =	ssyncadd.s32 @!p0 $0xFFFFD900  }
0x8e: {  	[tilespmem:s22], [sflag:$0x3] =	stream.linear.gather [hbm4b:s7+s4], $0x1000, $0x38;
	[tilespmem:$0x1C880] =	vst v63  }
0x8f: {  	_ =	swait.ge [sflag:s23], $0x1000  }
0x90: {  	[sflag:s23] =	ssyncset.done $0x0  }
0x91: {  	s24 =	simm.s32 $0x14880;
	[sflag:s23] =	ssyncadd.s32 $0xFFFFF000  }
0x92: {  	[tilespmem:s24], [sflag:$0x3] =	stream.linear.gather [hbm4b:s8+s4], $0x1000, $0x38;
	[tilespmem:$0x1C880] =	vst v63  }
0x93: {  	_ =	swait.ge [sflag:s23], $0x1000  }
0x94: {  	[sflag:s23] =	ssyncset.done $0x0  }
0x95: {  	s25 =	simm.s32 $0x15880;
	[sflag:s23] =	ssyncadd.s32 $0xFFFFF000  }
0x96: {  	[tilespmem:s25], [sflag:$0x3] =	stream.linear.gather [hbm4b:s9+s4], $0x1000, $0x38;
	[tilespmem:$0x1C880] =	vst v63  }
0x97: {  	_ =	swait.ge [sflag:s23], $0x1000  }
0x98: {  	[sflag:s23] =	ssyncset.done $0x0  }
0x99: {  	s17 =	simm.s32 @!p1 $0x16880;
	s0 =	simm.s32 @!p1 $0x0;
	[sflag:s23] =	ssyncadd.s32 $0xFFFFF000  }
0x9a: {  	[tilespmem:s17], [sflag:$0x3] =	stream.linear.gather @!p1 [hbm4b:s10+s0], $0x1000, $0x38;
	[tilespmem:$0x1C880] =	vst v63  }
0x9b: {  	s0 =	simm.s32 @!p1 $0x3  }
0x9c: {  	_ =	swait.ge @!p1 [sflag:s0], $0x1000  }
0x9d: {  	[sflag:s0] =	ssyncset.done @!p1 $0x0  }
0x9e: {  	[sflag:s0] =	ssyncadd.s32 @!p1 $0xFFFFF000  }
0x9f: {  	s22 =	simm.s32 $0x200;
	s0 =	simm.s32 $0x0;
	[bflag:$0x0] =	sbarrier.arrive $0xFFFF  }
.LBB2_2:
0xa0: {  	p2 =	sne.s32 s22, $0x9E00;
	[tilespmem:s0+$0x1A0F0] =	vst v0  }
0xa1: {  	[tilespmem:s0+$0x17880] =	vst v0  }
0xa2: {  	[tilespmem:s0+$0x1A080] =	vst v0  }
0xa3: {  	[tilespmem:s0+$0x17890] =	vst v0  }
0xa4: {  	[tilespmem:s0+$0x1A090] =	vst v0  }
0xa5: {  	[tilespmem:s0+$0x178A0] =	vst v0  }
0xa6: {  	[tilespmem:s0+$0x1A0A0] =	vst v0  }
0xa7: {  	[tilespmem:s0+$0x178B0] =	vst v0  }
0xa8: {  	[tilespmem:s0+$0x1A0B0] =	vst v0  }
0xa9: {  	[tilespmem:s0+$0x178C0] =	vst v0  }
0xaa: {  	[tilespmem:s0+$0x1A0C0] =	vst v0  }
.Ltmp2:
0xab: {  	[tilespmem:s0+$0x178D0] =	vst v0;
	(pc) =	sbr.rel @p2 .LBB2_2-.Ltmp2, $4  }
0xac: {  	[tilespmem:s0+$0x1A0D0] =	vst v0  }
0xad: {  	[tilespmem:s0+$0x178E0] =	vst v0  }
0xae: {  	[tilespmem:s0+$0x1A0E0] =	vst v0  }
0xaf: {  	[tilespmem:s0+$0x178F0] =	vst v0;
	s0 =	sshra.s32 s22, $0x2;
	s22 =	sadd.s32 $0x200, s22  }
0xb0: {  	[tilespmem:s0+$0x1A0F0] =	vst v0  }
0xb1: {  	[tilespmem:s0+$0x17880] =	vst v0  }
0xb2: {  	[tilespmem:s0+$0x1A080] =	vst v0  }
0xb3: {  	[tilespmem:s0+$0x17890] =	vst v0  }
0xb4: {  	[tilespmem:s0+$0x1A090] =	vst v0  }
0xb5: {  	[tilespmem:s0+$0x178A0] =	vst v0  }
0xb6: {  	[tilespmem:s0+$0x1A0A0] =	vst v0  }
0xb7: {  	[tilespmem:s0+$0x178B0] =	vst v0  }
0xb8: {  	[tilespmem:s0+$0x1A0B0] =	vst v0  }
0xb9: {  	[tilespmem:s0+$0x178C0] =	vst v0  }
0xba: {  	[tilespmem:s0+$0x1A0C0] =	vst v0  }
0xbb: {  	[tilespmem:s0+$0x178D0] =	vst v0  }
0xbc: {  	[tilespmem:s0+$0x1A0D0] =	vst v0  }
0xbd: {  	[tilespmem:s0+$0x178E0] =	vst v0  }
0xbe: {  	[tilespmem:s0+$0x1A0E0] =	vst v0;
	p2 =	por $0x0, $0x0;
	s22 =	simm.s32 $0x13880  }
0xbf: {  	[tilespmem:s0+$0x178F0] =	vst v0;
	s24 =	simm.s32 $0x13900;
	s0 =	simm.s32 @p2 $0x50;
	s17 =	simm.s32 @p2 $0x1A080  }
0xc0: {  	[tilespmem:s17], [sflag:$0x2] =	stream.indirect.gather.add.f32 @p2 [hbm:s1], $0x80, s22, s0, $0xb8;
	[tilespmem:$0x1C880] =	vst v63  }
0xc1: {  	s25 =	simm.s32 @!p2 $0x50;
	s0 =	simm.s32 $0x1;
	s17 =	simm.s32 @!p2 $0x17880  }
.LBB2_4:
0xc2: {  	[tilespmem:s17], [sflag:$0x1] =	stream.indirect.gather.add.f32 @!p2 [spmem:s3], $0x80, s22, s25, $0xb8;
	[tilespmem:$0x1C880] =	vst v63  }
0xc3: {  	s17 =	smov.u32 s0;
	s0 =	sadd.s32 $0x1, s0  }
0xc4: {  	p3 =	sne.s32 s0, $0x20  }
.Ltmp3:
0xc5: {  	(pc) =	sbr.rel @p3 .LBB2_4-.Ltmp3, $4  }
0xc6: {  	s22 =	smov.u32 s24;
	p2 =	sgt.u32 s17, $0x13  }
0xc7: {  	s17 =	simm.s32 @p2 $0x50;
	s25 =	simm.s32 @p2 $0x1A080  }
0xc8: {  	[tilespmem:s25], [sflag:$0x2] =	stream.indirect.gather.add.f32 @p2 [hbm:s1], $0x80, s24, s17, $0xb8;
	[tilespmem:$0x1C880] =	vst v63  }
0xc9: {  	s25 =	simm.s32 @!p2 $0x50;
	s17 =	simm.s32 @!p2 $0x17880;
	s24 =	sadd.s32 $0x80, s24  }
0xca: {  	[tilespmem:s17], [sflag:$0x1] =	stream.indirect.gather.add.f32 @!p2 [spmem:s3], $0x80, s22, s25, $0xb8;
	[tilespmem:$0x1C880] =	vst v63  }
0xcb: {  	_ =	swait.ge [sflag:s26], $0x2800  }
0xcc: {  	[sflag:s26] =	ssyncset.done $0x0  }
0xcd: {  	[sflag:s26] =	ssyncadd.s32 $0xFFFFD800  }
0xce: {  	_ =	swait.ge [sflag:s26], $0x2800  }
0xcf: {  	[sflag:s26] =	ssyncset.done $0x0  }
0xd0: {  	[sflag:s26] =	ssyncadd.s32 $0xFFFFD800  }
0xd1: {  	_ =	swait.ge [sflag:s26], $0x2800  }
0xd2: {  	[sflag:s26] =	ssyncset.done $0x0  }
0xd3: {  	[sflag:s26] =	ssyncadd.s32 $0xFFFFD800  }
0xd4: {  	_ =	swait.ge [sflag:s26], $0x2800  }
0xd5: {  	[sflag:s26] =	ssyncset.done $0x0  }
0xd6: {  	[sflag:s26] =	ssyncadd.s32 $0xFFFFD800  }
0xd7: {  	_ =	swait.ge [sflag:s26], $0x2800  }
0xd8: {  	[sflag:s26] =	ssyncset.done $0x0  }
0xd9: {  	[sflag:s26] =	ssyncadd.s32 $0xFFFFD800  }
0xda: {  	_ =	swait.ge [sflag:s26], $0x2800  }
0xdb: {  	[sflag:s26] =	ssyncset.done $0x0  }
0xdc: {  	[sflag:s26] =	ssyncadd.s32 $0xFFFFD800  }
0xdd: {  	_ =	swait.ge [sflag:s26], $0x2800  }
0xde: {  	[sflag:s26] =	ssyncset.done $0x0  }
0xdf: {  	[sflag:s26] =	ssyncadd.s32 $0xFFFFD800  }
0xe0: {  	_ =	swait.ge [sflag:s26], $0x2800  }
0xe1: {  	[sflag:s26] =	ssyncset.done $0x0  }
0xe2: {  	[sflag:s26] =	ssyncadd.s32 $0xFFFFD800  }
0xe3: {  	_ =	swait.ge [sflag:s26], $0x2800  }
0xe4: {  	[sflag:s26] =	ssyncset.done $0x0  }
0xe5: {  	[sflag:s26] =	ssyncadd.s32 $0xFFFFD800  }
0xe6: {  	_ =	swait.ge [sflag:s26], $0x2800  }
0xe7: {  	[sflag:s26] =	ssyncset.done $0x0  }
0xe8: {  	[sflag:s26] =	ssyncadd.s32 $0xFFFFD800  }
0xe9: {  	_ =	swait.ge [sflag:s26], $0x2800  }
0xea: {  	[sflag:s26] =	ssyncset.done $0x0  }
0xeb: {  	[sflag:s26] =	ssyncadd.s32 $0xFFFFD800  }
0xec: {  	_ =	swait.ge [sflag:s26], $0x2800  }
0xed: {  	[sflag:s26] =	ssyncset.done $0x0  }
0xee: {  	[sflag:s26] =	ssyncadd.s32 $0xFFFFD800  }
0xef: {  	_ =	swait.ge [sflag:s26], $0x2800  }
0xf0: {  	[sflag:s26] =	ssyncset.done $0x0  }
0xf1: {  	[sflag:s26] =	ssyncadd.s32 $0xFFFFD800  }
0xf2: {  	_ =	swait.ge [sflag:s26], $0x2800  }
0xf3: {  	[sflag:s26] =	ssyncset.done $0x0  }
0xf4: {  	[sflag:s26] =	ssyncadd.s32 $0xFFFFD800  }
0xf5: {  	_ =	swait.ge [sflag:s26], $0x2800  }
0xf6: {  	[sflag:s26] =	ssyncset.done $0x0  }
0xf7: {  	[sflag:s26] =	ssyncadd.s32 $0xFFFFD800  }
0xf8: {  	_ =	swait.ge [sflag:s26], $0x2800  }
0xf9: {  	[sflag:s26] =	ssyncset.done $0x0  }
0xfa: {  	[sflag:s26] =	ssyncadd.s32 $0xFFFFD800  }
0xfb: {  	_ =	swait.ge [sflag:s26], $0x2800  }
0xfc: {  	[sflag:s26] =	ssyncset.done $0x0  }
0xfd: {  	[sflag:s26] =	ssyncadd.s32 $0xFFFFD800  }
0xfe: {  	_ =	swait.ge [sflag:s26], $0x2800  }
0xff: {  	[sflag:s26] =	ssyncset.done $0x0  }
0x100: {  	[sflag:s26] =	ssyncadd.s32 $0xFFFFD800  }
0x101: {  	_ =	swait.ge [sflag:s26], $0x2800  }
0x102: {  	[sflag:s26] =	ssyncset.done $0x0  }
0x103: {  	[sflag:s26] =	ssyncadd.s32 $0xFFFFD800  }
0x104: {  	_ =	swait.ge [sflag:s26], $0x2800  }
0x105: {  	[sflag:s26] =	ssyncset.done $0x0  }
0x106: {  	[sflag:s26] =	ssyncadd.s32 $0xFFFFD800  }
0x107: {  	_ =	swait.ge [sflag:s28], $0x2800  }
0x108: {  	[sflag:s28] =	ssyncset.done $0x0  }
0x109: {  	[sflag:s28] =	ssyncadd.s32 $0xFFFFD800  }
0x10a: {  	_ =	swait.ge [sflag:s28], $0x2800  }
0x10b: {  	[sflag:s28] =	ssyncset.done $0x0  }
0x10c: {  	[sflag:s28] =	ssyncadd.s32 $0xFFFFD800  }
0x10d: {  	_ =	swait.ge [sflag:s28], $0x2800  }
0x10e: {  	[sflag:s28] =	ssyncset.done $0x0  }
0x10f: {  	[sflag:s28] =	ssyncadd.s32 $0xFFFFD800  }
0x110: {  	_ =	swait.ge [sflag:s28], $0x2800  }
0x111: {  	[sflag:s28] =	ssyncset.done $0x0  }
0x112: {  	[sflag:s28] =	ssyncadd.s32 $0xFFFFD800  }
0x113: {  	_ =	swait.ge [sflag:s28], $0x2800  }
0x114: {  	[sflag:s28] =	ssyncset.done $0x0  }
0x115: {  	[sflag:s28] =	ssyncadd.s32 $0xFFFFD800  }
0x116: {  	_ =	swait.ge [sflag:s28], $0x2800  }
0x117: {  	[sflag:s28] =	ssyncset.done $0x0  }
0x118: {  	[sflag:s28] =	ssyncadd.s32 $0xFFFFD800  }
0x119: {  	_ =	swait.ge [sflag:s28], $0x2800  }
0x11a: {  	[sflag:s28] =	ssyncset.done $0x0  }
0x11b: {  	[sflag:s28] =	ssyncadd.s32 $0xFFFFD800  }
0x11c: {  	_ =	swait.ge [sflag:s28], $0x2800  }
0x11d: {  	[sflag:s28] =	ssyncset.done $0x0  }
0x11e: {  	[sflag:s28] =	ssyncadd.s32 $0xFFFFD800  }
0x11f: {  	_ =	swait.ge [sflag:s28], $0x2800  }
0x120: {  	[sflag:s28] =	ssyncset.done $0x0  }
0x121: {  	[sflag:s28] =	ssyncadd.s32 $0xFFFFD800  }
0x122: {  	_ =	swait.ge [sflag:s28], $0x2800  }
0x123: {  	[sflag:s28] =	ssyncset.done $0x0  }
0x124: {  	[sflag:s28] =	ssyncadd.s32 $0xFFFFD800  }
0x125: {  	_ =	swait.ge [sflag:s28], $0x2800  }
0x126: {  	[sflag:s28] =	ssyncset.done $0x0  }
0x127: {  	[sflag:s28] =	ssyncadd.s32 $0xFFFFD800  }
0x128: {  	_ =	swait.ge [sflag:s28], $0x2800  }
0x129: {  	[sflag:s28] =	ssyncset.done $0x0  }
0x12a: {  	s0 =	simm.s32 $0x0;
	[sflag:s28] =	ssyncadd.s32 $0xFFFFD800  }
0x12b: {  	[hbm4b:s11+s0] =	stream.linear.scatter [tilespmem:s29], [sflag:$0x3], $0x2800, $0x38;
	[tilespmem:$0x1C880] =	vst v63  }
0x12c: {  	_ =	swait.ge [sflag:s23], $0x2800  }
0x12d: {  	[sflag:s23] =	ssyncset.done $0x0  }
0x12e: {  	[sflag:s23] =	ssyncadd.s32 $0xFFFFD800  }
0x12f: {  	[hbm4b:s12+s0] =	stream.linear.scatter [tilespmem:s30], [sflag:$0x3], $0x2800, $0x38;
	[tilespmem:$0x1C880] =	vst v63  }
0x130: {  	_ =	swait.ge [sflag:s23], $0x2800  }
0x131: {  	[sflag:s23] =	ssyncset.done $0x0  }
0x132: {  	s22 =	simm.s32 $0x200;
	s0 =	simm.s32 $0x0;
	[sflag:s23] =	ssyncadd.s32 $0xFFFFD800  }
.LBB2_6:
0x133: {  	p2 =	sne.s32 s22, $0x9E00;
	[tilespmem:s0+$0x1A0F0] =	vst v0  }
0x134: {  	[tilespmem:s0+$0x17880] =	vst v0  }
0x135: {  	[tilespmem:s0+$0x1A080] =	vst v0  }
0x136: {  	[tilespmem:s0+$0x17890] =	vst v0  }
0x137: {  	[tilespmem:s0+$0x1A090] =	vst v0  }
0x138: {  	[tilespmem:s0+$0x178A0] =	vst v0  }
0x139: {  	[tilespmem:s0+$0x1A0A0] =	vst v0  }
0x13a: {  	[tilespmem:s0+$0x178B0] =	vst v0  }
0x13b: {  	[tilespmem:s0+$0x1A0B0] =	vst v0  }
0x13c: {  	[tilespmem:s0+$0x178C0] =	vst v0  }
0x13d: {  	[tilespmem:s0+$0x1A0C0] =	vst v0  }
.Ltmp4:
0x13e: {  	[tilespmem:s0+$0x178D0] =	vst v0;
	(pc) =	sbr.rel @p2 .LBB2_6-.Ltmp4, $4  }
0x13f: {  	[tilespmem:s0+$0x1A0D0] =	vst v0  }
0x140: {  	[tilespmem:s0+$0x178E0] =	vst v0  }
0x141: {  	[tilespmem:s0+$0x1A0E0] =	vst v0  }
0x142: {  	[tilespmem:s0+$0x178F0] =	vst v0;
	s0 =	sshra.s32 s22, $0x2;
	s22 =	sadd.s32 $0x200, s22  }
0x143: {  	[tilespmem:s0+$0x1A0F0] =	vst v0  }
0x144: {  	[tilespmem:s0+$0x17880] =	vst v0  }
0x145: {  	[tilespmem:s0+$0x1A080] =	vst v0  }
0x146: {  	[tilespmem:s0+$0x17890] =	vst v0  }
0x147: {  	[tilespmem:s0+$0x1A090] =	vst v0  }
0x148: {  	[tilespmem:s0+$0x178A0] =	vst v0  }
0x149: {  	[tilespmem:s0+$0x1A0A0] =	vst v0  }
0x14a: {  	[tilespmem:s0+$0x178B0] =	vst v0  }
0x14b: {  	[tilespmem:s0+$0x1A0B0] =	vst v0  }
0x14c: {  	[tilespmem:s0+$0x178C0] =	vst v0  }
0x14d: {  	[tilespmem:s0+$0x1A0C0] =	vst v0  }
0x14e: {  	[tilespmem:s0+$0x178D0] =	vst v0  }
0x14f: {  	[tilespmem:s0+$0x1A0D0] =	vst v0  }
0x150: {  	[tilespmem:s0+$0x178E0] =	vst v0  }
0x151: {  	[tilespmem:s0+$0x1A0E0] =	vst v0;
	p2 =	por $0x0, $0x0;
	s22 =	simm.s32 $0x14880  }
0x152: {  	[tilespmem:s0+$0x178F0] =	vst v0;
	s24 =	simm.s32 $0x14900;
	s0 =	simm.s32 @p2 $0x50;
	s17 =	simm.s32 @p2 $0x1A080  }
0x153: {  	[tilespmem:s17], [sflag:$0x2] =	stream.indirect.gather.add.f32 @p2 [hbm:s1], $0x80, s22, s0, $0xb8;
	[tilespmem:$0x1C880] =	vst v63  }
0x154: {  	s25 =	simm.s32 @!p2 $0x50;
	s0 =	simm.s32 $0x1;
	s17 =	simm.s32 @!p2 $0x17880  }
.LBB2_8:
0x155: {  	[tilespmem:s17], [sflag:$0x1] =	stream.indirect.gather.add.f32 @!p2 [spmem:s3], $0x80, s22, s25, $0xb8;
	[tilespmem:$0x1C880] =	vst v63  }
0x156: {  	s17 =	smov.u32 s0;
	s0 =	sadd.s32 $0x1, s0  }
0x157: {  	p3 =	sne.s32 s0, $0x20  }
.Ltmp5:
0x158: {  	(pc) =	sbr.rel @p3 .LBB2_8-.Ltmp5, $4  }
0x159: {  	s22 =	smov.u32 s24;
	p2 =	sgt.u32 s17, $0x13  }
0x15a: {  	s17 =	simm.s32 @p2 $0x50;
	s25 =	simm.s32 @p2 $0x1A080  }
0x15b: {  	[tilespmem:s25], [sflag:$0x2] =	stream.indirect.gather.add.f32 @p2 [hbm:s1], $0x80, s24, s17, $0xb8;
	[tilespmem:$0x1C880] =	vst v63  }
0x15c: {  	s25 =	simm.s32 @!p2 $0x50;
	s17 =	simm.s32 @!p2 $0x17880;
	s24 =	sadd.s32 $0x80, s24  }
0x15d: {  	[tilespmem:s17], [sflag:$0x1] =	stream.indirect.gather.add.f32 @!p2 [spmem:s3], $0x80, s22, s25, $0xb8;
	[tilespmem:$0x1C880] =	vst v63  }
0x15e: {  	_ =	swait.ge [sflag:s26], $0x2800  }
0x15f: {  	[sflag:s26] =	ssyncset.done $0x0  }
0x160: {  	[sflag:s26] =	ssyncadd.s32 $0xFFFFD800  }
0x161: {  	_ =	swait.ge [sflag:s26], $0x2800  }
0x162: {  	[sflag:s26] =	ssyncset.done $0x0  }
0x163: {  	[sflag:s26] =	ssyncadd.s32 $0xFFFFD800  }
0x164: {  	_ =	swait.ge [sflag:s26], $0x2800  }
0x165: {  	[sflag:s26] =	ssyncset.done $0x0  }
0x166: {  	[sflag:s26] =	ssyncadd.s32 $0xFFFFD800  }
0x167: {  	_ =	swait.ge [sflag:s26], $0x2800  }
0x168: {  	[sflag:s26] =	ssyncset.done $0x0  }
0x169: {  	[sflag:s26] =	ssyncadd.s32 $0xFFFFD800  }
0x16a: {  	_ =	swait.ge [sflag:s26], $0x2800  }
0x16b: {  	[sflag:s26] =	ssyncset.done $0x0  }
0x16c: {  	[sflag:s26] =	ssyncadd.s32 $0xFFFFD800  }
0x16d: {  	_ =	swait.ge [sflag:s26], $0x2800  }
0x16e: {  	[sflag:s26] =	ssyncset.done $0x0  }
0x16f: {  	[sflag:s26] =	ssyncadd.s32 $0xFFFFD800  }
0x170: {  	_ =	swait.ge [sflag:s26], $0x2800  }
0x171: {  	[sflag:s26] =	ssyncset.done $0x0  }
0x172: {  	[sflag:s26] =	ssyncadd.s32 $0xFFFFD800  }
0x173: {  	_ =	swait.ge [sflag:s26], $0x2800  }
0x174: {  	[sflag:s26] =	ssyncset.done $0x0  }
0x175: {  	[sflag:s26] =	ssyncadd.s32 $0xFFFFD800  }
0x176: {  	_ =	swait.ge [sflag:s26], $0x2800  }
0x177: {  	[sflag:s26] =	ssyncset.done $0x0  }
0x178: {  	[sflag:s26] =	ssyncadd.s32 $0xFFFFD800  }
0x179: {  	_ =	swait.ge [sflag:s26], $0x2800  }
0x17a: {  	[sflag:s26] =	ssyncset.done $0x0  }
0x17b: {  	[sflag:s26] =	ssyncadd.s32 $0xFFFFD800  }
0x17c: {  	_ =	swait.ge [sflag:s26], $0x2800  }
0x17d: {  	[sflag:s26] =	ssyncset.done $0x0  }
0x17e: {  	[sflag:s26] =	ssyncadd.s32 $0xFFFFD800  }
0x17f: {  	_ =	swait.ge [sflag:s26], $0x2800  }
0x180: {  	[sflag:s26] =	ssyncset.done $0x0  }
0x181: {  	[sflag:s26] =	ssyncadd.s32 $0xFFFFD800  }
0x182: {  	_ =	swait.ge [sflag:s26], $0x2800  }
0x183: {  	[sflag:s26] =	ssyncset.done $0x0  }
0x184: {  	[sflag:s26] =	ssyncadd.s32 $0xFFFFD800  }
0x185: {  	_ =	swait.ge [sflag:s26], $0x2800  }
0x186: {  	[sflag:s26] =	ssyncset.done $0x0  }
0x187: {  	[sflag:s26] =	ssyncadd.s32 $0xFFFFD800  }
0x188: {  	_ =	swait.ge [sflag:s26], $0x2800  }
0x189: {  	[sflag:s26] =	ssyncset.done $0x0  }
0x18a: {  	[sflag:s26] =	ssyncadd.s32 $0xFFFFD800  }
0x18b: {  	_ =	swait.ge [sflag:s26], $0x2800  }
0x18c: {  	[sflag:s26] =	ssyncset.done $0x0  }
0x18d: {  	[sflag:s26] =	ssyncadd.s32 $0xFFFFD800  }
0x18e: {  	_ =	swait.ge [sflag:s26], $0x2800  }
0x18f: {  	[sflag:s26] =	ssyncset.done $0x0  }
0x190: {  	[sflag:s26] =	ssyncadd.s32 $0xFFFFD800  }
0x191: {  	_ =	swait.ge [sflag:s26], $0x2800  }
0x192: {  	[sflag:s26] =	ssyncset.done $0x0  }
0x193: {  	[sflag:s26] =	ssyncadd.s32 $0xFFFFD800  }
0x194: {  	_ =	swait.ge [sflag:s26], $0x2800  }
0x195: {  	[sflag:s26] =	ssyncset.done $0x0  }
0x196: {  	[sflag:s26] =	ssyncadd.s32 $0xFFFFD800  }
0x197: {  	_ =	swait.ge [sflag:s26], $0x2800  }
0x198: {  	[sflag:s26] =	ssyncset.done $0x0  }
0x199: {  	[sflag:s26] =	ssyncadd.s32 $0xFFFFD800  }
0x19a: {  	_ =	swait.ge [sflag:s28], $0x2800  }
0x19b: {  	[sflag:s28] =	ssyncset.done $0x0  }
0x19c: {  	[sflag:s28] =	ssyncadd.s32 $0xFFFFD800  }
0x19d: {  	_ =	swait.ge [sflag:s28], $0x2800  }
0x19e: {  	[sflag:s28] =	ssyncset.done $0x0  }
0x19f: {  	[sflag:s28] =	ssyncadd.s32 $0xFFFFD800  }
0x1a0: {  	_ =	swait.ge [sflag:s28], $0x2800  }
0x1a1: {  	[sflag:s28] =	ssyncset.done $0x0  }
0x1a2: {  	[sflag:s28] =	ssyncadd.s32 $0xFFFFD800  }
0x1a3: {  	_ =	swait.ge [sflag:s28], $0x2800  }
0x1a4: {  	[sflag:s28] =	ssyncset.done $0x0  }
0x1a5: {  	[sflag:s28] =	ssyncadd.s32 $0xFFFFD800  }
0x1a6: {  	_ =	swait.ge [sflag:s28], $0x2800  }
0x1a7: {  	[sflag:s28] =	ssyncset.done $0x0  }
0x1a8: {  	[sflag:s28] =	ssyncadd.s32 $0xFFFFD800  }
0x1a9: {  	_ =	swait.ge [sflag:s28], $0x2800  }
0x1aa: {  	[sflag:s28] =	ssyncset.done $0x0  }
0x1ab: {  	[sflag:s28] =	ssyncadd.s32 $0xFFFFD800  }
0x1ac: {  	_ =	swait.ge [sflag:s28], $0x2800  }
0x1ad: {  	[sflag:s28] =	ssyncset.done $0x0  }
0x1ae: {  	[sflag:s28] =	ssyncadd.s32 $0xFFFFD800  }
0x1af: {  	_ =	swait.ge [sflag:s28], $0x2800  }
0x1b0: {  	[sflag:s28] =	ssyncset.done $0x0  }
0x1b1: {  	[sflag:s28] =	ssyncadd.s32 $0xFFFFD800  }
0x1b2: {  	_ =	swait.ge [sflag:s28], $0x2800  }
0x1b3: {  	[sflag:s28] =	ssyncset.done $0x0  }
0x1b4: {  	[sflag:s28] =	ssyncadd.s32 $0xFFFFD800  }
0x1b5: {  	_ =	swait.ge [sflag:s28], $0x2800  }
0x1b6: {  	[sflag:s28] =	ssyncset.done $0x0  }
0x1b7: {  	[sflag:s28] =	ssyncadd.s32 $0xFFFFD800  }
0x1b8: {  	_ =	swait.ge [sflag:s28], $0x2800  }
0x1b9: {  	[sflag:s28] =	ssyncset.done $0x0  }
0x1ba: {  	[sflag:s28] =	ssyncadd.s32 $0xFFFFD800  }
0x1bb: {  	_ =	swait.ge [sflag:s28], $0x2800  }
0x1bc: {  	[sflag:s28] =	ssyncset.done $0x0  }
0x1bd: {  	s0 =	simm.s32 $0x0;
	[sflag:s28] =	ssyncadd.s32 $0xFFFFD800  }
0x1be: {  	[hbm4b:s13+s0] =	stream.linear.scatter [tilespmem:s29], [sflag:$0x3], $0x2800, $0x38;
	[tilespmem:$0x1C880] =	vst v63  }
0x1bf: {  	_ =	swait.ge [sflag:s23], $0x2800  }
0x1c0: {  	[sflag:s23] =	ssyncset.done $0x0  }
0x1c1: {  	[sflag:s23] =	ssyncadd.s32 $0xFFFFD800  }
0x1c2: {  	[hbm4b:s14+s0] =	stream.linear.scatter [tilespmem:s30], [sflag:$0x3], $0x2800, $0x38;
	[tilespmem:$0x1C880] =	vst v63  }
0x1c3: {  	_ =	swait.ge [sflag:s23], $0x2800  }
0x1c4: {  	[sflag:s23] =	ssyncset.done $0x0  }
0x1c5: {  	s22 =	simm.s32 $0x200;
	s0 =	simm.s32 $0x0;
	[sflag:s23] =	ssyncadd.s32 $0xFFFFD800  }
.LBB2_10:
0x1c6: {  	p2 =	sne.s32 s22, $0x9E00;
	[tilespmem:s0+$0x1A0F0] =	vst v0  }
0x1c7: {  	[tilespmem:s0+$0x17880] =	vst v0  }
0x1c8: {  	[tilespmem:s0+$0x1A080] =	vst v0  }
0x1c9: {  	[tilespmem:s0+$0x17890] =	vst v0  }
0x1ca: {  	[tilespmem:s0+$0x1A090] =	vst v0  }
0x1cb: {  	[tilespmem:s0+$0x178A0] =	vst v0  }
0x1cc: {  	[tilespmem:s0+$0x1A0A0] =	vst v0  }
0x1cd: {  	[tilespmem:s0+$0x178B0] =	vst v0  }
0x1ce: {  	[tilespmem:s0+$0x1A0B0] =	vst v0  }
0x1cf: {  	[tilespmem:s0+$0x178C0] =	vst v0  }
0x1d0: {  	[tilespmem:s0+$0x1A0C0] =	vst v0  }
.Ltmp6:
0x1d1: {  	[tilespmem:s0+$0x178D0] =	vst v0;
	(pc) =	sbr.rel @p2 .LBB2_10-.Ltmp6, $4  }
0x1d2: {  	[tilespmem:s0+$0x1A0D0] =	vst v0  }
0x1d3: {  	[tilespmem:s0+$0x178E0] =	vst v0  }
0x1d4: {  	[tilespmem:s0+$0x1A0E0] =	vst v0  }
0x1d5: {  	[tilespmem:s0+$0x178F0] =	vst v0;
	s0 =	sshra.s32 s22, $0x2;
	s22 =	sadd.s32 $0x200, s22  }
0x1d6: {  	[tilespmem:s0+$0x1A0F0] =	vst v0  }
0x1d7: {  	[tilespmem:s0+$0x17880] =	vst v0  }
0x1d8: {  	[tilespmem:s0+$0x1A080] =	vst v0  }
0x1d9: {  	[tilespmem:s0+$0x17890] =	vst v0  }
0x1da: {  	[tilespmem:s0+$0x1A090] =	vst v0  }
0x1db: {  	[tilespmem:s0+$0x178A0] =	vst v0  }
0x1dc: {  	[tilespmem:s0+$0x1A0A0] =	vst v0  }
0x1dd: {  	[tilespmem:s0+$0x178B0] =	vst v0  }
0x1de: {  	[tilespmem:s0+$0x1A0B0] =	vst v0  }
0x1df: {  	[tilespmem:s0+$0x178C0] =	vst v0  }
0x1e0: {  	[tilespmem:s0+$0x1A0C0] =	vst v0  }
0x1e1: {  	[tilespmem:s0+$0x178D0] =	vst v0  }
0x1e2: {  	[tilespmem:s0+$0x1A0D0] =	vst v0  }
0x1e3: {  	[tilespmem:s0+$0x178E0] =	vst v0  }
0x1e4: {  	[tilespmem:s0+$0x1A0E0] =	vst v0;
	p2 =	por $0x0, $0x0;
	s22 =	simm.s32 $0x15880  }
0x1e5: {  	[tilespmem:s0+$0x178F0] =	vst v0;
	s24 =	simm.s32 $0x15900;
	s0 =	simm.s32 @p2 $0x50;
	s17 =	simm.s32 @p2 $0x1A080  }
0x1e6: {  	[tilespmem:s17], [sflag:$0x2] =	stream.indirect.gather.add.f32 @p2 [hbm:s1], $0x80, s22, s0, $0xb8;
	[tilespmem:$0x1C880] =	vst v63  }
0x1e7: {  	s25 =	simm.s32 @!p2 $0x50;
	s0 =	simm.s32 $0x1;
	s17 =	simm.s32 @!p2 $0x17880  }
.LBB2_12:
0x1e8: {  	[tilespmem:s17], [sflag:$0x1] =	stream.indirect.gather.add.f32 @!p2 [spmem:s3], $0x80, s22, s25, $0xb8;
	[tilespmem:$0x1C880] =	vst v63  }
0x1e9: {  	s17 =	smov.u32 s0;
	s0 =	sadd.s32 $0x1, s0  }
0x1ea: {  	p3 =	sne.s32 s0, $0x20  }
.Ltmp7:
0x1eb: {  	(pc) =	sbr.rel @p3 .LBB2_12-.Ltmp7, $4  }
0x1ec: {  	s22 =	smov.u32 s24;
	p2 =	sgt.u32 s17, $0x13  }
0x1ed: {  	s17 =	simm.s32 @p2 $0x50;
	s25 =	simm.s32 @p2 $0x1A080  }
0x1ee: {  	[tilespmem:s25], [sflag:$0x2] =	stream.indirect.gather.add.f32 @p2 [hbm:s1], $0x80, s24, s17, $0xb8;
	[tilespmem:$0x1C880] =	vst v63  }
0x1ef: {  	s25 =	simm.s32 @!p2 $0x50;
	s17 =	simm.s32 @!p2 $0x17880;
	s24 =	sadd.s32 $0x80, s24  }
0x1f0: {  	[tilespmem:s17], [sflag:$0x1] =	stream.indirect.gather.add.f32 @!p2 [spmem:s3], $0x80, s22, s25, $0xb8;
	[tilespmem:$0x1C880] =	vst v63  }
0x1f1: {  	_ =	swait.ge [sflag:s26], $0x2800  }
0x1f2: {  	[sflag:s26] =	ssyncset.done $0x0  }
0x1f3: {  	[sflag:s26] =	ssyncadd.s32 $0xFFFFD800  }
0x1f4: {  	_ =	swait.ge [sflag:s26], $0x2800  }
0x1f5: {  	[sflag:s26] =	ssyncset.done $0x0  }
0x1f6: {  	[sflag:s26] =	ssyncadd.s32 $0xFFFFD800  }
0x1f7: {  	_ =	swait.ge [sflag:s26], $0x2800  }
0x1f8: {  	[sflag:s26] =	ssyncset.done $0x0  }
0x1f9: {  	[sflag:s26] =	ssyncadd.s32 $0xFFFFD800  }
0x1fa: {  	_ =	swait.ge [sflag:s26], $0x2800  }
0x1fb: {  	[sflag:s26] =	ssyncset.done $0x0  }
0x1fc: {  	[sflag:s26] =	ssyncadd.s32 $0xFFFFD800  }
0x1fd: {  	_ =	swait.ge [sflag:s26], $0x2800  }
0x1fe: {  	[sflag:s26] =	ssyncset.done $0x0  }
0x1ff: {  	[sflag:s26] =	ssyncadd.s32 $0xFFFFD800  }
0x200: {  	_ =	swait.ge [sflag:s26], $0x2800  }
0x201: {  	[sflag:s26] =	ssyncset.done $0x0  }
0x202: {  	[sflag:s26] =	ssyncadd.s32 $0xFFFFD800  }
0x203: {  	_ =	swait.ge [sflag:s26], $0x2800  }
0x204: {  	[sflag:s26] =	ssyncset.done $0x0  }
0x205: {  	[sflag:s26] =	ssyncadd.s32 $0xFFFFD800  }
0x206: {  	_ =	swait.ge [sflag:s26], $0x2800  }
0x207: {  	[sflag:s26] =	ssyncset.done $0x0  }
0x208: {  	[sflag:s26] =	ssyncadd.s32 $0xFFFFD800  }
0x209: {  	_ =	swait.ge [sflag:s26], $0x2800  }
0x20a: {  	[sflag:s26] =	ssyncset.done $0x0  }
0x20b: {  	[sflag:s26] =	ssyncadd.s32 $0xFFFFD800  }
0x20c: {  	_ =	swait.ge [sflag:s26], $0x2800  }
0x20d: {  	[sflag:s26] =	ssyncset.done $0x0  }
0x20e: {  	[sflag:s26] =	ssyncadd.s32 $0xFFFFD800  }
0x20f: {  	_ =	swait.ge [sflag:s26], $0x2800  }
0x210: {  	[sflag:s26] =	ssyncset.done $0x0  }
0x211: {  	[sflag:s26] =	ssyncadd.s32 $0xFFFFD800  }
0x212: {  	_ =	swait.ge [sflag:s26], $0x2800  }
0x213: {  	[sflag:s26] =	ssyncset.done $0x0  }
0x214: {  	[sflag:s26] =	ssyncadd.s32 $0xFFFFD800  }
0x215: {  	_ =	swait.ge [sflag:s26], $0x2800  }
0x216: {  	[sflag:s26] =	ssyncset.done $0x0  }
0x217: {  	[sflag:s26] =	ssyncadd.s32 $0xFFFFD800  }
0x218: {  	_ =	swait.ge [sflag:s26], $0x2800  }
0x219: {  	[sflag:s26] =	ssyncset.done $0x0  }
0x21a: {  	[sflag:s26] =	ssyncadd.s32 $0xFFFFD800  }
0x21b: {  	_ =	swait.ge [sflag:s26], $0x2800  }
0x21c: {  	[sflag:s26] =	ssyncset.done $0x0  }
0x21d: {  	[sflag:s26] =	ssyncadd.s32 $0xFFFFD800  }
0x21e: {  	_ =	swait.ge [sflag:s26], $0x2800  }
0x21f: {  	[sflag:s26] =	ssyncset.done $0x0  }
0x220: {  	[sflag:s26] =	ssyncadd.s32 $0xFFFFD800  }
0x221: {  	_ =	swait.ge [sflag:s26], $0x2800  }
0x222: {  	[sflag:s26] =	ssyncset.done $0x0  }
0x223: {  	[sflag:s26] =	ssyncadd.s32 $0xFFFFD800  }
0x224: {  	_ =	swait.ge [sflag:s26], $0x2800  }
0x225: {  	[sflag:s26] =	ssyncset.done $0x0  }
0x226: {  	[sflag:s26] =	ssyncadd.s32 $0xFFFFD800  }
0x227: {  	_ =	swait.ge [sflag:s26], $0x2800  }
0x228: {  	[sflag:s26] =	ssyncset.done $0x0  }
0x229: {  	[sflag:s26] =	ssyncadd.s32 $0xFFFFD800  }
0x22a: {  	_ =	swait.ge [sflag:s26], $0x2800  }
0x22b: {  	[sflag:s26] =	ssyncset.done $0x0  }
0x22c: {  	[sflag:s26] =	ssyncadd.s32 $0xFFFFD800  }
0x22d: {  	_ =	swait.ge [sflag:s28], $0x2800  }
0x22e: {  	[sflag:s28] =	ssyncset.done $0x0  }
0x22f: {  	[sflag:s28] =	ssyncadd.s32 $0xFFFFD800  }
0x230: {  	_ =	swait.ge [sflag:s28], $0x2800  }
0x231: {  	[sflag:s28] =	ssyncset.done $0x0  }
0x232: {  	[sflag:s28] =	ssyncadd.s32 $0xFFFFD800  }
0x233: {  	_ =	swait.ge [sflag:s28], $0x2800  }
0x234: {  	[sflag:s28] =	ssyncset.done $0x0  }
0x235: {  	[sflag:s28] =	ssyncadd.s32 $0xFFFFD800  }
0x236: {  	_ =	swait.ge [sflag:s28], $0x2800  }
0x237: {  	[sflag:s28] =	ssyncset.done $0x0  }
0x238: {  	[sflag:s28] =	ssyncadd.s32 $0xFFFFD800  }
0x239: {  	_ =	swait.ge [sflag:s28], $0x2800  }
0x23a: {  	[sflag:s28] =	ssyncset.done $0x0  }
0x23b: {  	[sflag:s28] =	ssyncadd.s32 $0xFFFFD800  }
0x23c: {  	_ =	swait.ge [sflag:s28], $0x2800  }
0x23d: {  	[sflag:s28] =	ssyncset.done $0x0  }
0x23e: {  	[sflag:s28] =	ssyncadd.s32 $0xFFFFD800  }
0x23f: {  	_ =	swait.ge [sflag:s28], $0x2800  }
0x240: {  	[sflag:s28] =	ssyncset.done $0x0  }
0x241: {  	[sflag:s28] =	ssyncadd.s32 $0xFFFFD800  }
0x242: {  	_ =	swait.ge [sflag:s28], $0x2800  }
0x243: {  	[sflag:s28] =	ssyncset.done $0x0  }
0x244: {  	[sflag:s28] =	ssyncadd.s32 $0xFFFFD800  }
0x245: {  	_ =	swait.ge [sflag:s28], $0x2800  }
0x246: {  	[sflag:s28] =	ssyncset.done $0x0  }
0x247: {  	[sflag:s28] =	ssyncadd.s32 $0xFFFFD800  }
0x248: {  	_ =	swait.ge [sflag:s28], $0x2800  }
0x249: {  	[sflag:s28] =	ssyncset.done $0x0  }
0x24a: {  	[sflag:s28] =	ssyncadd.s32 $0xFFFFD800  }
0x24b: {  	_ =	swait.ge [sflag:s28], $0x2800  }
0x24c: {  	[sflag:s28] =	ssyncset.done $0x0  }
0x24d: {  	[sflag:s28] =	ssyncadd.s32 $0xFFFFD800  }
0x24e: {  	_ =	swait.ge [sflag:s28], $0x2800  }
0x24f: {  	[sflag:s28] =	ssyncset.done $0x0  }
0x250: {  	s22 =	simm.s32 $0x0;
	[sflag:s28] =	ssyncadd.s32 $0xFFFFD800  }
0x251: {  	[hbm4b:s15+s22] =	stream.linear.scatter [tilespmem:s29], [sflag:$0x3], $0x2800, $0x38;
	[tilespmem:$0x1C880] =	vst v63  }
0x252: {  	_ =	swait.ge [sflag:s23], $0x2800  }
0x253: {  	[sflag:s23] =	ssyncset.done $0x0  }
.Ltmp8:
0x254: {  	[sflag:s23] =	ssyncadd.s32 $0xFFFFD800;
	(pc) =	sbr.rel @p1 .LBB2_19-.Ltmp8, $4  }
0x255: {  	[hbm4b:s16+s22] =	stream.linear.scatter [tilespmem:s30], [sflag:$0x3], $0x2800, $0x38;
	[tilespmem:$0x1C880] =	vst v63  }
0x256: {  	_ =	swait.ge [sflag:s23], $0x2800  }
0x257: {  	[sflag:s23] =	ssyncset.done $0x0  }
0x258: {  	[sflag:s23] =	ssyncadd.s32 $0xFFFFD800  }
0x259: {  	s0 =	sshra.s32 s22, $0x2;
	s22 =	sadd.s32 $0x200, s22  }
.LBB2_15:
0x25a: {  	p2 =	sne.s32 s22, $0x9E00;
	[tilespmem:s0+$0x1A0F0] =	vst v0  }
0x25b: {  	[tilespmem:s0+$0x17880] =	vst v0  }
0x25c: {  	[tilespmem:s0+$0x1A080] =	vst v0  }
0x25d: {  	[tilespmem:s0+$0x17890] =	vst v0  }
0x25e: {  	[tilespmem:s0+$0x1A090] =	vst v0  }
0x25f: {  	[tilespmem:s0+$0x178A0] =	vst v0  }
0x260: {  	[tilespmem:s0+$0x1A0A0] =	vst v0  }
0x261: {  	[tilespmem:s0+$0x178B0] =	vst v0  }
0x262: {  	[tilespmem:s0+$0x1A0B0] =	vst v0  }
0x263: {  	[tilespmem:s0+$0x178C0] =	vst v0  }
0x264: {  	[tilespmem:s0+$0x1A0C0] =	vst v0  }
.Ltmp9:
0x265: {  	[tilespmem:s0+$0x178D0] =	vst v0;
	(pc) =	sbr.rel @p2 .LBB2_15-.Ltmp9, $4  }
0x266: {  	[tilespmem:s0+$0x1A0D0] =	vst v0  }
0x267: {  	[tilespmem:s0+$0x178E0] =	vst v0  }
0x268: {  	[tilespmem:s0+$0x1A0E0] =	vst v0  }
0x269: {  	[tilespmem:s0+$0x178F0] =	vst v0;
	s0 =	sshra.s32 s22, $0x2;
	s22 =	sadd.s32 $0x200, s22  }
0x26a: {  	[tilespmem:s0+$0x1A0F0] =	vst v0  }
0x26b: {  	[tilespmem:s0+$0x17880] =	vst v0  }
0x26c: {  	[tilespmem:s0+$0x1A080] =	vst v0  }
0x26d: {  	[tilespmem:s0+$0x17890] =	vst v0  }
0x26e: {  	[tilespmem:s0+$0x1A090] =	vst v0  }
0x26f: {  	[tilespmem:s0+$0x178A0] =	vst v0  }
0x270: {  	[tilespmem:s0+$0x1A0A0] =	vst v0  }
0x271: {  	[tilespmem:s0+$0x178B0] =	vst v0  }
0x272: {  	[tilespmem:s0+$0x1A0B0] =	vst v0  }
0x273: {  	[tilespmem:s0+$0x178C0] =	vst v0  }
0x274: {  	[tilespmem:s0+$0x1A0C0] =	vst v0  }
0x275: {  	[tilespmem:s0+$0x178D0] =	vst v0  }
0x276: {  	[tilespmem:s0+$0x1A0D0] =	vst v0  }
0x277: {  	[tilespmem:s0+$0x178E0] =	vst v0  }
0x278: {  	[tilespmem:s0+$0x1A0E0] =	vst v0;
	p2 =	por $0x0, $0x0;
	s22 =	simm.s32 $0x16880  }
0x279: {  	[tilespmem:s0+$0x178F0] =	vst v0;
	s24 =	simm.s32 $0x16900;
	s0 =	simm.s32 @p2 $0x50;
	s17 =	simm.s32 @p2 $0x1A080  }
0x27a: {  	[tilespmem:s17], [sflag:$0x2] =	stream.indirect.gather.add.f32 @p2 [hbm:s1], $0x80, s22, s0, $0xb8;
	[tilespmem:$0x1C880] =	vst v63  }
0x27b: {  	s25 =	simm.s32 @!p2 $0x50;
	s0 =	simm.s32 $0x1;
	s17 =	simm.s32 @!p2 $0x17880  }
.LBB2_17:
0x27c: {  	[tilespmem:s17], [sflag:$0x1] =	stream.indirect.gather.add.f32 @!p2 [spmem:s3], $0x80, s22, s25, $0xb8;
	[tilespmem:$0x1C880] =	vst v63  }
0x27d: {  	s17 =	smov.u32 s0;
	s0 =	sadd.s32 $0x1, s0  }
0x27e: {  	p3 =	sne.s32 s0, $0x20  }
.Ltmp10:
0x27f: {  	(pc) =	sbr.rel @p3 .LBB2_17-.Ltmp10, $4  }
0x280: {  	s22 =	smov.u32 s24;
	p2 =	sgt.u32 s17, $0x13  }
0x281: {  	s17 =	simm.s32 @p2 $0x50;
	s25 =	simm.s32 @p2 $0x1A080  }
0x282: {  	[tilespmem:s25], [sflag:$0x2] =	stream.indirect.gather.add.f32 @p2 [hbm:s1], $0x80, s24, s17, $0xb8;
	[tilespmem:$0x1C880] =	vst v63  }
0x283: {  	s25 =	simm.s32 @!p2 $0x50;
	s17 =	simm.s32 @!p2 $0x17880;
	s24 =	sadd.s32 $0x80, s24  }
.Ltmp11:
0x284: {  	_ = 	snop;
	(pc) =	sbr.rel .LBB2_18-.Ltmp11, $1  }
0x285: {  	_ =	sdelay $0x3  }
.LBB2_20:
0x286: {  	_ =	sfence.sel $0x180000  }
0x287: {  	[bflag:$0x0] =	sbarrier.arrive $0xFFFF  }
0x288: {  	_ =	strace $0x90000047  }
0x289: {  	[bflag:$0x2] =	sbarrier.arrive $0xFFFF  }
0x28a: {  	p0 =	sne.s32 s2, $0x0;
	s0 =	rddreg [dreg:$0x4]  }
0x28b: {  	s0 =	sadd.s32 @!p0 $0x100000, s0  }
0x28c: {  	[sflag:s0] =	ssyncadd.tile.s32 @!p0 $0x1;
	_ =	shalt  }
.Lfunc_end2:
_tile_overlayer_lowered:
.L_overlay_start_2:
0x28d: {  	(tag) =	ssettag $0x2  }
0x28e: {  	s0 =	rddreg [dreg:$0x0];
	s2 =	stileid.u32  }
0x28f: {  	s1 =	rddreg [dreg:$0x1];
	p0 =	sne.s32 s2, $0x0  }
0x290: {  	s3 =	rddreg [dreg:$0x2];
	[bflag:$0x3] =	sbarrier.arrive $0xFFFF;
	s2 =	simm.s32 @!p0 $0x1C03  }
0x291: {  	[timem:s3], [sflag:s2] =	dma.local @!p0 [hbm:s0], s1  }
0x292: {  	s0 =	simm.s32 @!p0 $0x3  }
0x293: {  	_ =	swait.ge @!p0 [sflag:s0], s1  }
0x294: {  	s1 =	ssub.s32 @!p0 $0x0, s1;
	[sflag:s0] =	ssyncset.done @!p0 $0x0  }
0x295: {  	[sflag:s0] =	ssyncadd.s32 @!p0 s1  }
0x296: {  	[bflag:$0x3] =	sbarrier.arrive $0xFFFF  }
0x297: {  	_ =	shalt  }

// kernel: kernel.9.cloned.1.call-start
scs
__scs_entry_jumppad:
0x0: {  	(pc) =	sbr.rel $0x88, $3  }
0x1: {  	(tag) =	ssettag $0x0;
	lr =	simm.s32 $0x1  }
0x2: {  	[smem:$0x3F9B] =	sst lr;
	_ =	strace $0xD0000000  }
0x3: {  	_ = 	snop  }
0x4: {  	_ = 	snop  }
0x5: {  	_ = 	snop  }
0x6: {  	_ = 	snop  }
0x7: {  	_ = 	snop  }
__scs_overlays_trampoline_lowered:
0x8: {  	[smem:$0x3FAA] =	sst s0  }
0x9: {  	[smem:$0x3FAB] =	sst s1  }
0xa: {  	[smem:$0x3FAC] =	sst s2  }
0xb: {  	[smem:$0x3FAD] =	sst s3  }
0xc: {  	[smem:$0x3FAE] =	sst s4  }
0xd: {  	[smem:$0x3FAF] =	sst s5  }
0xe: {  	[smem:$0x3FB0] =	sst s6  }
0xf: {  	[smem:$0x3FB1] =	sst s7  }
0x10: {  	[smem:$0x3FB2] =	sst s8  }
0x11: {  	[smem:$0x3FB3] =	sst s9;
	s0 =	simm.s32 @!p0 $0x0  }
0x12: {  	s1 =	sld [smem:$0x3F99];
	s0 =	simm.s32 @p0 $0x1  }
0x13: {  	[smem:$0x3FB4] =	sst s0;
	s0 =	simm.s32 @!p1 $0x0  }
0x14: {  	s2 =	sld [smem:$0x3F98];
	s0 =	simm.s32 @p1 $0x1  }
0x15: {  	[smem:$0x3FB5] =	sst s0;
	s0 =	simm.s32 @!p2 $0x0  }
0x16: {  	s3 =	sld [smem:$0x3FDB];
	s0 =	simm.s32 @p2 $0x1  }
0x17: {  	s4 =	simm.s32 $0x1BF5;
	[smem:$0x3FB7] =	sst s0  }
0x18: {  	s0 =	sld [smem:$0x3F9A];
	_ =	swait.ge [sflag:s4], $0x0  }
0x19: {  	s7 =	sld [smem:$0x3F9B]  }
0x1a: {  	s8 =	sadd.s32 $0xFFFFE003, lr  }
0x1b: {  	s9 =	sadd.s32 $0xFFFFFEF7, lr;
	s5 =	simm.s32 $0xFFFFFFFF;
	p2 =	slt.u32 s8, $0xFFFFF086  }
0x1c: {  	p1 =	slt.u32 s9, $0xF7A;
	s5 =	simm.s32 @!p2 $0x0  }
0x1d: {  	s5 =	simm.s32 @p1 $0x1;
	p0 =	seq.s32 s7, s2  }
0x1e: {  	s7 =	smul.u32 @!p0 $0xF7A, s2;
	p2 =	seq.s32 @!p0 s5, $0x0  }
0x1f: {  	s9 =	smul.u32 $0xF7A, s1;
	s8 =	simm.s32 @!p0 $0x1BF5;
	p2 =	por !p2, p0  }
0x20: {  	[sflag:s8] =	ssyncset.s32 @!p0 $0xFFFFF086;
	s6 =	sadd.s32 @!p0 s3, s7;
	s7 =	simm.s32 @!p0 $0x108  }
0x21: {  	s3 =	sadd.s32 s3, s9;
	s6 =	sadd.s32 @!p0 $0x88, s6;
	s7 =	simm.s32 @p2 $0x1082  }
0x22: {  	[simem:s7], [sflag:s8] =	dma.local @!p0 [hbm:s6], $0xF7A  }
0x23: {  	s9 =	sor.u32 $0xD0000000, s2;
	s6 =	simm.s32 $0x108;
	_ =	swait.ge @!p0 [sflag:s8], $0x0  }
0x24: {  	s3 =	sadd.s32 $0x88, s3;
	s6 =	simm.s32 @!p1 $0x1082;
	[sflag:s4] =	ssyncset.s32 $0xFFFFF086  }
0x25: {  	[simem:s6], [sflag:s4] =	dma.local [hbm:s3], $0xF7A  }
0x26: {  	[smem:$0x3F9B] =	sst s1;
	(tag) =	ssettag s2;
	_ =	strace s9  }
0x27: {  	s1 =	sld [smem:$0x3FAB]  }
0x28: {  	s2 =	sld [smem:$0x3FAC]  }
0x29: {  	s4 =	sld [smem:$0x3FAE]  }
0x2a: {  	p0 =	seq.s32 s5, $0x0;
	s5 =	sld [smem:$0x3FAF]  }
0x2b: {  	s6 =	sld [smem:$0x3FB0]  }
0x2c: {  	s7 =	sld [smem:$0x3FB1]  }
0x2d: {  	s3 =	simm.s32 $0x108;
	s8 =	sld [smem:$0x3FB2]  }
0x2e: {  	s3 =	simm.s32 @!p0 $0x1082;
	s9 =	sld [smem:$0x3FB3]  }
0x2f: {  	lr =	sadd.s32 s0, s3;
	s0 =	sld [smem:$0x3FAA]  }
0x30: {  	s3 =	sld [smem:$0x3FAD]  }
0x31: {  	[smem:$0x3FB6] =	sst s10  }
0x32: {  	s10 =	sld [smem:$0x3FB4];
	_ =	sdelay $0x3  }
0x33: {  	p0 =	seq.s32 s10, $0x1;
	s10 =	sld [smem:$0x3FB6];
	_ =	sdelay $0x3  }
0x34: {  	[smem:$0x3FB6] =	sst s10  }
0x35: {  	s10 =	sld [smem:$0x3FB5];
	_ =	sdelay $0x3  }
0x36: {  	p1 =	seq.s32 s10, $0x1;
	s10 =	sld [smem:$0x3FB6];
	_ =	sdelay $0x3  }
0x37: {  	[smem:$0x3FB6] =	sst s10  }
0x38: {  	s10 =	sld [smem:$0x3FB7]  }
0x39: {  	_ = 	snop;
	(pc) =	sbr.ind lr, $3  }
0x3a: {  	_ = 	snop  }
0x3b: {  	_ = 	snop  }
0x3c: {  	p2 =	seq.s32 s10, $0x1;
	s10 =	sld [smem:$0x3FB6]  }
0x3d: {  	_ =	shalt  }
0x3e: {  	_ =	shalt  }
0x3f: {  	_ =	shalt  }
0x40: {  	_ =	shalt  }
0x41: {  	_ =	shalt  }
0x42: {  	_ =	shalt  }
0x43: {  	_ =	shalt  }
0x44: {  	_ =	shalt  }
0x45: {  	_ =	shalt  }
0x46: {  	_ =	shalt  }
0x47: {  	_ =	shalt  }
0x48: {  	_ =	shalt  }
0x49: {  	_ =	shalt  }
0x4a: {  	_ =	shalt  }
0x4b: {  	_ =	shalt  }
0x4c: {  	_ =	shalt  }
0x4d: {  	_ =	shalt  }
0x4e: {  	_ =	shalt  }
0x4f: {  	_ =	shalt  }
0x50: {  	_ =	shalt  }
0x51: {  	_ =	shalt  }
0x52: {  	_ =	shalt  }
0x53: {  	_ =	shalt  }
0x54: {  	_ =	shalt  }
0x55: {  	_ =	shalt  }
0x56: {  	_ =	shalt  }
0x57: {  	_ =	shalt  }
0x58: {  	_ =	shalt  }
0x59: {  	_ =	shalt  }
0x5a: {  	_ =	shalt  }
0x5b: {  	_ =	shalt  }
0x5c: {  	_ =	shalt  }
0x5d: {  	_ =	shalt  }
0x5e: {  	_ =	shalt  }
0x5f: {  	_ =	shalt  }
0x60: {  	_ =	shalt  }
0x61: {  	_ =	shalt  }
0x62: {  	_ =	shalt  }
0x63: {  	_ =	shalt  }
0x64: {  	_ =	shalt  }
0x65: {  	_ =	shalt  }
0x66: {  	_ =	shalt  }
0x67: {  	_ =	shalt  }
0x68: {  	_ =	shalt  }
0x69: {  	_ =	shalt  }
0x6a: {  	_ =	shalt  }
0x6b: {  	_ =	shalt  }
0x6c: {  	_ =	shalt  }
0x6d: {  	_ =	shalt  }
0x6e: {  	_ =	shalt  }
0x6f: {  	_ =	shalt  }
0x70: {  	_ =	shalt  }
0x71: {  	_ =	shalt  }
0x72: {  	_ =	shalt  }
0x73: {  	_ =	shalt  }
0x74: {  	_ =	shalt  }
0x75: {  	_ =	shalt  }
0x76: {  	_ =	shalt  }
0x77: {  	_ =	shalt  }
0x78: {  	_ =	shalt  }
0x79: {  	_ =	shalt  }
0x7a: {  	_ =	shalt  }
0x7b: {  	_ =	shalt  }
0x7c: {  	_ =	shalt  }
0x7d: {  	_ =	shalt  }
0x7e: {  	_ =	shalt  }
0x7f: {  	_ =	shalt  }
0x80: {  	_ =	shalt  }
0x81: {  	_ =	shalt  }
0x82: {  	_ =	shalt  }
0x83: {  	_ =	shalt  }
0x84: {  	_ =	shalt  }
0x85: {  	_ =	shalt  }
0x86: {  	_ =	shalt  }
0x87: {  	_ =	shalt  }
.Lfunc_end0:
.L_simem_size_0:
called_computation.1_lowered:
.L_overlay_start_0:
0x88: {  	s2 =	sld [smem:$0x3FD9]  }
0x89: {  	s3 =	sld [smem:$0x3FFE];
	_ =	sdelay $0x1  }
0x8a: {  	s1 =	srdreg.scid  }
0x8b: {  	s0 =	sand.u32 $0x1, s1  }
0x8c: {  	s17 =	sshll.u32 s0, $0xA;
	s2 =	sadd.s32 s3, s2  }
0x8d: {  	s2 =	sadd.s32 s2, s17  }
0x8e: {  	[smem:$0x3FC2] =	sst s2  }
0x8f: {  	_ = 	snop  }
0x90: {  	s2 =	sld [smem:$0x3FD0];
	(tm) =	ssettm $0x1  }
0x91: {  	s18 =	sld [smem:$0x3FFB];
	_ =	sdelay $0x3  }
0x92: {  	_ =	strace s18  }
0x93: {  	s3 =	sld [smem:$0x3FFC];
	_ =	sdelay $0x3  }
0x94: {  	_ =	strace s3  }
0x95: {  	s3 =	sld [smem:$0x3FFD];
	_ =	sdelay $0x3  }
0x96: {  	_ =	strace s3  }
0x97: {  	_ =	strace $0x8FFFFFFF  }
0x98: {  	s19 =	sld [smem:$0x3FDB];
	_ =	sdelay $0x1  }
0x99: {  	s4 =	simm.s32 $_scs_section_size  }
0x9a: {  	s5 =	simm.s32 $_size__tile_overlayer_lowered;
	s6 =	simm.s32 $_tile_overlayer_lowered  }
0x9b: {  	s22 =	simm.s32 $0x1BFF;
	s21 =	sshll.u32 s6, $0x1;
	s3 =	sadd.s32 s4, s19  }
0x9c: {  	s7 =	simm.s32 $0x0;
	s20 =	sshll.u32 s5, $0x1;
	s5 =	sadd.s32 s21, s3  }
0x9d: {  	[timem:s7], [sflag:s22] =	dma.local [hbm:s5], s20  }
0x9e: {  	_ =	swait.ge [sflag:s22], s20  }
0x9f: {  	s4 =	ssub.s32 $0x0, s20;
	[sflag:s22] =	ssyncset.done $0x0  }
0xa0: {  	[sflag:s22] =	ssyncadd.s32 s4;
	_ =	sdelay $0x1  }
0xa1: {  	s23 =	simm.s32 $0x1B8B  }
0xa2: {  	_ =	swait.ge [sflag:s23], $0x1  }
0xa3: {  	[sflag:s23] =	ssyncset.done $0x0  }
0xa4: {  	s25 =	simm.s32 $0x1B8E;
	s24 =	sld [smem:$0x3FFE];
	[sflag:s23] =	ssyncadd.s32 $0xFFFFFFFF  }
0xa5: {  	s26 =	simm.s32 $execute0_lowered;
	[smem:$0x3FD2] =	sst s25  }
0xa6: {  	s5 =	sshll.u32 s26, $0x1;
	_ =	strace $0x80000049;
	[dreg:$0x1] =	wrdreg $0xFFFFFFFF  }
0xa7: {  	s28 =	simm.s32 $_size_execute0_lowered;
	s3 =	sadd.s32 s3, s5;
	[dreg:$0x0] =	wrdreg $0x0  }
0xa8: {  	s5 =	sshll.u32 s28, $0x1;
	[dreg:$0x2] =	wrdreg s3  }
0xa9: {  	[dreg:$0x3] =	wrdreg s5  }
0xaa: {  	[dreg:$0x4] =	wrdreg $0xC0  }
0xab: {  	_ =	task [dreg:s7], $0x5FFFF  }
0xac: {  	[dreg:$0x1] =	wrdreg $0xFFFFFFFF  }
0xad: {  	[dreg:$0x0] =	wrdreg $0x60  }
0xae: {  	[dreg:$0x2] =	wrdreg s2  }
0xaf: {  	[dreg:$0x3] =	wrdreg s24  }
0xb0: {  	[dreg:$0x4] =	wrdreg $0x0  }
0xb1: {  	[dreg:$0x5] =	wrdreg $0x9  }
0xb2: {  	_ =	task.clear_ibuf [dreg:s7], $0x6FFFF;
	_ =	strace $0x90000049  }
0xb3: {  	s29 =	simm.s32 $0x9;
	_ =	strace $0x8000004B  }
0xb4: {  	_ =	swait.ge [sflag:s29], $0x1  }
0xb5: {  	[sflag:s29] =	ssyncadd.s32 $0xFFFFFFFF  }
0xb6: {  	_ =	strace $0x9000004B  }
0xb7: {  	_ =	sfence  }
0xb8: {  	s30 =	sld [smem:$0x0];
	_ =	sdelay $0x2  }
0xb9: {  	s31 =	sshll.u32 s1, $0xD;
	s1 =	sshrl.u32 s1, $0x2  }
0xba: {  	s3 =	sand.u32 $0x4000, s31;
	s1 =	sadd.s32 s1, s30  }
0xbb: {  	s0 =	sor.u32 s3, s0;
	s1 =	sshll.u32 s1, $0x11  }
0xbc: {  	s0 =	sor.u32 s1, s0  }
0xbd: {  	s0 =	sadd.s32 $0x8F2B, s0  }
0xbe: {  	[sflag:s0] =	ssyncadd.remote.s32 $0x1  }
0xbf: {  	_ =	sfence.sel $0xFFFF  }
0xc0: {  	[dreg:$0x0] =	wrdreg $0xFFFFFFFF;
	(pc) =	sbr.abs _section_cstart, $3  }
0xc1: {  	[dreg:$0x1] =	wrdreg $0xFFFFFFFF  }
0xc2: {  	_ =	task.clear_ibuf [dreg:s7], $0x2FFFF;
	_ =	strace $0x9FFFFFFF  }
0xc3: {  	(tm) =	ssettm $0x7FFFFFFF  }
tec
execute0_lowered:
.L_overlay_start_1:
0x0: {  	(tag) =	ssettag $0x1  }
0x1: {  	s1 =	rddreg [dreg:$0x0]  }
0x2: {  	s0 =	rddreg [dreg:$0x1]  }
0x3: {  	s3 =	rddreg [dreg:$0x2]  }
0x4: {  	s5 =	srdreg.scid;
	s2 =	stileid.u32  }
0x5: {  	s4 =	simm.s32 $0x0;
	s23 =	simm.s32 $0x3;
	s28 =	simm.s32 $0x2  }
0x6: {  	s29 =	simm.s32 $0x17880;
	s30 =	simm.s32 $0x1A080;
	s31 =	simm.s32 $0x0  }
0x7: {  	s5 =	sand.u32 $0x1, s5;
	s6 =	sshll.u32 s2, $0x1;
	s25 =	smul.u32 $0x4E000, s2  }
0x8: {  	[smem:$0x7FF] =	sst s4;
	s18 =	sadd.s32 $0x12A00, s0;
	s8 =	smul.u32 $0x2700, s2  }
0x9: {  	s20 =	sadd.s32 $0x124800, s3;
	p0 =	seq.s32 s2, $0xF;
	s17 =	sor.u32 s5, s6  }
0xa: {  	_ =	strace $0x8000004A;
	s5 =	ssub.s32 $0x2, s5;
	s20 =	sshrl.u32 @p0 s20, $0x3  }
0xb: {  	s6 =	sshll.u32 s17, $0x9;
	s7 =	sshrl.u32 s5, $0x1;
	s9 =	smul.u32 $0x2800, s17  }
0xc: {  	s26 =	sshrl.u32 s25, $0x2;
	s12 =	smul.u32 $0x500, s17;
	p1 =	sgt.u32 s17, $0x1C  }
0xd: {  	s10 =	sadd.s32 s6, s0;
	s0 =	sadd.s32 $0x39C00, s0;
	s19 =	ssub.s32 s5, s7  }
0xe: {  	s21 =	sadd.s32 s26, s3;
	s5 =	sadd.s32 s1, s8;
	s6 =	sadd.s32 $0x24900, s1  }
0xf: {  	s26 =	simm.s32 $0x1;
	s7 =	sadd.s32 $0x3000, s10;
	s8 =	sadd.s32 $0x7000, s10  }
0x10: {  	s15 =	sshrl.u32 s9, $0x3;
	s9 =	sadd.s32 $0xB000, s10;
	s10 =	sadd.s32 $0xF000, s10  }
.Ltmp0:
0x11: {  	s11 =	sadd.s32 s18, s12;
	s12 =	sadd.s32 s0, s12;
	(pc) =	sbr.rel .LBB2_1-.Ltmp0, $4  }
0x12: {  	s19 =	smax.u32 s19, $0x1;
	s21 =	sshrl.u32 @!p0 s21, $0x3;
	s14 =	sadd.s32 $0xA000, s15  }
0x13: {  	s16 =	sadd.s32 $0x14000, s15;
	s22 =	sadd.s32 $0x1E000, s15;
	s13 =	sadd.s32 s18, s14  }
0x14: {  	s14 =	sadd.s32 s0, s14;
	s15 =	sadd.s32 s18, s16;
	s18 =	sadd.s32 s18, s22  }
0x15: {  	v0 =	vimm.f32 $0.0e+00;
	s16 =	sadd.s32 s0, s16;
	[dreg:$0x4] =	wrdreg s18;
	s18 =	sadd.s32 s0, s22  }
.LBB2_18:
0x16: {  	[tilespmem:s17], [sflag:$0x1] =	stream.indirect.gather.add.f32 @!p2 [spmem:s3], $0x80, s22, s25, $0xb8;
	[tilespmem:$0x1C880] =	vst v63  }
0x17: {  	_ =	swait.ge [sflag:s26], $0x2800  }
0x18: {  	[sflag:s26] =	ssyncset.done $0x0  }
0x19: {  	[sflag:s26] =	ssyncadd.s32 $0xFFFFD800  }
0x1a: {  	_ =	swait.ge [sflag:s26], $0x2800  }
0x1b: {  	[sflag:s26] =	ssyncset.done $0x0  }
0x1c: {  	[sflag:s26] =	ssyncadd.s32 $0xFFFFD800  }
0x1d: {  	_ =	swait.ge [sflag:s26], $0x2800  }
0x1e: {  	[sflag:s26] =	ssyncset.done $0x0  }
0x1f: {  	[sflag:s26] =	ssyncadd.s32 $0xFFFFD800  }
0x20: {  	_ =	swait.ge [sflag:s26], $0x2800  }
0x21: {  	[sflag:s26] =	ssyncset.done $0x0  }
0x22: {  	[sflag:s26] =	ssyncadd.s32 $0xFFFFD800  }
0x23: {  	_ =	swait.ge [sflag:s26], $0x2800  }
0x24: {  	[sflag:s26] =	ssyncset.done $0x0  }
0x25: {  	[sflag:s26] =	ssyncadd.s32 $0xFFFFD800  }
0x26: {  	_ =	swait.ge [sflag:s26], $0x2800  }
0x27: {  	[sflag:s26] =	ssyncset.done $0x0  }
0x28: {  	[sflag:s26] =	ssyncadd.s32 $0xFFFFD800  }
0x29: {  	_ =	swait.ge [sflag:s26], $0x2800  }
0x2a: {  	[sflag:s26] =	ssyncset.done $0x0  }
0x2b: {  	[sflag:s26] =	ssyncadd.s32 $0xFFFFD800  }
0x2c: {  	_ =	swait.ge [sflag:s26], $0x2800  }
0x2d: {  	[sflag:s26] =	ssyncset.done $0x0  }
0x2e: {  	[sflag:s26] =	ssyncadd.s32 $0xFFFFD800  }
0x2f: {  	_ =	swait.ge [sflag:s26], $0x2800  }
0x30: {  	[sflag:s26] =	ssyncset.done $0x0  }
0x31: {  	[sflag:s26] =	ssyncadd.s32 $0xFFFFD800  }
0x32: {  	_ =	swait.ge [sflag:s26], $0x2800  }
0x33: {  	[sflag:s26] =	ssyncset.done $0x0  }
0x34: {  	[sflag:s26] =	ssyncadd.s32 $0xFFFFD800  }
0x35: {  	_ =	swait.ge [sflag:s26], $0x2800  }
0x36: {  	[sflag:s26] =	ssyncset.done $0x0  }
0x37: {  	[sflag:s26] =	ssyncadd.s32 $0xFFFFD800  }
0x38: {  	_ =	swait.ge [sflag:s26], $0x2800  }
0x39: {  	[sflag:s26] =	ssyncset.done $0x0  }
0x3a: {  	[sflag:s26] =	ssyncadd.s32 $0xFFFFD800  }
0x3b: {  	_ =	swait.ge [sflag:s26], $0x2800  }
0x3c: {  	[sflag:s26] =	ssyncset.done $0x0  }
0x3d: {  	[sflag:s26] =	ssyncadd.s32 $0xFFFFD800  }
0x3e: {  	_ =	swait.ge [sflag:s26], $0x2800  }
0x3f: {  	[sflag:s26] =	ssyncset.done $0x0  }
0x40: {  	[sflag:s26] =	ssyncadd.s32 $0xFFFFD800  }
0x41: {  	_ =	swait.ge [sflag:s26], $0x2800  }
0x42: {  	[sflag:s26] =	ssyncset.done $0x0  }
0x43: {  	[sflag:s26] =	ssyncadd.s32 $0xFFFFD800  }
0x44: {  	_ =	swait.ge [sflag:s26], $0x2800  }
0x45: {  	[sflag:s26] =	ssyncset.done $0x0  }
0x46: {  	[sflag:s26] =	ssyncadd.s32 $0xFFFFD800  }
0x47: {  	_ =	swait.ge [sflag:s26], $0x2800  }
0x48: {  	[sflag:s26] =	ssyncset.done $0x0  }
0x49: {  	[sflag:s26] =	ssyncadd.s32 $0xFFFFD800  }
0x4a: {  	_ =	swait.ge [sflag:s26], $0x2800  }
0x4b: {  	[sflag:s26] =	ssyncset.done $0x0  }
0x4c: {  	[sflag:s26] =	ssyncadd.s32 $0xFFFFD800  }
0x4d: {  	_ =	swait.ge [sflag:s26], $0x2800  }
0x4e: {  	[sflag:s26] =	ssyncset.done $0x0  }
0x4f: {  	[sflag:s26] =	ssyncadd.s32 $0xFFFFD800  }
0x50: {  	_ =	swait.ge [sflag:s26], $0x2800  }
0x51: {  	[sflag:s26] =	ssyncset.done $0x0  }
0x52: {  	[sflag:s26] =	ssyncadd.s32 $0xFFFFD800  }
0x53: {  	_ =	swait.ge [sflag:s28], $0x2800  }
0x54: {  	[sflag:s28] =	ssyncset.done $0x0  }
0x55: {  	[sflag:s28] =	ssyncadd.s32 $0xFFFFD800  }
0x56: {  	_ =	swait.ge [sflag:s28], $0x2800  }
0x57: {  	[sflag:s28] =	ssyncset.done $0x0  }
0x58: {  	[sflag:s28] =	ssyncadd.s32 $0xFFFFD800  }
0x59: {  	_ =	swait.ge [sflag:s28], $0x2800  }
0x5a: {  	[sflag:s28] =	ssyncset.done $0x0  }
0x5b: {  	[sflag:s28] =	ssyncadd.s32 $0xFFFFD800  }
0x5c: {  	_ =	swait.ge [sflag:s28], $0x2800  }
0x5d: {  	[sflag:s28] =	ssyncset.done $0x0  }
0x5e: {  	[sflag:s28] =	ssyncadd.s32 $0xFFFFD800  }
0x5f: {  	_ =	swait.ge [sflag:s28], $0x2800  }
0x60: {  	[sflag:s28] =	ssyncset.done $0x0  }
0x61: {  	[sflag:s28] =	ssyncadd.s32 $0xFFFFD800  }
0x62: {  	_ =	swait.ge [sflag:s28], $0x2800  }
0x63: {  	[sflag:s28] =	ssyncset.done $0x0  }
0x64: {  	[sflag:s28] =	ssyncadd.s32 $0xFFFFD800  }
0x65: {  	_ =	swait.ge [sflag:s28], $0x2800  }
0x66: {  	[sflag:s28] =	ssyncset.done $0x0  }
0x67: {  	[sflag:s28] =	ssyncadd.s32 $0xFFFFD800  }
0x68: {  	_ =	swait.ge [sflag:s28], $0x2800  }
0x69: {  	[sflag:s28] =	ssyncset.done $0x0  }
0x6a: {  	[sflag:s28] =	ssyncadd.s32 $0xFFFFD800  }
0x6b: {  	_ =	swait.ge [sflag:s28], $0x2800  }
0x6c: {  	[sflag:s28] =	ssyncset.done $0x0  }
0x6d: {  	[sflag:s28] =	ssyncadd.s32 $0xFFFFD800  }
0x6e: {  	_ =	swait.ge [sflag:s28], $0x2800  }
0x6f: {  	[sflag:s28] =	ssyncset.done $0x0  }
0x70: {  	[sflag:s28] =	ssyncadd.s32 $0xFFFFD800  }
0x71: {  	_ =	swait.ge [sflag:s28], $0x2800  }
0x72: {  	[sflag:s28] =	ssyncset.done $0x0  }
0x73: {  	[sflag:s28] =	ssyncadd.s32 $0xFFFFD800  }
0x74: {  	_ =	swait.ge [sflag:s28], $0x2800  }
0x75: {  	[sflag:s28] =	ssyncset.done $0x0  }
0x76: {  	s0 =	rddreg [dreg:$0x4];
	[sflag:s28] =	ssyncadd.s32 $0xFFFFD800  }
0x77: {  	[hbm4b:s0+s4] =	stream.linear.scatter [tilespmem:s29], [sflag:$0x3], $0x2800, $0x38;
	[tilespmem:$0x1C880] =	vst v63  }
0x78: {  	_ =	swait.ge [sflag:s23], $0x2800  }
0x79: {  	[sflag:s23] =	ssyncset.done $0x0  }
0x7a: {  	[sflag:s23] =	ssyncadd.s32 $0xFFFFD800  }
0x7b: {  	[hbm4b:s18+s4] =	stream.linear.scatter [tilespmem:s30], [sflag:$0x3], $0x2800, $0x38;
	[tilespmem:$0x1C880] =	vst v63  }
0x7c: {  	_ =	swait.ge [sflag:s23], $0x2800  }
0x7d: {  	[sflag:s23] =	ssyncset.done $0x0  }
0x7e: {  	[sflag:s23] =	ssyncadd.s32 $0xFFFFD800  }
.LBB2_19:
0x7f: {  	s31 =	sadd.s32 $0x1, s31  }
0x80: {  	p2 =	sne.s32 s31, s19  }
.Ltmp1:
0x81: {  	_ = 	snop;
	(pc) =	sbr.rel @!p2 .LBB2_20-.Ltmp1, $1  }
0x82: {  	_ =	sdelay $0x3  }
.LBB2_1:
0x83: {  	s0 =	simm.s32 @p0 $0x1FC3  }
0x84: {  	[spmem:s20], [sflag:s0] =	dma.local @p0 [hbm:s6], $0x2800  }
0x85: {  	s0 =	simm.s32 @p0 $0x3  }
0x86: {  	_ =	swait.ge @p0 [sflag:s0], $0x2800  }
0x87: {  	s17 =	sshll.u32 @!p0 s2, $0x6;
	[sflag:s0] =	ssyncset.done @p0 $0x0  }
0x88: {  	[sflag:s0] =	ssyncadd.s32 @p0 $0xFFFFD800;
	s0 =	sor.u32 @!p0 $0x1C03, s17  }
0x89: {  	[spmem:s21], [sflag:s0] =	dma.local @!p0 [hbm:s5], $0x2700  }
0x8a: {  	s0 =	simm.s32 @!p0 $0x3  }
0x8b: {  	_ =	swait.ge @!p0 [sflag:s0], $0x2700  }
0x8c: {  	[sflag:s0] =	ssyncset.done @!p0 $0x0  }
0x8d: {  	s22 =	simm.s32 $0x13880;
	[sflag:s0] =	ssyncadd.s32 @!p0 $0xFFFFD900  }
0x8e: {  	[tilespmem:s22], [sflag:$0x3] =	stream.linear.gather [hbm4b:s7+s4], $0x1000, $0x38;
	[tilespmem:$0x1C880] =	vst v63  }
0x8f: {  	_ =	swait.ge [sflag:s23], $0x1000  }
0x90: {  	[sflag:s23] =	ssyncset.done $0x0  }
0x91: {  	s24 =	simm.s32 $0x14880;
	[sflag:s23] =	ssyncadd.s32 $0xFFFFF000  }
0x92: {  	[tilespmem:s24], [sflag:$0x3] =	stream.linear.gather [hbm4b:s8+s4], $0x1000, $0x38;
	[tilespmem:$0x1C880] =	vst v63  }
0x93: {  	_ =	swait.ge [sflag:s23], $0x1000  }
0x94: {  	[sflag:s23] =	ssyncset.done $0x0  }
0x95: {  	s25 =	simm.s32 $0x15880;
	[sflag:s23] =	ssyncadd.s32 $0xFFFFF000  }
0x96: {  	[tilespmem:s25], [sflag:$0x3] =	stream.linear.gather [hbm4b:s9+s4], $0x1000, $0x38;
	[tilespmem:$0x1C880] =	vst v63  }
0x97: {  	_ =	swait.ge [sflag:s23], $0x1000  }
0x98: {  	[sflag:s23] =	ssyncset.done $0x0  }
0x99: {  	s17 =	simm.s32 @!p1 $0x16880;
	s0 =	simm.s32 @!p1 $0x0;
	[sflag:s23] =	ssyncadd.s32 $0xFFFFF000  }
0x9a: {  	[tilespmem:s17], [sflag:$0x3] =	stream.linear.gather @!p1 [hbm4b:s10+s0], $0x1000, $0x38;
	[tilespmem:$0x1C880] =	vst v63  }
0x9b: {  	s0 =	simm.s32 @!p1 $0x3  }
0x9c: {  	_ =	swait.ge @!p1 [sflag:s0], $0x1000  }
0x9d: {  	[sflag:s0] =	ssyncset.done @!p1 $0x0  }
0x9e: {  	[sflag:s0] =	ssyncadd.s32 @!p1 $0xFFFFF000  }
0x9f: {  	s22 =	simm.s32 $0x200;
	s0 =	simm.s32 $0x0;
	[bflag:$0x0] =	sbarrier.arrive $0xFFFF  }
.LBB2_2:
0xa0: {  	p2 =	sne.s32 s22, $0x9E00;
	[tilespmem:s0+$0x1A0F0] =	vst v0  }
0xa1: {  	[tilespmem:s0+$0x17880] =	vst v0  }
0xa2: {  	[tilespmem:s0+$0x1A080] =	vst v0  }
0xa3: {  	[tilespmem:s0+$0x17890] =	vst v0  }
0xa4: {  	[tilespmem:s0+$0x1A090] =	vst v0  }
0xa5: {  	[tilespmem:s0+$0x178A0] =	vst v0  }
0xa6: {  	[tilespmem:s0+$0x1A0A0] =	vst v0  }
0xa7: {  	[tilespmem:s0+$0x178B0] =	vst v0  }
0xa8: {  	[tilespmem:s0+$0x1A0B0] =	vst v0  }
0xa9: {  	[tilespmem:s0+$0x178C0] =	vst v0  }
0xaa: {  	[tilespmem:s0+$0x1A0C0] =	vst v0  }
.Ltmp2:
0xab: {  	[tilespmem:s0+$0x178D0] =	vst v0;
	(pc) =	sbr.rel @p2 .LBB2_2-.Ltmp2, $4  }
0xac: {  	[tilespmem:s0+$0x1A0D0] =	vst v0  }
0xad: {  	[tilespmem:s0+$0x178E0] =	vst v0  }
0xae: {  	[tilespmem:s0+$0x1A0E0] =	vst v0  }
0xaf: {  	[tilespmem:s0+$0x178F0] =	vst v0;
	s0 =	sshra.s32 s22, $0x2;
	s22 =	sadd.s32 $0x200, s22  }
0xb0: {  	[tilespmem:s0+$0x1A0F0] =	vst v0  }
0xb1: {  	[tilespmem:s0+$0x17880] =	vst v0  }
0xb2: {  	[tilespmem:s0+$0x1A080] =	vst v0  }
0xb3: {  	[tilespmem:s0+$0x17890] =	vst v0  }
0xb4: {  	[tilespmem:s0+$0x1A090] =	vst v0  }
0xb5: {  	[tilespmem:s0+$0x178A0] =	vst v0  }
0xb6: {  	[tilespmem:s0+$0x1A0A0] =	vst v0  }
0xb7: {  	[tilespmem:s0+$0x178B0] =	vst v0  }
0xb8: {  	[tilespmem:s0+$0x1A0B0] =	vst v0  }
0xb9: {  	[tilespmem:s0+$0x178C0] =	vst v0  }
0xba: {  	[tilespmem:s0+$0x1A0C0] =	vst v0  }
0xbb: {  	[tilespmem:s0+$0x178D0] =	vst v0  }
0xbc: {  	[tilespmem:s0+$0x1A0D0] =	vst v0  }
0xbd: {  	[tilespmem:s0+$0x178E0] =	vst v0  }
0xbe: {  	[tilespmem:s0+$0x1A0E0] =	vst v0;
	p2 =	por $0x0, $0x0;
	s22 =	simm.s32 $0x13880  }
0xbf: {  	[tilespmem:s0+$0x178F0] =	vst v0;
	s24 =	simm.s32 $0x13900;
	s0 =	simm.s32 @p2 $0x50;
	s17 =	simm.s32 @p2 $0x1A080  }
0xc0: {  	[tilespmem:s17], [sflag:$0x2] =	stream.indirect.gather.add.f32 @p2 [hbm:s1], $0x80, s22, s0, $0xb8;
	[tilespmem:$0x1C880] =	vst v63  }
0xc1: {  	s25 =	simm.s32 @!p2 $0x50;
	s0 =	simm.s32 $0x1;
	s17 =	simm.s32 @!p2 $0x17880  }
.LBB2_4:
0xc2: {  	[tilespmem:s17], [sflag:$0x1] =	stream.indirect.gather.add.f32 @!p2 [spmem:s3], $0x80, s22, s25, $0xb8;
	[tilespmem:$0x1C880] =	vst v63  }
0xc3: {  	s17 =	smov.u32 s0;
	s0 =	sadd.s32 $0x1, s0  }
0xc4: {  	p3 =	sne.s32 s0, $0x20  }
.Ltmp3:
0xc5: {  	(pc) =	sbr.rel @p3 .LBB2_4-.Ltmp3, $4  }
0xc6: {  	s22 =	smov.u32 s24;
	p2 =	sgt.u32 s17, $0x13  }
0xc7: {  	s17 =	simm.s32 @p2 $0x50;
	s25 =	simm.s32 @p2 $0x1A080  }
0xc8: {  	[tilespmem:s25], [sflag:$0x2] =	stream.indirect.gather.add.f32 @p2 [hbm:s1], $0x80, s24, s17, $0xb8;
	[tilespmem:$0x1C880] =	vst v63  }
0xc9: {  	s25 =	simm.s32 @!p2 $0x50;
	s17 =	simm.s32 @!p2 $0x17880;
	s24 =	sadd.s32 $0x80, s24  }
0xca: {  	[tilespmem:s17], [sflag:$0x1] =	stream.indirect.gather.add.f32 @!p2 [spmem:s3], $0x80, s22, s25, $0xb8;
	[tilespmem:$0x1C880] =	vst v63  }
0xcb: {  	_ =	swait.ge [sflag:s26], $0x2800  }
0xcc: {  	[sflag:s26] =	ssyncset.done $0x0  }
0xcd: {  	[sflag:s26] =	ssyncadd.s32 $0xFFFFD800  }
0xce: {  	_ =	swait.ge [sflag:s26], $0x2800  }
0xcf: {  	[sflag:s26] =	ssyncset.done $0x0  }
0xd0: {  	[sflag:s26] =	ssyncadd.s32 $0xFFFFD800  }
0xd1: {  	_ =	swait.ge [sflag:s26], $0x2800  }
0xd2: {  	[sflag:s26] =	ssyncset.done $0x0  }
0xd3: {  	[sflag:s26] =	ssyncadd.s32 $0xFFFFD800  }
0xd4: {  	_ =	swait.ge [sflag:s26], $0x2800  }
0xd5: {  	[sflag:s26] =	ssyncset.done $0x0  }
0xd6: {  	[sflag:s26] =	ssyncadd.s32 $0xFFFFD800  }
0xd7: {  	_ =	swait.ge [sflag:s26], $0x2800  }
0xd8: {  	[sflag:s26] =	ssyncset.done $0x0  }
0xd9: {  	[sflag:s26] =	ssyncadd.s32 $0xFFFFD800  }
0xda: {  	_ =	swait.ge [sflag:s26], $0x2800  }
0xdb: {  	[sflag:s26] =	ssyncset.done $0x0  }
0xdc: {  	[sflag:s26] =	ssyncadd.s32 $0xFFFFD800  }
0xdd: {  	_ =	swait.ge [sflag:s26], $0x2800  }
0xde: {  	[sflag:s26] =	ssyncset.done $0x0  }
0xdf: {  	[sflag:s26] =	ssyncadd.s32 $0xFFFFD800  }
0xe0: {  	_ =	swait.ge [sflag:s26], $0x2800  }
0xe1: {  	[sflag:s26] =	ssyncset.done $0x0  }
0xe2: {  	[sflag:s26] =	ssyncadd.s32 $0xFFFFD800  }
0xe3: {  	_ =	swait.ge [sflag:s26], $0x2800  }
0xe4: {  	[sflag:s26] =	ssyncset.done $0x0  }
0xe5: {  	[sflag:s26] =	ssyncadd.s32 $0xFFFFD800  }
0xe6: {  	_ =	swait.ge [sflag:s26], $0x2800  }
0xe7: {  	[sflag:s26] =	ssyncset.done $0x0  }
0xe8: {  	[sflag:s26] =	ssyncadd.s32 $0xFFFFD800  }
0xe9: {  	_ =	swait.ge [sflag:s26], $0x2800  }
0xea: {  	[sflag:s26] =	ssyncset.done $0x0  }
0xeb: {  	[sflag:s26] =	ssyncadd.s32 $0xFFFFD800  }
0xec: {  	_ =	swait.ge [sflag:s26], $0x2800  }
0xed: {  	[sflag:s26] =	ssyncset.done $0x0  }
0xee: {  	[sflag:s26] =	ssyncadd.s32 $0xFFFFD800  }
0xef: {  	_ =	swait.ge [sflag:s26], $0x2800  }
0xf0: {  	[sflag:s26] =	ssyncset.done $0x0  }
0xf1: {  	[sflag:s26] =	ssyncadd.s32 $0xFFFFD800  }
0xf2: {  	_ =	swait.ge [sflag:s26], $0x2800  }
0xf3: {  	[sflag:s26] =	ssyncset.done $0x0  }
0xf4: {  	[sflag:s26] =	ssyncadd.s32 $0xFFFFD800  }
0xf5: {  	_ =	swait.ge [sflag:s26], $0x2800  }
0xf6: {  	[sflag:s26] =	ssyncset.done $0x0  }
0xf7: {  	[sflag:s26] =	ssyncadd.s32 $0xFFFFD800  }
0xf8: {  	_ =	swait.ge [sflag:s26], $0x2800  }
0xf9: {  	[sflag:s26] =	ssyncset.done $0x0  }
0xfa: {  	[sflag:s26] =	ssyncadd.s32 $0xFFFFD800  }
0xfb: {  	_ =	swait.ge [sflag:s26], $0x2800  }
0xfc: {  	[sflag:s26] =	ssyncset.done $0x0  }
0xfd: {  	[sflag:s26] =	ssyncadd.s32 $0xFFFFD800  }
0xfe: {  	_ =	swait.ge [sflag:s26], $0x2800  }
0xff: {  	[sflag:s26] =	ssyncset.done $0x0  }
0x100: {  	[sflag:s26] =	ssyncadd.s32 $0xFFFFD800  }
0x101: {  	_ =	swait.ge [sflag:s26], $0x2800  }
0x102: {  	[sflag:s26] =	ssyncset.done $0x0  }
0x103: {  	[sflag:s26] =	ssyncadd.s32 $0xFFFFD800  }
0x104: {  	_ =	swait.ge [sflag:s26], $0x2800  }
0x105: {  	[sflag:s26] =	ssyncset.done $0x0  }
0x106: {  	[sflag:s26] =	ssyncadd.s32 $0xFFFFD800  }
0x107: {  	_ =	swait.ge [sflag:s28], $0x2800  }
0x108: {  	[sflag:s28] =	ssyncset.done $0x0  }
0x109: {  	[sflag:s28] =	ssyncadd.s32 $0xFFFFD800  }
0x10a: {  	_ =	swait.ge [sflag:s28], $0x2800  }
0x10b: {  	[sflag:s28] =	ssyncset.done $0x0  }
0x10c: {  	[sflag:s28] =	ssyncadd.s32 $0xFFFFD800  }
0x10d: {  	_ =	swait.ge [sflag:s28], $0x2800  }
0x10e: {  	[sflag:s28] =	ssyncset.done $0x0  }
0x10f: {  	[sflag:s28] =	ssyncadd.s32 $0xFFFFD800  }
0x110: {  	_ =	swait.ge [sflag:s28], $0x2800  }
0x111: {  	[sflag:s28] =	ssyncset.done $0x0  }
0x112: {  	[sflag:s28] =	ssyncadd.s32 $0xFFFFD800  }
0x113: {  	_ =	swait.ge [sflag:s28], $0x2800  }
0x114: {  	[sflag:s28] =	ssyncset.done $0x0  }
0x115: {  	[sflag:s28] =	ssyncadd.s32 $0xFFFFD800  }
0x116: {  	_ =	swait.ge [sflag:s28], $0x2800  }
0x117: {  	[sflag:s28] =	ssyncset.done $0x0  }
0x118: {  	[sflag:s28] =	ssyncadd.s32 $0xFFFFD800  }
0x119: {  	_ =	swait.ge [sflag:s28], $0x2800  }
0x11a: {  	[sflag:s28] =	ssyncset.done $0x0  }
0x11b: {  	[sflag:s28] =	ssyncadd.s32 $0xFFFFD800  }
0x11c: {  	_ =	swait.ge [sflag:s28], $0x2800  }
0x11d: {  	[sflag:s28] =	ssyncset.done $0x0  }
0x11e: {  	[sflag:s28] =	ssyncadd.s32 $0xFFFFD800  }
0x11f: {  	_ =	swait.ge [sflag:s28], $0x2800  }
0x120: {  	[sflag:s28] =	ssyncset.done $0x0  }
0x121: {  	[sflag:s28] =	ssyncadd.s32 $0xFFFFD800  }
0x122: {  	_ =	swait.ge [sflag:s28], $0x2800  }
0x123: {  	[sflag:s28] =	ssyncset.done $0x0  }
0x124: {  	[sflag:s28] =	ssyncadd.s32 $0xFFFFD800  }
0x125: {  	_ =	swait.ge [sflag:s28], $0x2800  }
0x126: {  	[sflag:s28] =	ssyncset.done $0x0  }
0x127: {  	[sflag:s28] =	ssyncadd.s32 $0xFFFFD800  }
0x128: {  	_ =	swait.ge [sflag:s28], $0x2800  }
0x129: {  	[sflag:s28] =	ssyncset.done $0x0  }
0x12a: {  	s0 =	simm.s32 $0x0;
	[sflag:s28] =	ssyncadd.s32 $0xFFFFD800  }
0x12b: {  	[hbm4b:s11+s0] =	stream.linear.scatter [tilespmem:s29], [sflag:$0x3], $0x2800, $0x38;
	[tilespmem:$0x1C880] =	vst v63  }
0x12c: {  	_ =	swait.ge [sflag:s23], $0x2800  }
0x12d: {  	[sflag:s23] =	ssyncset.done $0x0  }
0x12e: {  	[sflag:s23] =	ssyncadd.s32 $0xFFFFD800  }
0x12f: {  	[hbm4b:s12+s0] =	stream.linear.scatter [tilespmem:s30], [sflag:$0x3], $0x2800, $0x38;
	[tilespmem:$0x1C880] =	vst v63  }
0x130: {  	_ =	swait.ge [sflag:s23], $0x2800  }
0x131: {  	[sflag:s23] =	ssyncset.done $0x0  }
0x132: {  	s22 =	simm.s32 $0x200;
	s0 =	simm.s32 $0x0;
	[sflag:s23] =	ssyncadd.s32 $0xFFFFD800  }
.LBB2_6:
0x133: {  	p2 =	sne.s32 s22, $0x9E00;
	[tilespmem:s0+$0x1A0F0] =	vst v0  }
0x134: {  	[tilespmem:s0+$0x17880] =	vst v0  }
0x135: {  	[tilespmem:s0+$0x1A080] =	vst v0  }
0x136: {  	[tilespmem:s0+$0x17890] =	vst v0  }
0x137: {  	[tilespmem:s0+$0x1A090] =	vst v0  }
0x138: {  	[tilespmem:s0+$0x178A0] =	vst v0  }
0x139: {  	[tilespmem:s0+$0x1A0A0] =	vst v0  }
0x13a: {  	[tilespmem:s0+$0x178B0] =	vst v0  }
0x13b: {  	[tilespmem:s0+$0x1A0B0] =	vst v0  }
0x13c: {  	[tilespmem:s0+$0x178C0] =	vst v0  }
0x13d: {  	[tilespmem:s0+$0x1A0C0] =	vst v0  }
.Ltmp4:
0x13e: {  	[tilespmem:s0+$0x178D0] =	vst v0;
	(pc) =	sbr.rel @p2 .LBB2_6-.Ltmp4, $4  }
0x13f: {  	[tilespmem:s0+$0x1A0D0] =	vst v0  }
0x140: {  	[tilespmem:s0+$0x178E0] =	vst v0  }
0x141: {  	[tilespmem:s0+$0x1A0E0] =	vst v0  }
0x142: {  	[tilespmem:s0+$0x178F0] =	vst v0;
	s0 =	sshra.s32 s22, $0x2;
	s22 =	sadd.s32 $0x200, s22  }
0x143: {  	[tilespmem:s0+$0x1A0F0] =	vst v0  }
0x144: {  	[tilespmem:s0+$0x17880] =	vst v0  }
0x145: {  	[tilespmem:s0+$0x1A080] =	vst v0  }
0x146: {  	[tilespmem:s0+$0x17890] =	vst v0  }
0x147: {  	[tilespmem:s0+$0x1A090] =	vst v0  }
0x148: {  	[tilespmem:s0+$0x178A0] =	vst v0  }
0x149: {  	[tilespmem:s0+$0x1A0A0] =	vst v0  }
0x14a: {  	[tilespmem:s0+$0x178B0] =	vst v0  }
0x14b: {  	[tilespmem:s0+$0x1A0B0] =	vst v0  }
0x14c: {  	[tilespmem:s0+$0x178C0] =	vst v0  }
0x14d: {  	[tilespmem:s0+$0x1A0C0] =	vst v0  }
0x14e: {  	[tilespmem:s0+$0x178D0] =	vst v0  }
0x14f: {  	[tilespmem:s0+$0x1A0D0] =	vst v0  }
0x150: {  	[tilespmem:s0+$0x178E0] =	vst v0  }
0x151: {  	[tilespmem:s0+$0x1A0E0] =	vst v0;
	p2 =	por $0x0, $0x0;
	s22 =	simm.s32 $0x14880  }
0x152: {  	[tilespmem:s0+$0x178F0] =	vst v0;
	s24 =	simm.s32 $0x14900;
	s0 =	simm.s32 @p2 $0x50;
	s17 =	simm.s32 @p2 $0x1A080  }
0x153: {  	[tilespmem:s17], [sflag:$0x2] =	stream.indirect.gather.add.f32 @p2 [hbm:s1], $0x80, s22, s0, $0xb8;
	[tilespmem:$0x1C880] =	vst v63  }
0x154: {  	s25 =	simm.s32 @!p2 $0x50;
	s0 =	simm.s32 $0x1;
	s17 =	simm.s32 @!p2 $0x17880  }
.LBB2_8:
0x155: {  	[tilespmem:s17], [sflag:$0x1] =	stream.indirect.gather.add.f32 @!p2 [spmem:s3], $0x80, s22, s25, $0xb8;
	[tilespmem:$0x1C880] =	vst v63  }
0x156: {  	s17 =	smov.u32 s0;
	s0 =	sadd.s32 $0x1, s0  }
0x157: {  	p3 =	sne.s32 s0, $0x20  }
.Ltmp5:
0x158: {  	(pc) =	sbr.rel @p3 .LBB2_8-.Ltmp5, $4  }
0x159: {  	s22 =	smov.u32 s24;
	p2 =	sgt.u32 s17, $0x13  }
0x15a: {  	s17 =	simm.s32 @p2 $0x50;
	s25 =	simm.s32 @p2 $0x1A080  }
0x15b: {  	[tilespmem:s25], [sflag:$0x2] =	stream.indirect.gather.add.f32 @p2 [hbm:s1], $0x80, s24, s17, $0xb8;
	[tilespmem:$0x1C880] =	vst v63  }
0x15c: {  	s25 =	simm.s32 @!p2 $0x50;
	s17 =	simm.s32 @!p2 $0x17880;
	s24 =	sadd.s32 $0x80, s24  }
0x15d: {  	[tilespmem:s17], [sflag:$0x1] =	stream.indirect.gather.add.f32 @!p2 [spmem:s3], $0x80, s22, s25, $0xb8;
	[tilespmem:$0x1C880] =	vst v63  }
0x15e: {  	_ =	swait.ge [sflag:s26], $0x2800  }
0x15f: {  	[sflag:s26] =	ssyncset.done $0x0  }
0x160: {  	[sflag:s26] =	ssyncadd.s32 $0xFFFFD800  }
0x161: {  	_ =	swait.ge [sflag:s26], $0x2800  }
0x162: {  	[sflag:s26] =	ssyncset.done $0x0  }
0x163: {  	[sflag:s26] =	ssyncadd.s32 $0xFFFFD800  }
0x164: {  	_ =	swait.ge [sflag:s26], $0x2800  }
0x165: {  	[sflag:s26] =	ssyncset.done $0x0  }
0x166: {  	[sflag:s26] =	ssyncadd.s32 $0xFFFFD800  }
0x167: {  	_ =	swait.ge [sflag:s26], $0x2800  }
0x168: {  	[sflag:s26] =	ssyncset.done $0x0  }
0x169: {  	[sflag:s26] =	ssyncadd.s32 $0xFFFFD800  }
0x16a: {  	_ =	swait.ge [sflag:s26], $0x2800  }
0x16b: {  	[sflag:s26] =	ssyncset.done $0x0  }
0x16c: {  	[sflag:s26] =	ssyncadd.s32 $0xFFFFD800  }
0x16d: {  	_ =	swait.ge [sflag:s26], $0x2800  }
0x16e: {  	[sflag:s26] =	ssyncset.done $0x0  }
0x16f: {  	[sflag:s26] =	ssyncadd.s32 $0xFFFFD800  }
0x170: {  	_ =	swait.ge [sflag:s26], $0x2800  }
0x171: {  	[sflag:s26] =	ssyncset.done $0x0  }
0x172: {  	[sflag:s26] =	ssyncadd.s32 $0xFFFFD800  }
0x173: {  	_ =	swait.ge [sflag:s26], $0x2800  }
0x174: {  	[sflag:s26] =	ssyncset.done $0x0  }
0x175: {  	[sflag:s26] =	ssyncadd.s32 $0xFFFFD800  }
0x176: {  	_ =	swait.ge [sflag:s26], $0x2800  }
0x177: {  	[sflag:s26] =	ssyncset.done $0x0  }
0x178: {  	[sflag:s26] =	ssyncadd.s32 $0xFFFFD800  }
0x179: {  	_ =	swait.ge [sflag:s26], $0x2800  }
0x17a: {  	[sflag:s26] =	ssyncset.done $0x0  }
0x17b: {  	[sflag:s26] =	ssyncadd.s32 $0xFFFFD800  }
0x17c: {  	_ =	swait.ge [sflag:s26], $0x2800  }
0x17d: {  	[sflag:s26] =	ssyncset.done $0x0  }
0x17e: {  	[sflag:s26] =	ssyncadd.s32 $0xFFFFD800  }
0x17f: {  	_ =	swait.ge [sflag:s26], $0x2800  }
0x180: {  	[sflag:s26] =	ssyncset.done $0x0  }
0x181: {  	[sflag:s26] =	ssyncadd.s32 $0xFFFFD800  }
0x182: {  	_ =	swait.ge [sflag:s26], $0x2800  }
0x183: {  	[sflag:s26] =	ssyncset.done $0x0  }
0x184: {  	[sflag:s26] =	ssyncadd.s32 $0xFFFFD800  }
0x185: {  	_ =	swait.ge [sflag:s26], $0x2800  }
0x186: {  	[sflag:s26] =	ssyncset.done $0x0  }
0x187: {  	[sflag:s26] =	ssyncadd.s32 $0xFFFFD800  }
0x188: {  	_ =	swait.ge [sflag:s26], $0x2800  }
0x189: {  	[sflag:s26] =	ssyncset.done $0x0  }
0x18a: {  	[sflag:s26] =	ssyncadd.s32 $0xFFFFD800  }
0x18b: {  	_ =	swait.ge [sflag:s26], $0x2800  }
0x18c: {  	[sflag:s26] =	ssyncset.done $0x0  }
0x18d: {  	[sflag:s26] =	ssyncadd.s32 $0xFFFFD800  }
0x18e: {  	_ =	swait.ge [sflag:s26], $0x2800  }
0x18f: {  	[sflag:s26] =	ssyncset.done $0x0  }
0x190: {  	[sflag:s26] =	ssyncadd.s32 $0xFFFFD800  }
0x191: {  	_ =	swait.ge [sflag:s26], $0x2800  }
0x192: {  	[sflag:s26] =	ssyncset.done $0x0  }
0x193: {  	[sflag:s26] =	ssyncadd.s32 $0xFFFFD800  }
0x194: {  	_ =	swait.ge [sflag:s26], $0x2800  }
0x195: {  	[sflag:s26] =	ssyncset.done $0x0  }
0x196: {  	[sflag:s26] =	ssyncadd.s32 $0xFFFFD800  }
0x197: {  	_ =	swait.ge [sflag:s26], $0x2800  }
0x198: {  	[sflag:s26] =	ssyncset.done $0x0  }
0x199: {  	[sflag:s26] =	ssyncadd.s32 $0xFFFFD800  }
0x19a: {  	_ =	swait.ge [sflag:s28], $0x2800  }
0x19b: {  	[sflag:s28] =	ssyncset.done $0x0  }
0x19c: {  	[sflag:s28] =	ssyncadd.s32 $0xFFFFD800  }
0x19d: {  	_ =	swait.ge [sflag:s28], $0x2800  }
0x19e: {  	[sflag:s28] =	ssyncset.done $0x0  }
0x19f: {  	[sflag:s28] =	ssyncadd.s32 $0xFFFFD800  }
0x1a0: {  	_ =	swait.ge [sflag:s28], $0x2800  }
0x1a1: {  	[sflag:s28] =	ssyncset.done $0x0  }
0x1a2: {  	[sflag:s28] =	ssyncadd.s32 $0xFFFFD800  }
0x1a3: {  	_ =	swait.ge [sflag:s28], $0x2800  }
0x1a4: {  	[sflag:s28] =	ssyncset.done $0x0  }
0x1a5: {  	[sflag:s28] =	ssyncadd.s32 $0xFFFFD800  }
0x1a6: {  	_ =	swait.ge [sflag:s28], $0x2800  }
0x1a7: {  	[sflag:s28] =	ssyncset.done $0x0  }
0x1a8: {  	[sflag:s28] =	ssyncadd.s32 $0xFFFFD800  }
0x1a9: {  	_ =	swait.ge [sflag:s28], $0x2800  }
0x1aa: {  	[sflag:s28] =	ssyncset.done $0x0  }
0x1ab: {  	[sflag:s28] =	ssyncadd.s32 $0xFFFFD800  }
0x1ac: {  	_ =	swait.ge [sflag:s28], $0x2800  }
0x1ad: {  	[sflag:s28] =	ssyncset.done $0x0  }
0x1ae: {  	[sflag:s28] =	ssyncadd.s32 $0xFFFFD800  }
0x1af: {  	_ =	swait.ge [sflag:s28], $0x2800  }
0x1b0: {  	[sflag:s28] =	ssyncset.done $0x0  }
0x1b1: {  	[sflag:s28] =	ssyncadd.s32 $0xFFFFD800  }
0x1b2: {  	_ =	swait.ge [sflag:s28], $0x2800  }
0x1b3: {  	[sflag:s28] =	ssyncset.done $0x0  }
0x1b4: {  	[sflag:s28] =	ssyncadd.s32 $0xFFFFD800  }
0x1b5: {  	_ =	swait.ge [sflag:s28], $0x2800  }
0x1b6: {  	[sflag:s28] =	ssyncset.done $0x0  }
0x1b7: {  	[sflag:s28] =	ssyncadd.s32 $0xFFFFD800  }
0x1b8: {  	_ =	swait.ge [sflag:s28], $0x2800  }
0x1b9: {  	[sflag:s28] =	ssyncset.done $0x0  }
0x1ba: {  	[sflag:s28] =	ssyncadd.s32 $0xFFFFD800  }
0x1bb: {  	_ =	swait.ge [sflag:s28], $0x2800  }
0x1bc: {  	[sflag:s28] =	ssyncset.done $0x0  }
0x1bd: {  	s0 =	simm.s32 $0x0;
	[sflag:s28] =	ssyncadd.s32 $0xFFFFD800  }
0x1be: {  	[hbm4b:s13+s0] =	stream.linear.scatter [tilespmem:s29], [sflag:$0x3], $0x2800, $0x38;
	[tilespmem:$0x1C880] =	vst v63  }
0x1bf: {  	_ =	swait.ge [sflag:s23], $0x2800  }
0x1c0: {  	[sflag:s23] =	ssyncset.done $0x0  }
0x1c1: {  	[sflag:s23] =	ssyncadd.s32 $0xFFFFD800  }
0x1c2: {  	[hbm4b:s14+s0] =	stream.linear.scatter [tilespmem:s30], [sflag:$0x3], $0x2800, $0x38;
	[tilespmem:$0x1C880] =	vst v63  }
0x1c3: {  	_ =	swait.ge [sflag:s23], $0x2800  }
0x1c4: {  	[sflag:s23] =	ssyncset.done $0x0  }
0x1c5: {  	s22 =	simm.s32 $0x200;
	s0 =	simm.s32 $0x0;
	[sflag:s23] =	ssyncadd.s32 $0xFFFFD800  }
.LBB2_10:
0x1c6: {  	p2 =	sne.s32 s22, $0x9E00;
	[tilespmem:s0+$0x1A0F0] =	vst v0  }
0x1c7: {  	[tilespmem:s0+$0x17880] =	vst v0  }
0x1c8: {  	[tilespmem:s0+$0x1A080] =	vst v0  }
0x1c9: {  	[tilespmem:s0+$0x17890] =	vst v0  }
0x1ca: {  	[tilespmem:s0+$0x1A090] =	vst v0  }
0x1cb: {  	[tilespmem:s0+$0x178A0] =	vst v0  }
0x1cc: {  	[tilespmem:s0+$0x1A0A0] =	vst v0  }
0x1cd: {  	[tilespmem:s0+$0x178B0] =	vst v0  }
0x1ce: {  	[tilespmem:s0+$0x1A0B0] =	vst v0  }
0x1cf: {  	[tilespmem:s0+$0x178C0] =	vst v0  }
0x1d0: {  	[tilespmem:s0+$0x1A0C0] =	vst v0  }
.Ltmp6:
0x1d1: {  	[tilespmem:s0+$0x178D0] =	vst v0;
	(pc) =	sbr.rel @p2 .LBB2_10-.Ltmp6, $4  }
0x1d2: {  	[tilespmem:s0+$0x1A0D0] =	vst v0  }
0x1d3: {  	[tilespmem:s0+$0x178E0] =	vst v0  }
0x1d4: {  	[tilespmem:s0+$0x1A0E0] =	vst v0  }
0x1d5: {  	[tilespmem:s0+$0x178F0] =	vst v0;
	s0 =	sshra.s32 s22, $0x2;
	s22 =	sadd.s32 $0x200, s22  }
0x1d6: {  	[tilespmem:s0+$0x1A0F0] =	vst v0  }
0x1d7: {  	[tilespmem:s0+$0x17880] =	vst v0  }
0x1d8: {  	[tilespmem:s0+$0x1A080] =	vst v0  }
0x1d9: {  	[tilespmem:s0+$0x17890] =	vst v0  }
0x1da: {  	[tilespmem:s0+$0x1A090] =	vst v0  }
0x1db: {  	[tilespmem:s0+$0x178A0] =	vst v0  }
0x1dc: {  	[tilespmem:s0+$0x1A0A0] =	vst v0  }
0x1dd: {  	[tilespmem:s0+$0x178B0] =	vst v0  }
0x1de: {  	[tilespmem:s0+$0x1A0B0] =	vst v0  }
0x1df: {  	[tilespmem:s0+$0x178C0] =	vst v0  }
0x1e0: {  	[tilespmem:s0+$0x1A0C0] =	vst v0  }
0x1e1: {  	[tilespmem:s0+$0x178D0] =	vst v0  }
0x1e2: {  	[tilespmem:s0+$0x1A0D0] =	vst v0  }
0x1e3: {  	[tilespmem:s0+$0x178E0] =	vst v0  }
0x1e4: {  	[tilespmem:s0+$0x1A0E0] =	vst v0;
	p2 =	por $0x0, $0x0;
	s22 =	simm.s32 $0x15880  }
0x1e5: {  	[tilespmem:s0+$0x178F0] =	vst v0;
	s24 =	simm.s32 $0x15900;
	s0 =	simm.s32 @p2 $0x50;
	s17 =	simm.s32 @p2 $0x1A080  }
0x1e6: {  	[tilespmem:s17], [sflag:$0x2] =	stream.indirect.gather.add.f32 @p2 [hbm:s1], $0x80, s22, s0, $0xb8;
	[tilespmem:$0x1C880] =	vst v63  }
0x1e7: {  	s25 =	simm.s32 @!p2 $0x50;
	s0 =	simm.s32 $0x1;
	s17 =	simm.s32 @!p2 $0x17880  }
.LBB2_12:
0x1e8: {  	[tilespmem:s17], [sflag:$0x1] =	stream.indirect.gather.add.f32 @!p2 [spmem:s3], $0x80, s22, s25, $0xb8;
	[tilespmem:$0x1C880] =	vst v63  }
0x1e9: {  	s17 =	smov.u32 s0;
	s0 =	sadd.s32 $0x1, s0  }
0x1ea: {  	p3 =	sne.s32 s0, $0x20  }
.Ltmp7:
0x1eb: {  	(pc) =	sbr.rel @p3 .LBB2_12-.Ltmp7, $4  }
0x1ec: {  	s22 =	smov.u32 s24;
	p2 =	sgt.u32 s17, $0x13  }
0x1ed: {  	s17 =	simm.s32 @p2 $0x50;
	s25 =	simm.s32 @p2 $0x1A080  }
0x1ee: {  	[tilespmem:s25], [sflag:$0x2] =	stream.indirect.gather.add.f32 @p2 [hbm:s1], $0x80, s24, s17, $0xb8;
	[tilespmem:$0x1C880] =	vst v63  }
0x1ef: {  	s25 =	simm.s32 @!p2 $0x50;
	s17 =	simm.s32 @!p2 $0x17880;
	s24 =	sadd.s32 $0x80, s24  }
0x1f0: {  	[tilespmem:s17], [sflag:$0x1] =	stream.indirect.gather.add.f32 @!p2 [spmem:s3], $0x80, s22, s25, $0xb8;
	[tilespmem:$0x1C880] =	vst v63  }
0x1f1: {  	_ =	swait.ge [sflag:s26], $0x2800  }
0x1f2: {  	[sflag:s26] =	ssyncset.done $0x0  }
0x1f3: {  	[sflag:s26] =	ssyncadd.s32 $0xFFFFD800  }
0x1f4: {  	_ =	swait.ge [sflag:s26], $0x2800  }
0x1f5: {  	[sflag:s26] =	ssyncset.done $0x0  }
0x1f6: {  	[sflag:s26] =	ssyncadd.s32 $0xFFFFD800  }
0x1f7: {  	_ =	swait.ge [sflag:s26], $0x2800  }
0x1f8: {  	[sflag:s26] =	ssyncset.done $0x0  }
0x1f9: {  	[sflag:s26] =	ssyncadd.s32 $0xFFFFD800  }
0x1fa: {  	_ =	swait.ge [sflag:s26], $0x2800  }
0x1fb: {  	[sflag:s26] =	ssyncset.done $0x0  }
0x1fc: {  	[sflag:s26] =	ssyncadd.s32 $0xFFFFD800  }
0x1fd: {  	_ =	swait.ge [sflag:s26], $0x2800  }
0x1fe: {  	[sflag:s26] =	ssyncset.done $0x0  }
0x1ff: {  	[sflag:s26] =	ssyncadd.s32 $0xFFFFD800  }
0x200: {  	_ =	swait.ge [sflag:s26], $0x2800  }
0x201: {  	[sflag:s26] =	ssyncset.done $0x0  }
0x202: {  	[sflag:s26] =	ssyncadd.s32 $0xFFFFD800  }
0x203: {  	_ =	swait.ge [sflag:s26], $0x2800  }
0x204: {  	[sflag:s26] =	ssyncset.done $0x0  }
0x205: {  	[sflag:s26] =	ssyncadd.s32 $0xFFFFD800  }
0x206: {  	_ =	swait.ge [sflag:s26], $0x2800  }
0x207: {  	[sflag:s26] =	ssyncset.done $0x0  }
0x208: {  	[sflag:s26] =	ssyncadd.s32 $0xFFFFD800  }
0x209: {  	_ =	swait.ge [sflag:s26], $0x2800  }
0x20a: {  	[sflag:s26] =	ssyncset.done $0x0  }
0x20b: {  	[sflag:s26] =	ssyncadd.s32 $0xFFFFD800  }
0x20c: {  	_ =	swait.ge [sflag:s26], $0x2800  }
0x20d: {  	[sflag:s26] =	ssyncset.done $0x0  }
0x20e: {  	[sflag:s26] =	ssyncadd.s32 $0xFFFFD800  }
0x20f: {  	_ =	swait.ge [sflag:s26], $0x2800  }
0x210: {  	[sflag:s26] =	ssyncset.done $0x0  }
0x211: {  	[sflag:s26] =	ssyncadd.s32 $0xFFFFD800  }
0x212: {  	_ =	swait.ge [sflag:s26], $0x2800  }
0x213: {  	[sflag:s26] =	ssyncset.done $0x0  }
0x214: {  	[sflag:s26] =	ssyncadd.s32 $0xFFFFD800  }
0x215: {  	_ =	swait.ge [sflag:s26], $0x2800  }
0x216: {  	[sflag:s26] =	ssyncset.done $0x0  }
0x217: {  	[sflag:s26] =	ssyncadd.s32 $0xFFFFD800  }
0x218: {  	_ =	swait.ge [sflag:s26], $0x2800  }
0x219: {  	[sflag:s26] =	ssyncset.done $0x0  }
0x21a: {  	[sflag:s26] =	ssyncadd.s32 $0xFFFFD800  }
0x21b: {  	_ =	swait.ge [sflag:s26], $0x2800  }
0x21c: {  	[sflag:s26] =	ssyncset.done $0x0  }
0x21d: {  	[sflag:s26] =	ssyncadd.s32 $0xFFFFD800  }
0x21e: {  	_ =	swait.ge [sflag:s26], $0x2800  }
0x21f: {  	[sflag:s26] =	ssyncset.done $0x0  }
0x220: {  	[sflag:s26] =	ssyncadd.s32 $0xFFFFD800  }
0x221: {  	_ =	swait.ge [sflag:s26], $0x2800  }
0x222: {  	[sflag:s26] =	ssyncset.done $0x0  }
0x223: {  	[sflag:s26] =	ssyncadd.s32 $0xFFFFD800  }
0x224: {  	_ =	swait.ge [sflag:s26], $0x2800  }
0x225: {  	[sflag:s26] =	ssyncset.done $0x0  }
0x226: {  	[sflag:s26] =	ssyncadd.s32 $0xFFFFD800  }
0x227: {  	_ =	swait.ge [sflag:s26], $0x2800  }
0x228: {  	[sflag:s26] =	ssyncset.done $0x0  }
0x229: {  	[sflag:s26] =	ssyncadd.s32 $0xFFFFD800  }
0x22a: {  	_ =	swait.ge [sflag:s26], $0x2800  }
0x22b: {  	[sflag:s26] =	ssyncset.done $0x0  }
0x22c: {  	[sflag:s26] =	ssyncadd.s32 $0xFFFFD800  }
0x22d: {  	_ =	swait.ge [sflag:s28], $0x2800  }
0x22e: {  	[sflag:s28] =	ssyncset.done $0x0  }
0x22f: {  	[sflag:s28] =	ssyncadd.s32 $0xFFFFD800  }
0x230: {  	_ =	swait.ge [sflag:s28], $0x2800  }
0x231: {  	[sflag:s28] =	ssyncset.done $0x0  }
0x232: {  	[sflag:s28] =	ssyncadd.s32 $0xFFFFD800  }
0x233: {  	_ =	swait.ge [sflag:s28], $0x2800  }
0x234: {  	[sflag:s28] =	ssyncset.done $0x0  }
0x235: {  	[sflag:s28] =	ssyncadd.s32 $0xFFFFD800  }
0x236: {  	_ =	swait.ge [sflag:s28], $0x2800  }
0x237: {  	[sflag:s28] =	ssyncset.done $0x0  }
0x238: {  	[sflag:s28] =	ssyncadd.s32 $0xFFFFD800  }
0x239: {  	_ =	swait.ge [sflag:s28], $0x2800  }
0x23a: {  	[sflag:s28] =	ssyncset.done $0x0  }
0x23b: {  	[sflag:s28] =	ssyncadd.s32 $0xFFFFD800  }
0x23c: {  	_ =	swait.ge [sflag:s28], $0x2800  }
0x23d: {  	[sflag:s28] =	ssyncset.done $0x0  }
0x23e: {  	[sflag:s28] =	ssyncadd.s32 $0xFFFFD800  }
0x23f: {  	_ =	swait.ge [sflag:s28], $0x2800  }
0x240: {  	[sflag:s28] =	ssyncset.done $0x0  }
0x241: {  	[sflag:s28] =	ssyncadd.s32 $0xFFFFD800  }
0x242: {  	_ =	swait.ge [sflag:s28], $0x2800  }
0x243: {  	[sflag:s28] =	ssyncset.done $0x0  }
0x244: {  	[sflag:s28] =	ssyncadd.s32 $0xFFFFD800  }
0x245: {  	_ =	swait.ge [sflag:s28], $0x2800  }
0x246: {  	[sflag:s28] =	ssyncset.done $0x0  }
0x247: {  	[sflag:s28] =	ssyncadd.s32 $0xFFFFD800  }
0x248: {  	_ =	swait.ge [sflag:s28], $0x2800  }
0x249: {  	[sflag:s28] =	ssyncset.done $0x0  }
0x24a: {  	[sflag:s28] =	ssyncadd.s32 $0xFFFFD800  }
0x24b: {  	_ =	swait.ge [sflag:s28], $0x2800  }
0x24c: {  	[sflag:s28] =	ssyncset.done $0x0  }
0x24d: {  	[sflag:s28] =	ssyncadd.s32 $0xFFFFD800  }
0x24e: {  	_ =	swait.ge [sflag:s28], $0x2800  }
0x24f: {  	[sflag:s28] =	ssyncset.done $0x0  }
0x250: {  	s22 =	simm.s32 $0x0;
	[sflag:s28] =	ssyncadd.s32 $0xFFFFD800  }
0x251: {  	[hbm4b:s15+s22] =	stream.linear.scatter [tilespmem:s29], [sflag:$0x3], $0x2800, $0x38;
	[tilespmem:$0x1C880] =	vst v63  }
0x252: {  	_ =	swait.ge [sflag:s23], $0x2800  }
0x253: {  	[sflag:s23] =	ssyncset.done $0x0  }
.Ltmp8:
0x254: {  	[sflag:s23] =	ssyncadd.s32 $0xFFFFD800;
	(pc) =	sbr.rel @p1 .LBB2_19-.Ltmp8, $4  }
0x255: {  	[hbm4b:s16+s22] =	stream.linear.scatter [tilespmem:s30], [sflag:$0x3], $0x2800, $0x38;
	[tilespmem:$0x1C880] =	vst v63  }
0x256: {  	_ =	swait.ge [sflag:s23], $0x2800  }
0x257: {  	[sflag:s23] =	ssyncset.done $0x0  }
0x258: {  	[sflag:s23] =	ssyncadd.s32 $0xFFFFD800  }
0x259: {  	s0 =	sshra.s32 s22, $0x2;
	s22 =	sadd.s32 $0x200, s22  }
.LBB2_15:
0x25a: {  	p2 =	sne.s32 s22, $0x9E00;
	[tilespmem:s0+$0x1A0F0] =	vst v0  }
0x25b: {  	[tilespmem:s0+$0x17880] =	vst v0  }
0x25c: {  	[tilespmem:s0+$0x1A080] =	vst v0  }
0x25d: {  	[tilespmem:s0+$0x17890] =	vst v0  }
0x25e: {  	[tilespmem:s0+$0x1A090] =	vst v0  }
0x25f: {  	[tilespmem:s0+$0x178A0] =	vst v0  }
0x260: {  	[tilespmem:s0+$0x1A0A0] =	vst v0  }
0x261: {  	[tilespmem:s0+$0x178B0] =	vst v0  }
0x262: {  	[tilespmem:s0+$0x1A0B0] =	vst v0  }
0x263: {  	[tilespmem:s0+$0x178C0] =	vst v0  }
0x264: {  	[tilespmem:s0+$0x1A0C0] =	vst v0  }
.Ltmp9:
0x265: {  	[tilespmem:s0+$0x178D0] =	vst v0;
	(pc) =	sbr.rel @p2 .LBB2_15-.Ltmp9, $4  }
0x266: {  	[tilespmem:s0+$0x1A0D0] =	vst v0  }
0x267: {  	[tilespmem:s0+$0x178E0] =	vst v0  }
0x268: {  	[tilespmem:s0+$0x1A0E0] =	vst v0  }
0x269: {  	[tilespmem:s0+$0x178F0] =	vst v0;
	s0 =	sshra.s32 s22, $0x2;
	s22 =	sadd.s32 $0x200, s22  }
0x26a: {  	[tilespmem:s0+$0x1A0F0] =	vst v0  }
0x26b: {  	[tilespmem:s0+$0x17880] =	vst v0  }
0x26c: {  	[tilespmem:s0+$0x1A080] =	vst v0  }
0x26d: {  	[tilespmem:s0+$0x17890] =	vst v0  }
0x26e: {  	[tilespmem:s0+$0x1A090] =	vst v0  }
0x26f: {  	[tilespmem:s0+$0x178A0] =	vst v0  }
0x270: {  	[tilespmem:s0+$0x1A0A0] =	vst v0  }
0x271: {  	[tilespmem:s0+$0x178B0] =	vst v0  }
0x272: {  	[tilespmem:s0+$0x1A0B0] =	vst v0  }
0x273: {  	[tilespmem:s0+$0x178C0] =	vst v0  }
0x274: {  	[tilespmem:s0+$0x1A0C0] =	vst v0  }
0x275: {  	[tilespmem:s0+$0x178D0] =	vst v0  }
0x276: {  	[tilespmem:s0+$0x1A0D0] =	vst v0  }
0x277: {  	[tilespmem:s0+$0x178E0] =	vst v0  }
0x278: {  	[tilespmem:s0+$0x1A0E0] =	vst v0;
	p2 =	por $0x0, $0x0;
	s22 =	simm.s32 $0x16880  }
0x279: {  	[tilespmem:s0+$0x178F0] =	vst v0;
	s24 =	simm.s32 $0x16900;
	s0 =	simm.s32 @p2 $0x50;
	s17 =	simm.s32 @p2 $0x1A080  }
0x27a: {  	[tilespmem:s17], [sflag:$0x2] =	stream.indirect.gather.add.f32 @p2 [hbm:s1], $0x80, s22, s0, $0xb8;
	[tilespmem:$0x1C880] =	vst v63  }
0x27b: {  	s25 =	simm.s32 @!p2 $0x50;
	s0 =	simm.s32 $0x1;
	s17 =	simm.s32 @!p2 $0x17880  }
.LBB2_17:
0x27c: {  	[tilespmem:s17], [sflag:$0x1] =	stream.indirect.gather.add.f32 @!p2 [spmem:s3], $0x80, s22, s25, $0xb8;
	[tilespmem:$0x1C880] =	vst v63  }
0x27d: {  	s17 =	smov.u32 s0;
	s0 =	sadd.s32 $0x1, s0  }
0x27e: {  	p3 =	sne.s32 s0, $0x20  }
.Ltmp10:
0x27f: {  	(pc) =	sbr.rel @p3 .LBB2_17-.Ltmp10, $4  }
0x280: {  	s22 =	smov.u32 s24;
	p2 =	sgt.u32 s17, $0x13  }
0x281: {  	s17 =	simm.s32 @p2 $0x50;
	s25 =	simm.s32 @p2 $0x1A080  }
0x282: {  	[tilespmem:s25], [sflag:$0x2] =	stream.indirect.gather.add.f32 @p2 [hbm:s1], $0x80, s24, s17, $0xb8;
	[tilespmem:$0x1C880] =	vst v63  }
0x283: {  	s25 =	simm.s32 @!p2 $0x50;
	s17 =	simm.s32 @!p2 $0x17880;
	s24 =	sadd.s32 $0x80, s24  }
.Ltmp11:
0x284: {  	_ = 	snop;
	(pc) =	sbr.rel .LBB2_18-.Ltmp11, $1  }
0x285: {  	_ =	sdelay $0x3  }
.LBB2_20:
0x286: {  	_ =	sfence.sel $0x180000  }
0x287: {  	[bflag:$0x0] =	sbarrier.arrive $0xFFFF  }
0x288: {  	_ =	strace $0x9000004A  }
0x289: {  	[bflag:$0x2] =	sbarrier.arrive $0xFFFF  }
0x28a: {  	p0 =	sne.s32 s2, $0x0;
	s0 =	rddreg [dreg:$0x3]  }
0x28b: {  	s0 =	sadd.s32 @!p0 $0x100000, s0  }
0x28c: {  	[sflag:s0] =	ssyncadd.tile.s32 @!p0 $0x1;
	_ =	shalt  }
.Lfunc_end2:
_tile_overlayer_lowered:
.L_overlay_start_2:
0x28d: {  	(tag) =	ssettag $0x2  }
0x28e: {  	s0 =	rddreg [dreg:$0x0];
	s2 =	stileid.u32  }
0x28f: {  	s1 =	rddreg [dreg:$0x1];
	p0 =	sne.s32 s2, $0x0  }
0x290: {  	s3 =	rddreg [dreg:$0x2];
	[bflag:$0x3] =	sbarrier.arrive $0xFFFF;
	s2 =	simm.s32 @!p0 $0x1C03  }
0x291: {  	[timem:s3], [sflag:s2] =	dma.local @!p0 [hbm:s0], s1  }
0x292: {  	s0 =	simm.s32 @!p0 $0x3  }
0x293: {  	_ =	swait.ge @!p0 [sflag:s0], s1  }
0x294: {  	s1 =	ssub.s32 @!p0 $0x0, s1;
	[sflag:s0] =	ssyncset.done @!p0 $0x0  }
0x295: {  	[sflag:s0] =	ssyncadd.s32 @!p0 s1  }
0x296: {  	[bflag:$0x3] =	sbarrier.arrive $0xFFFF  }
0x297: {  	_ =	shalt  }

</sc_bundles>
